<compile_context>
chip_gen: v7x
topology: tpu7x:2x2x1
jax: 0.10.2.dev20260603
libtpu: 0.0.44.dev20260713+nightly
codegen_flags: <defaults>
</compile_context>

<pallas_src>
import functools

import jax
import jax.numpy as jnp
from jax import lax
from jax.experimental import pallas as pl
from jax.experimental.pallas import tpu as pltpu
from jax.experimental.pallas import tpu_sc as plsc

SIGMA = 1.0
NUM_CORES = 2
NUM_SUBCORES = 16
NUM_WORKERS = NUM_CORES * NUM_SUBCORES
LANES = 16
FBLK = 128
NBUF = 12
RN = 4
PAD = 16


def _body(latent_dim, b_per_w, kf_hbm, ord_hbm, lat_hbm, mu_hbm,
          out_hbm, kf_s, ord_s, slabring, murring, res, sems, osems):
    wid = lax.axis_index("s") * NUM_CORES + lax.axis_index("c")
    base = wid * b_per_w
    lag = NBUF - 1

    pltpu.sync_copy(kf_hbm.at[pl.ds(base, b_per_w)],
                    kf_s.at[pl.ds(PAD, b_per_w)])
    pltpu.sync_copy(ord_hbm.at[pl.ds(base, b_per_w)],
                    ord_s.at[pl.ds(PAD, b_per_w)])

    def kf(b):
        return kf_s[pl.ds(b + PAD, LANES)][0]

    def ordv(b):
        return ord_s[pl.ds(b + PAD, LANES)][0]

    def sid(b):
        return kf(b) >> 10

    def fid(b):
        return kf(b) & 1023

    def key(b):
        return kf(b) >> 7

    def slab_src(b):
        off = pl.multiple_of((fid(b) // FBLK) * FBLK, FBLK)
        return lat_hbm.at[sid(b), :, pl.ds(off, FBLK)]

    def mu_src(b):
        return mu_hbm.at[sid(b), :]

    d_iota = lax.broadcasted_iota(jnp.int32, (LANES,), 0)
    one = jnp.int32(1)
    zero = jnp.int32(0)

    def wrap_inc(s):
        return jnp.where(s == NBUF - 1, 0, s + 1)

    def step(j, carry):
        slot_f, slot_e, pk_f, pk_e = carry

        key_j = key(j)
        new_f = jnp.where(
            j < b_per_w,
            jnp.where(j == 0, one, (key_j != pk_f).astype(jnp.int32)),
            zero)
        slot_f2 = jnp.where(new_f == 1, wrap_inc(slot_f), slot_f)
        pk_f2 = jnp.where(j < b_per_w, key_j, pk_f)

        @pl.when(new_f == 1)
        def _fire():
            for k in range(NBUF):
                @pl.when(slot_f2 == k)
                def _(k=k):
                    pltpu.async_copy(slab_src(j),
                                     slabring.at[pl.ds(k * latent_dim,
                                                       latent_dim), :],
                                     sems[k])
                    pltpu.async_copy(mu_src(j), murring.at[k], sems[k])

        e = j - lag
        key_e = key(e)
        new_e = jnp.where(
            j >= lag,
            jnp.where(e == 0, one, (key_e != pk_e).astype(jnp.int32)),
            zero)
        slot_e2 = jnp.where(new_e == 1, wrap_inc(slot_e), slot_e)
        pk_e2 = jnp.where(j >= lag, key_e, pk_e)

        @pl.when(j >= lag)
        def _consume():
            @pl.when(new_e == 1)
            def _wait():
                for k in range(NBUF):
                    @pl.when(slot_e2 == k)
                    def _(k=k):
                        pltpu.make_async_copy(
                            slab_src(e),
                            slabring.at[pl.ds(k * latent_dim,
                                              latent_dim), :],
                            sems[k]).wait()
                        pltpu.make_async_copy(mu_src(e), murring.at[k],
                                              sems[k]).wait()

            @pl.when(e >= RN)
            def _retire():
                for r in range(RN):
                    @pl.when(e % RN == r)
                    def _(r=r):
                        pltpu.make_async_copy(
                            res.at[r], out_hbm.at[ordv(e - RN), :],
                            osems[r]).wait()

            foff = fid(e) % FBLK
            row0 = slot_e2 * latent_dim
            col_idx = jnp.full((LANES,), foff, jnp.int32)
            for d0 in range(0, latent_dim, LANES):
                lat = plsc.load_gather(slabring,
                                       [row0 + d0 + d_iota, col_idx])
                mu = murring[slot_e2, pl.ds(d0, LANES)]
                res[e % RN, pl.ds(d0, LANES)] = mu + SIGMA * (lat - mu)

            for r in range(RN):
                @pl.when(e % RN == r)
                def _(r=r):
                    pltpu.async_copy(res.at[r], out_hbm.at[ordv(e), :],
                                     osems[r])

        return slot_f2, slot_e2, pk_f2, pk_e2

    lax.fori_loop(0, b_per_w + lag, step,
                  (jnp.int32(NBUF - 1), jnp.int32(NBUF - 1),
                   jnp.int32(-1), jnp.int32(-1)))

    def drain(e, _):
        for r in range(RN):
            @pl.when(e % RN == r)
            def _(r=r):
                pltpu.make_async_copy(res.at[r], out_hbm.at[ordv(e), :],
                                      osems[r]).wait()
        return 0

    lax.fori_loop(b_per_w - RN, b_per_w, drain, 0)


def kernel(style_ids, frame_ids, latents, style_latents_mu):
    style_num, frame_num, latent_dim = latents.shape
    batch = style_ids.shape[0]
    b_per_w = batch // NUM_WORKERS
    lat_t = jnp.transpose(latents, (0, 2, 1))

    kf = style_ids * 1024 + frame_ids
    kf_sorted, order = lax.sort_key_val(
        kf, jnp.arange(batch, dtype=jnp.int32))

    mesh = plsc.VectorSubcoreMesh(core_axis_name="c", subcore_axis_name="s",
                                  num_cores=NUM_CORES,
                                  num_subcores=NUM_SUBCORES)
    run = pl.kernel(
        functools.partial(_body, latent_dim, b_per_w),
        out_type=jax.ShapeDtypeStruct((batch, latent_dim), jnp.float32),
        mesh=mesh,
        scratch_types=[
            pltpu.VMEM((b_per_w + PAD + 64,), jnp.int32),
            pltpu.VMEM((b_per_w + PAD + 64,), jnp.int32),
            pltpu.VMEM((NBUF * latent_dim, FBLK), jnp.float32),
            pltpu.VMEM((NBUF, latent_dim), jnp.float32),
            pltpu.VMEM((RN, latent_dim), jnp.float32),
            [pltpu.SemaphoreType.DMA for _ in range(NBUF)],
            [pltpu.SemaphoreType.DMA for _ in range(RN)],
        ],
        compiler_params=pltpu.CompilerParams(needs_layout_passes=False),
    )
    return run(kf_sorted, order, lat_t, style_latents_mu)

# --- scband reference (transcript-rebuilt; emitter-appended) ---
"""Pipeline reference for scband-style-latents-variational-18519898980814 (READ-ONLY COPY).

The authoritative reference and input builder live on the scoring server;
editing this copy changes nothing except your own understanding.
"""

import jax, jax.numpy as jnp
import numpy as np

STYLE_NUM = 1000
FRAME_NUM = 1000
LATENT_DIM = 64
BATCH = 16384
SIGMA_SCALE = 1.0

def setup_inputs(seed: int = 0) -> dict:
    key = jax.random.key(seed)
    k1, k2, k3, k4 = jax.random.split(key, 4)
    style_ids = jax.random.randint(k1, (BATCH,), 0, STYLE_NUM, dtype=jnp.int64 if jax.config.jax_enable_x64 else jnp.int32).astype(jnp.int32)
    frame_ids = jax.random.randint(k2, (BATCH,), 0, FRAME_NUM, dtype=jnp.int32)
    latents = jax.random.normal(k3, (STYLE_NUM, FRAME_NUM, LATENT_DIM), dtype=jnp.float32)
    style_latents_mu = jax.random.normal(k4, (STYLE_NUM, LATENT_DIM), dtype=jnp.float32)
    return {
        "style_ids": style_ids,
        "frame_ids": frame_ids,
        "latents": latents,
        "style_latents_mu": style_latents_mu,
    }

def reference(style_ids, frame_ids, latents, style_latents_mu):
    frame_num = latents.shape[1]
    latent_dim = latents.shape[2]
    flat_ids = style_ids * frame_num + frame_ids
    lat = jnp.take(latents.reshape(-1, latent_dim), flat_ids, axis=0)
    mu = jnp.take(style_latents_mu, style_ids, axis=0)
    out = mu + SIGMA_SCALE * (lat - mu)
    return out

if __name__ == "__main__":
    import jax
    _d = setup_inputs()
    print(jax.jit(kernel)(*tuple(_d.values())))

</pallas_src>

<mosaic_0001>
#map = affine_map<(d0, d1) -> (0)>
#map1 = affine_map<(d0, d1) -> (0, 0, 0)>
#map2 = affine_map<(d0, d1) -> (0, 0)>
module attributes {stable_mosaic.version = 14 : i64} {
  func.func @_body(%arg0: i32, %arg1: i32, %arg2: memref<16384xi32, #tpu.memory_space<hbm>>, %arg3: memref<16384xi32, #tpu.memory_space<hbm>>, %arg4: memref<1000x64x1000xf32, #tpu.memory_space<hbm>>, %arg5: memref<1000x64xf32, #tpu.memory_space<hbm>>, %arg6: memref<16384x64xf32, #tpu.memory_space<hbm>>, %arg7: memref<592xi32, #tpu.memory_space<vmem>>, %arg8: memref<592xi32, #tpu.memory_space<vmem>>, %arg9: memref<768x128xf32, #tpu.memory_space<vmem>>, %arg10: memref<12x64xf32, #tpu.memory_space<vmem>>, %arg11: memref<4x64xf32, #tpu.memory_space<vmem>>, %arg12: memref<!tpu.dma_semaphore, #tpu.memory_space<semaphore_mem>>, %arg13: memref<!tpu.dma_semaphore, #tpu.memory_space<semaphore_mem>>, %arg14: memref<!tpu.dma_semaphore, #tpu.memory_space<semaphore_mem>>, %arg15: memref<!tpu.dma_semaphore, #tpu.memory_space<semaphore_mem>>, %arg16: memref<!tpu.dma_semaphore, #tpu.memory_space<semaphore_mem>>, %arg17: memref<!tpu.dma_semaphore, #tpu.memory_space<semaphore_mem>>, %arg18: memref<!tpu.dma_semaphore, #tpu.memory_space<semaphore_mem>>, %arg19: memref<!tpu.dma_semaphore, #tpu.memory_space<semaphore_mem>>, %arg20: memref<!tpu.dma_semaphore, #tpu.memory_space<semaphore_mem>>, %arg21: memref<!tpu.dma_semaphore, #tpu.memory_space<semaphore_mem>>, %arg22: memref<!tpu.dma_semaphore, #tpu.memory_space<semaphore_mem>>, %arg23: memref<!tpu.dma_semaphore, #tpu.memory_space<semaphore_mem>>, %arg24: memref<!tpu.dma_semaphore, #tpu.memory_space<semaphore_mem>>, %arg25: memref<!tpu.dma_semaphore, #tpu.memory_space<semaphore_mem>>, %arg26: memref<!tpu.dma_semaphore, #tpu.memory_space<semaphore_mem>>, %arg27: memref<!tpu.dma_semaphore, #tpu.memory_space<semaphore_mem>>) attributes {dimension_semantics = [#tpu.dimension_semantics<core_parallel>, #tpu.dimension_semantics<subcore_parallel>], iteration_bounds = array<i64: 2, 16>, scalar_prefetch = 0 : i64, scratch_operands = 21 : i64, tpu.core_type = #tpu.core_type<sc_vector_subcore>, window_params = [{transform_indices = #map}, {transform_indices = #map}, {transform_indices = #map1}, {transform_indices = #map2}, {transform_indices = #map2}]} {
    %mul3A = arith.constant 2 : i32
    %mul3A_0 = arith.muli %arg1, %mul3A : i32
    %add3A = arith.addi %mul3A_0, %arg0 : i32
    %mul3A_1 = arith.constant 512 : i32
    %mul3A_2 = arith.muli %add3A, %mul3A_1 : i32
    "tpu.region"() ({
      %run_scoped3A = tpu.sem_alloc : memref<!tpu.dma_semaphore, #tpu.memory_space<semaphore_mem>>
      %dma_start3A = arith.constant 16 : i32
      %dma_start3A_21 = tpu.memref_slice %arg7[%dma_start3A] : memref<592xi32, #tpu.memory_space<vmem>> -> memref<512xi32, #tpu.memory_space<vmem>>
      %dma_start3A_22 = tpu.memref_slice %arg2[%mul3A_2] : memref<16384xi32, #tpu.memory_space<hbm>> -> memref<512xi32, #tpu.memory_space<hbm>>
      %dma_start3A_23 = arith.constant 16 : i32
      %dma_start3A_24 = tpu.memref_slice %arg7[%dma_start3A_23] : memref<592xi32, #tpu.memory_space<vmem>> -> memref<512xi32, #tpu.memory_space<vmem>>
      %dma_start3A_25 = tpu.memref_slice %arg2[%mul3A_2] : memref<16384xi32, #tpu.memory_space<hbm>> -> memref<512xi32, #tpu.memory_space<hbm>>
      tpu.enqueue_dma source(%dma_start3A_25 : memref<512xi32, #tpu.memory_space<hbm>>) target(%dma_start3A_24 : memref<512xi32, #tpu.memory_space<vmem>>) target_semaphore(%run_scoped3A : memref<!tpu.dma_semaphore, #tpu.memory_space<semaphore_mem>>)
      %dma_wait3A = arith.constant 16 : i32
      %dma_wait3A_26 = tpu.memref_slice %arg7[%dma_wait3A] : memref<592xi32, #tpu.memory_space<vmem>> -> memref<512xi32, #tpu.memory_space<vmem>>
      %dma_wait3A_27 = tpu.memref_slice %arg2[%mul3A_2] : memref<16384xi32, #tpu.memory_space<hbm>> -> memref<512xi32, #tpu.memory_space<hbm>>
      %dma_wait3A_28 = arith.constant 16 : i32
      %dma_wait3A_29 = tpu.memref_slice %arg7[%dma_wait3A_28] : memref<592xi32, #tpu.memory_space<vmem>> -> memref<512xi32, #tpu.memory_space<vmem>>
      %dma_wait3A_30 = tpu.memref_slice %arg2[%mul3A_2] : memref<16384xi32, #tpu.memory_space<hbm>> -> memref<512xi32, #tpu.memory_space<hbm>>
      tpu.wait_dma2 semaphore(%run_scoped3A : memref<!tpu.dma_semaphore, #tpu.memory_space<semaphore_mem>>) src(%dma_wait3A_30 : memref<512xi32, #tpu.memory_space<hbm>>) dst(%dma_wait3A_29 : memref<512xi32, #tpu.memory_space<vmem>>)
      tpu.yield
    }) : () -> ()
    "tpu.region"() ({
      %run_scoped3A = tpu.sem_alloc : memref<!tpu.dma_semaphore, #tpu.memory_space<semaphore_mem>>
      %dma_start3A = arith.constant 16 : i32
      %dma_start3A_21 = tpu.memref_slice %arg8[%dma_start3A] : memref<592xi32, #tpu.memory_space<vmem>> -> memref<512xi32, #tpu.memory_space<vmem>>
      %dma_start3A_22 = tpu.memref_slice %arg3[%mul3A_2] : memref<16384xi32, #tpu.memory_space<hbm>> -> memref<512xi32, #tpu.memory_space<hbm>>
      %dma_start3A_23 = arith.constant 16 : i32
      %dma_start3A_24 = tpu.memref_slice %arg8[%dma_start3A_23] : memref<592xi32, #tpu.memory_space<vmem>> -> memref<512xi32, #tpu.memory_space<vmem>>
      %dma_start3A_25 = tpu.memref_slice %arg3[%mul3A_2] : memref<16384xi32, #tpu.memory_space<hbm>> -> memref<512xi32, #tpu.memory_space<hbm>>
      tpu.enqueue_dma source(%dma_start3A_25 : memref<512xi32, #tpu.memory_space<hbm>>) target(%dma_start3A_24 : memref<512xi32, #tpu.memory_space<vmem>>) target_semaphore(%run_scoped3A : memref<!tpu.dma_semaphore, #tpu.memory_space<semaphore_mem>>)
      %dma_wait3A = arith.constant 16 : i32
      %dma_wait3A_26 = tpu.memref_slice %arg8[%dma_wait3A] : memref<592xi32, #tpu.memory_space<vmem>> -> memref<512xi32, #tpu.memory_space<vmem>>
      %dma_wait3A_27 = tpu.memref_slice %arg3[%mul3A_2] : memref<16384xi32, #tpu.memory_space<hbm>> -> memref<512xi32, #tpu.memory_space<hbm>>
      %dma_wait3A_28 = arith.constant 16 : i32
      %dma_wait3A_29 = tpu.memref_slice %arg8[%dma_wait3A_28] : memref<592xi32, #tpu.memory_space<vmem>> -> memref<512xi32, #tpu.memory_space<vmem>>
      %dma_wait3A_30 = tpu.memref_slice %arg3[%mul3A_2] : memref<16384xi32, #tpu.memory_space<hbm>> -> memref<512xi32, #tpu.memory_space<hbm>>
      tpu.wait_dma2 semaphore(%run_scoped3A : memref<!tpu.dma_semaphore, #tpu.memory_space<semaphore_mem>>) src(%dma_wait3A_30 : memref<512xi32, #tpu.memory_space<hbm>>) dst(%dma_wait3A_29 : memref<512xi32, #tpu.memory_space<vmem>>)
      tpu.yield
    }) : () -> ()
    %iota3A = tpu.iota {dimensions = array<i32: 0>} : vector<16xi32>
    %scan3A = arith.constant 1 : i32
    %scan3A_3 = arith.constant 0 : i32
    %scan3A_4 = arith.constant 11 : i32
    %scan3A_5 = arith.constant 11 : i32
    %scan3A_6 = arith.constant -1 : i32
    %scan3A_7 = arith.constant -1 : i32
    %scan3A_8 = arith.constant 0 : i32
    %scan3A_9 = arith.constant 523 : i32
    %scan3A_10 = arith.addi %scan3A_8, %scan3A_9 : i32
    %scan3A_11 = arith.constant 1 : i32
    %scan3A_12:4 = scf.for %scan3A_21 = %scan3A_8 to %scan3A_10 step %scan3A_11 iter_args(%scan3A_22 = %scan3A_4, %scan3A_23 = %scan3A_5, %scan3A_24 = %scan3A_6, %scan3A_25 = %scan3A_7) -> (i32, i32, i32, i32)  : i32 {
      %add3A_26 = arith.constant 16 : i32
      %add3A_27 = arith.addi %scan3A_21, %add3A_26 : i32
      %get3A = arith.index_cast %add3A_27 : i32 to index
      %get3A_28 = tpu.vector_load %arg7[%get3A] {strides = array<i32>} : memref<592xi32, #tpu.memory_space<vmem>>, vector<16xi32>,
      %slice3A = vector.extract_strided_slice %get3A_28 {offsets = [0], sizes = [1], strides = [1]} : vector<16xi32> to vector<1xi32>
      %squeeze3A = vector.extract %slice3A[0] : i32 from vector<1xi32>
      %shift_right_arithmetic3A = arith.constant 7 : i32
      %shift_right_arithmetic3A_29 = arith.shrsi %squeeze3A, %shift_right_arithmetic3A : i32
      %lt3A = arith.constant 512 : i32
      %lt3A_30 = arith.cmpi slt, %scan3A_21, %lt3A : i32
      %eq3A = arith.constant 0 : i32
      %eq3A_31 = arith.cmpi eq, %scan3A_21, %eq3A : i32
      %ne3A = arith.cmpi ne, %shift_right_arithmetic3A_29, %scan3A_24 : i32
      %convert_element_type3A = arith.extui %ne3A : i1 to i32
      %select_n3A = arith.select %eq3A_31, %scan3A, %convert_element_type3A : i32
      %select_n3A_32 = arith.select %lt3A_30, %select_n3A, %scan3A_3 : i32
      %eq3A_33 = arith.constant 1 : i32
      %eq3A_34 = arith.cmpi eq, %select_n3A_32, %eq3A_33 : i32
      %eq3A_35 = arith.constant 11 : i32
      %eq3A_36 = arith.cmpi eq, %scan3A_22, %eq3A_35 : i32
      %add3A_37 = arith.constant 1 : i32
      %add3A_38 = arith.addi %scan3A_22, %add3A_37 : i32
      %jit3A = arith.constant 0 : i32
      %select_n3A_39 = arith.select %eq3A_36, %jit3A, %add3A_38 : i32
      %select_n3A_40 = arith.select %eq3A_34, %select_n3A_39, %scan3A_22 : i32
      %lt3A_41 = arith.constant 512 : i32
      %lt3A_42 = arith.cmpi slt, %scan3A_21, %lt3A_41 : i32
      %select_n3A_43 = arith.select %lt3A_42, %shift_right_arithmetic3A_29, %scan3A_24 : i32
      %eq3A_44 = arith.constant 1 : i32
      %eq3A_45 = arith.cmpi eq, %select_n3A_32, %eq3A_44 : i32
      %convert_element_type3A_46 = arith.extui %eq3A_45 : i1 to i32
      %cond3A = arith.constant 0 : i32
      %cond3A_47 = arith.cmpi ne, %convert_element_type3A_46, %cond3A : i32
      scf.if %cond3A_47 {
        %eq3A_81 = arith.constant 0 : i32
        %eq3A_82 = arith.cmpi eq, %select_n3A_40, %eq3A_81 : i32
        %convert_element_type3A_83 = arith.extui %eq3A_82 : i1 to i32
        %cond3A_84 = arith.constant 0 : i32
        %cond3A_85 = arith.cmpi ne, %convert_element_type3A_83, %cond3A_84 : i32
        scf.if %cond3A_85 {
          %add3A_141 = arith.constant 16 : i32
          %add3A_142 = arith.addi %scan3A_21, %add3A_141 : i32
          %get3A_143 = arith.index_cast %add3A_142 : i32 to index
          %get3A_144 = tpu.vector_load %arg7[%get3A_143] {strides = array<i32>} : memref<592xi32, #tpu.memory_space<vmem>>, vector<16xi32>,
          %slice3A_145 = vector.extract_strided_slice %get3A_144 {offsets = [0], sizes = [1], strides = [1]} : vector<16xi32> to vector<1xi32>
          %squeeze3A_146 = vector.extract %slice3A_145[0] : i32 from vector<1xi32>
          %and3A = arith.constant 1023 : i32
          %and3A_147 = arith.andi %squeeze3A_146, %and3A : i32
          %jit3A_148 = arith.constant 128 : i32
          %div3A = arith.divsi %and3A_147, %jit3A_148 : i32
          %sign3A = arith.constant 0 : i32
          %sign3A_149 = arith.cmpi sgt, %and3A_147, %sign3A : i32
          %sign3A_150 = arith.extui %sign3A_149 : i1 to i32
          %sign3A_151 = arith.constant 0 : i32
          %sign3A_152 = arith.cmpi slt, %and3A_147, %sign3A_151 : i32
          %sign3A_153 = arith.extui %sign3A_152 : i1 to i32
          %sign3A_154 = arith.subi %sign3A_150, %sign3A_153 : i32
          %sign3A_155 = arith.constant 0 : i32
          %sign3A_156 = arith.cmpi sgt, %jit3A_148, %sign3A_155 : i32
          %sign3A_157 = arith.extui %sign3A_156 : i1 to i32
          %sign3A_158 = arith.constant 0 : i32
          %sign3A_159 = arith.cmpi slt, %jit3A_148, %sign3A_158 : i32
          %sign3A_160 = arith.extui %sign3A_159 : i1 to i32
          %sign3A_161 = arith.subi %sign3A_157, %sign3A_160 : i32
          %ne3A_162 = arith.cmpi ne, %sign3A_154, %sign3A_161 : i32
          %rem3A = arith.remsi %and3A_147, %jit3A_148 : i32
          %ne3A_163 = arith.constant 0 : i32
          %ne3A_164 = arith.cmpi ne, %rem3A, %ne3A_163 : i32
          %and3A_165 = arith.andi %ne3A_162, %ne3A_164 : i1
          %sub3A_166 = arith.constant 1 : i32
          %sub3A_167 = arith.subi %div3A, %sub3A_166 : i32
          %select_n3A_168 = arith.select %and3A_165, %sub3A_167, %div3A : i32
          %mul3A_169 = arith.constant 128 : i32
          %mul3A_170 = arith.muli %select_n3A_168, %mul3A_169 : i32
          %multiple_of3A = tpu.assume_multiple %mul3A_170, 128 : i32
          %add3A_171 = arith.constant 16 : i32
          %add3A_172 = arith.addi %scan3A_21, %add3A_171 : i32
          %get3A_173 = arith.index_cast %add3A_172 : i32 to index
          %get3A_174 = tpu.vector_load %arg7[%get3A_173] {strides = array<i32>} : memref<592xi32, #tpu.memory_space<vmem>>, vector<16xi32>,
          %slice3A_175 = vector.extract_strided_slice %get3A_174 {offsets = [0], sizes = [1], strides = [1]} : vector<16xi32> to vector<1xi32>
          %squeeze3A_176 = vector.extract %slice3A_175[0] : i32 from vector<1xi32>
          %shift_right_arithmetic3A_177 = arith.constant 10 : i32
          %shift_right_arithmetic3A_178 = arith.shrsi %squeeze3A_176, %shift_right_arithmetic3A_177 : i32
          %dma_start3A = arith.constant 0 : i32
          %dma_start3A_179 = arith.constant 0 : i32
          %dma_start3A_180 = tpu.memref_slice %arg9[%dma_start3A, %dma_start3A_179] : memref<768x128xf32, #tpu.memory_space<vmem>> -> memref<64x128xf32, #tpu.memory_space<vmem>>
          %dma_start3A_181 = arith.constant 0 : i32
          %dma_start3A_182 = tpu.memref_slice %arg4[%shift_right_arithmetic3A_178, %dma_start3A_181, %multiple_of3A] : memref<1000x64x1000xf32, #tpu.memory_space<hbm>> -> memref<1x64x128xf32, #tpu.memory_space<hbm>>
          %dma_start3A_183 = tpu.memref_squeeze %dma_start3A_182 : memref<1x64x128xf32, #tpu.memory_space<hbm>> -> memref<64x128xf32, #tpu.memory_space<hbm>>
          %dma_start3A_184 = arith.constant 0 : i32
          %dma_start3A_185 = arith.constant 0 : i32
          %dma_start3A_186 = tpu.memref_slice %arg9[%dma_start3A_184, %dma_start3A_185] : memref<768x128xf32, #tpu.memory_space<vmem>> -> memref<64x128xf32, #tpu.memory_space<vmem>>
          %dma_start3A_187 = arith.constant 0 : i32
          %dma_start3A_188 = tpu.memref_slice %arg4[%shift_right_arithmetic3A_178, %dma_start3A_187, %multiple_of3A] : memref<1000x64x1000xf32, #tpu.memory_space<hbm>> -> memref<1x64x128xf32, #tpu.memory_space<hbm>>
          %dma_start3A_189 = tpu.memref_squeeze %dma_start3A_188 : memref<1x64x128xf32, #tpu.memory_space<hbm>> -> memref<64x128xf32, #tpu.memory_space<hbm>>
          tpu.enqueue_dma source(%dma_start3A_189 : memref<64x128xf32, #tpu.memory_space<hbm>>) target(%dma_start3A_186 : memref<64x128xf32, #tpu.memory_space<vmem>>) target_semaphore(%arg12 : memref<!tpu.dma_semaphore, #tpu.memory_space<semaphore_mem>>)
          %add3A_190 = arith.constant 16 : i32
          %add3A_191 = arith.addi %scan3A_21, %add3A_190 : i32
          %get3A_192 = arith.index_cast %add3A_191 : i32 to index
          %get3A_193 = tpu.vector_load %arg7[%get3A_192] {strides = array<i32>} : memref<592xi32, #tpu.memory_space<vmem>>, vector<16xi32>,
          %slice3A_194 = vector.extract_strided_slice %get3A_193 {offsets = [0], sizes = [1], strides = [1]} : vector<16xi32> to vector<1xi32>
          %squeeze3A_195 = vector.extract %slice3A_194[0] : i32 from vector<1xi32>
          %shift_right_arithmetic3A_196 = arith.constant 10 : i32
          %shift_right_arithmetic3A_197 = arith.shrsi %squeeze3A_195, %shift_right_arithmetic3A_196 : i32
          %dma_start3A_198 = arith.constant 0 : i32
          %dma_start3A_199 = arith.constant 0 : i32
          %dma_start3A_200 = tpu.memref_slice %arg10[%dma_start3A_198, %dma_start3A_199] : memref<12x64xf32, #tpu.memory_space<vmem>> -> memref<1x64xf32, #tpu.memory_space<vmem>>
          %dma_start3A_201 = tpu.memref_squeeze %dma_start3A_200 : memref<1x64xf32, #tpu.memory_space<vmem>> -> memref<64xf32, #tpu.memory_space<vmem>>
          %dma_start3A_202 = arith.constant 0 : i32
          %dma_start3A_203 = tpu.memref_slice %arg5[%shift_right_arithmetic3A_197, %dma_start3A_202] : memref<1000x64xf32, #tpu.memory_space<hbm>> -> memref<1x64xf32, #tpu.memory_space<hbm>>
          %dma_start3A_204 = tpu.memref_squeeze %dma_start3A_203 : memref<1x64xf32, #tpu.memory_space<hbm>> -> memref<64xf32, #tpu.memory_space<hbm>>
          %dma_start3A_205 = arith.constant 0 : i32
          %dma_start3A_206 = tpu.memref_slice %arg10[%dma_start3A_198, %dma_start3A_205] : memref<12x64xf32, #tpu.memory_space<vmem>> -> memref<1x64xf32, #tpu.memory_space<vmem>>
          %dma_start3A_207 = tpu.memref_squeeze %dma_start3A_206 : memref<1x64xf32, #tpu.memory_space<vmem>> -> memref<64xf32, #tpu.memory_space<vmem>>
          %dma_start3A_208 = arith.constant 0 : i32
          %dma_start3A_209 = tpu.memref_slice %arg5[%shift_right_arithmetic3A_197, %dma_start3A_208] : memref<1000x64xf32, #tpu.memory_space<hbm>> -> memref<1x64xf32, #tpu.memory_space<hbm>>
          %dma_start3A_210 = tpu.memref_squeeze %dma_start3A_209 : memref<1x64xf32, #tpu.memory_space<hbm>> -> memref<64xf32, #tpu.memory_space<hbm>>
          tpu.enqueue_dma source(%dma_start3A_210 : memref<64xf32, #tpu.memory_space<hbm>>) target(%dma_start3A_207 : memref<64xf32, #tpu.memory_space<vmem>>) target_semaphore(%arg12 : memref<!tpu.dma_semaphore, #tpu.memory_space<semaphore_mem>>)
        } else {
        }
        %eq3A_86 = arith.constant 1 : i32
        %eq3A_87 = arith.cmpi eq, %select_n3A_40, %eq3A_86 : i32
        %convert_element_type3A_88 = arith.extui %eq3A_87 : i1 to i32
        %cond3A_89 = arith.constant 0 : i32
        %cond3A_90 = arith.cmpi ne, %convert_element_type3A_88, %cond3A_89 : i32
        scf.if %cond3A_90 {
          %add3A_141 = arith.constant 16 : i32
          %add3A_142 = arith.addi %scan3A_21, %add3A_141 : i32
          %get3A_143 = arith.index_cast %add3A_142 : i32 to index
          %get3A_144 = tpu.vector_load %arg7[%get3A_143] {strides = array<i32>} : memref<592xi32, #tpu.memory_space<vmem>>, vector<16xi32>,
          %slice3A_145 = vector.extract_strided_slice %get3A_144 {offsets = [0], sizes = [1], strides = [1]} : vector<16xi32> to vector<1xi32>
          %squeeze3A_146 = vector.extract %slice3A_145[0] : i32 from vector<1xi32>
          %and3A = arith.constant 1023 : i32
          %and3A_147 = arith.andi %squeeze3A_146, %and3A : i32
          %jit3A_148 = arith.constant 128 : i32
          %div3A = arith.divsi %and3A_147, %jit3A_148 : i32
          %sign3A = arith.constant 0 : i32
          %sign3A_149 = arith.cmpi sgt, %and3A_147, %sign3A : i32
          %sign3A_150 = arith.extui %sign3A_149 : i1 to i32
          %sign3A_151 = arith.constant 0 : i32
          %sign3A_152 = arith.cmpi slt, %and3A_147, %sign3A_151 : i32
          %sign3A_153 = arith.extui %sign3A_152 : i1 to i32
          %sign3A_154 = arith.subi %sign3A_150, %sign3A_153 : i32
          %sign3A_155 = arith.constant 0 : i32
          %sign3A_156 = arith.cmpi sgt, %jit3A_148, %sign3A_155 : i32
          %sign3A_157 = arith.extui %sign3A_156 : i1 to i32
          %sign3A_158 = arith.constant 0 : i32
          %sign3A_159 = arith.cmpi slt, %jit3A_148, %sign3A_158 : i32
          %sign3A_160 = arith.extui %sign3A_159 : i1 to i32
          %sign3A_161 = arith.subi %sign3A_157, %sign3A_160 : i32
          %ne3A_162 = arith.cmpi ne, %sign3A_154, %sign3A_161 : i32
          %rem3A = arith.remsi %and3A_147, %jit3A_148 : i32
          %ne3A_163 = arith.constant 0 : i32
          %ne3A_164 = arith.cmpi ne, %rem3A, %ne3A_163 : i32
          %and3A_165 = arith.andi %ne3A_162, %ne3A_164 : i1
          %sub3A_166 = arith.constant 1 : i32
          %sub3A_167 = arith.subi %div3A, %sub3A_166 : i32
          %select_n3A_168 = arith.select %and3A_165, %sub3A_167, %div3A : i32
          %mul3A_169 = arith.constant 128 : i32
          %mul3A_170 = arith.muli %select_n3A_168, %mul3A_169 : i32
          %multiple_of3A = tpu.assume_multiple %mul3A_170, 128 : i32
          %add3A_171 = arith.constant 16 : i32
          %add3A_172 = arith.addi %scan3A_21, %add3A_171 : i32
          %get3A_173 = arith.index_cast %add3A_172 : i32 to index
          %get3A_174 = tpu.vector_load %arg7[%get3A_173] {strides = array<i32>} : memref<592xi32, #tpu.memory_space<vmem>>, vector<16xi32>,
          %slice3A_175 = vector.extract_strided_slice %get3A_174 {offsets = [0], sizes = [1], strides = [1]} : vector<16xi32> to vector<1xi32>
          %squeeze3A_176 = vector.extract %slice3A_175[0] : i32 from vector<1xi32>
          %shift_right_arithmetic3A_177 = arith.constant 10 : i32
          %shift_right_arithmetic3A_178 = arith.shrsi %squeeze3A_176, %shift_right_arithmetic3A_177 : i32
          %dma_start3A = arith.constant 64 : i32
          %dma_start3A_179 = arith.constant 0 : i32
          %dma_start3A_180 = tpu.memref_slice %arg9[%dma_start3A, %dma_start3A_179] : memref<768x128xf32, #tpu.memory_space<vmem>> -> memref<64x128xf32, #tpu.memory_space<vmem>>
          %dma_start3A_181 = arith.constant 0 : i32
          %dma_start3A_182 = tpu.memref_slice %arg4[%shift_right_arithmetic3A_178, %dma_start3A_181, %multiple_of3A] : memref<1000x64x1000xf32, #tpu.memory_space<hbm>> -> memref<1x64x128xf32, #tpu.memory_space<hbm>>
          %dma_start3A_183 = tpu.memref_squeeze %dma_start3A_182 : memref<1x64x128xf32, #tpu.memory_space<hbm>> -> memref<64x128xf32, #tpu.memory_space<hbm>>
          %dma_start3A_184 = arith.constant 64 : i32
          %dma_start3A_185 = arith.constant 0 : i32
          %dma_start3A_186 = tpu.memref_slice %arg9[%dma_start3A_184, %dma_start3A_185] : memref<768x128xf32, #tpu.memory_space<vmem>> -> memref<64x128xf32, #tpu.memory_space<vmem>>
          %dma_start3A_187 = arith.constant 0 : i32
          %dma_start3A_188 = tpu.memref_slice %arg4[%shift_right_arithmetic3A_178, %dma_start3A_187, %multiple_of3A] : memref<1000x64x1000xf32, #tpu.memory_space<hbm>> -> memref<1x64x128xf32, #tpu.memory_space<hbm>>
          %dma_start3A_189 = tpu.memref_squeeze %dma_start3A_188 : memref<1x64x128xf32, #tpu.memory_space<hbm>> -> memref<64x128xf32, #tpu.memory_space<hbm>>
          tpu.enqueue_dma source(%dma_start3A_189 : memref<64x128xf32, #tpu.memory_space<hbm>>) target(%dma_start3A_186 : memref<64x128xf32, #tpu.memory_space<vmem>>) target_semaphore(%arg13 : memref<!tpu.dma_semaphore, #tpu.memory_space<semaphore_mem>>)
          %add3A_190 = arith.constant 16 : i32
          %add3A_191 = arith.addi %scan3A_21, %add3A_190 : i32
          %get3A_192 = arith.index_cast %add3A_191 : i32 to index
          %get3A_193 = tpu.vector_load %arg7[%get3A_192] {strides = array<i32>} : memref<592xi32, #tpu.memory_space<vmem>>, vector<16xi32>,
          %slice3A_194 = vector.extract_strided_slice %get3A_193 {offsets = [0], sizes = [1], strides = [1]} : vector<16xi32> to vector<1xi32>
          %squeeze3A_195 = vector.extract %slice3A_194[0] : i32 from vector<1xi32>
          %shift_right_arithmetic3A_196 = arith.constant 10 : i32
          %shift_right_arithmetic3A_197 = arith.shrsi %squeeze3A_195, %shift_right_arithmetic3A_196 : i32
          %dma_start3A_198 = arith.constant 1 : i32
          %dma_start3A_199 = arith.constant 0 : i32
          %dma_start3A_200 = tpu.memref_slice %arg10[%dma_start3A_198, %dma_start3A_199] : memref<12x64xf32, #tpu.memory_space<vmem>> -> memref<1x64xf32, #tpu.memory_space<vmem>>
          %dma_start3A_201 = tpu.memref_squeeze %dma_start3A_200 : memref<1x64xf32, #tpu.memory_space<vmem>> -> memref<64xf32, #tpu.memory_space<vmem>>
          %dma_start3A_202 = arith.constant 0 : i32
          %dma_start3A_203 = tpu.memref_slice %arg5[%shift_right_arithmetic3A_197, %dma_start3A_202] : memref<1000x64xf32, #tpu.memory_space<hbm>> -> memref<1x64xf32, #tpu.memory_space<hbm>>
          %dma_start3A_204 = tpu.memref_squeeze %dma_start3A_203 : memref<1x64xf32, #tpu.memory_space<hbm>> -> memref<64xf32, #tpu.memory_space<hbm>>
          %dma_start3A_205 = arith.constant 0 : i32
          %dma_start3A_206 = tpu.memref_slice %arg10[%dma_start3A_198, %dma_start3A_205] : memref<12x64xf32, #tpu.memory_space<vmem>> -> memref<1x64xf32, #tpu.memory_space<vmem>>
          %dma_start3A_207 = tpu.memref_squeeze %dma_start3A_206 : memref<1x64xf32, #tpu.memory_space<vmem>> -> memref<64xf32, #tpu.memory_space<vmem>>
          %dma_start3A_208 = arith.constant 0 : i32
          %dma_start3A_209 = tpu.memref_slice %arg5[%shift_right_arithmetic3A_197, %dma_start3A_208] : memref<1000x64xf32, #tpu.memory_space<hbm>> -> memref<1x64xf32, #tpu.memory_space<hbm>>
          %dma_start3A_210 = tpu.memref_squeeze %dma_start3A_209 : memref<1x64xf32, #tpu.memory_space<hbm>> -> memref<64xf32, #tpu.memory_space<hbm>>
          tpu.enqueue_dma source(%dma_start3A_210 : memref<64xf32, #tpu.memory_space<hbm>>) target(%dma_start3A_207 : memref<64xf32, #tpu.memory_space<vmem>>) target_semaphore(%arg13 : memref<!tpu.dma_semaphore, #tpu.memory_space<semaphore_mem>>)
        } else {
        }
        %eq3A_91 = arith.constant 2 : i32
        %eq3A_92 = arith.cmpi eq, %select_n3A_40, %eq3A_91 : i32
        %convert_element_type3A_93 = arith.extui %eq3A_92 : i1 to i32
        %cond3A_94 = arith.constant 0 : i32
        %cond3A_95 = arith.cmpi ne, %convert_element_type3A_93, %cond3A_94 : i32
        scf.if %cond3A_95 {
          %add3A_141 = arith.constant 16 : i32
          %add3A_142 = arith.addi %scan3A_21, %add3A_141 : i32
          %get3A_143 = arith.index_cast %add3A_142 : i32 to index
          %get3A_144 = tpu.vector_load %arg7[%get3A_143] {strides = array<i32>} : memref<592xi32, #tpu.memory_space<vmem>>, vector<16xi32>,
          %slice3A_145 = vector.extract_strided_slice %get3A_144 {offsets = [0], sizes = [1], strides = [1]} : vector<16xi32> to vector<1xi32>
          %squeeze3A_146 = vector.extract %slice3A_145[0] : i32 from vector<1xi32>
          %and3A = arith.constant 1023 : i32
          %and3A_147 = arith.andi %squeeze3A_146, %and3A : i32
          %jit3A_148 = arith.constant 128 : i32
          %div3A = arith.divsi %and3A_147, %jit3A_148 : i32
          %sign3A = arith.constant 0 : i32
          %sign3A_149 = arith.cmpi sgt, %and3A_147, %sign3A : i32
          %sign3A_150 = arith.extui %sign3A_149 : i1 to i32
          %sign3A_151 = arith.constant 0 : i32
          %sign3A_152 = arith.cmpi slt, %and3A_147, %sign3A_151 : i32
          %sign3A_153 = arith.extui %sign3A_152 : i1 to i32
          %sign3A_154 = arith.subi %sign3A_150, %sign3A_153 : i32
          %sign3A_155 = arith.constant 0 : i32
          %sign3A_156 = arith.cmpi sgt, %jit3A_148, %sign3A_155 : i32
          %sign3A_157 = arith.extui %sign3A_156 : i1 to i32
          %sign3A_158 = arith.constant 0 : i32
          %sign3A_159 = arith.cmpi slt, %jit3A_148, %sign3A_158 : i32
          %sign3A_160 = arith.extui %sign3A_159 : i1 to i32
          %sign3A_161 = arith.subi %sign3A_157, %sign3A_160 : i32
          %ne3A_162 = arith.cmpi ne, %sign3A_154, %sign3A_161 : i32
          %rem3A = arith.remsi %and3A_147, %jit3A_148 : i32
          %ne3A_163 = arith.constant 0 : i32
          %ne3A_164 = arith.cmpi ne, %rem3A, %ne3A_163 : i32
          %and3A_165 = arith.andi %ne3A_162, %ne3A_164 : i1
          %sub3A_166 = arith.constant 1 : i32
          %sub3A_167 = arith.subi %div3A, %sub3A_166 : i32
          %select_n3A_168 = arith.select %and3A_165, %sub3A_167, %div3A : i32
          %mul3A_169 = arith.constant 128 : i32
          %mul3A_170 = arith.muli %select_n3A_168, %mul3A_169 : i32
          %multiple_of3A = tpu.assume_multiple %mul3A_170, 128 : i32
          %add3A_171 = arith.constant 16 : i32
          %add3A_172 = arith.addi %scan3A_21, %add3A_171 : i32
          %get3A_173 = arith.index_cast %add3A_172 : i32 to index
          %get3A_174 = tpu.vector_load %arg7[%get3A_173] {strides = array<i32>} : memref<592xi32, #tpu.memory_space<vmem>>, vector<16xi32>,
          %slice3A_175 = vector.extract_strided_slice %get3A_174 {offsets = [0], sizes = [1], strides = [1]} : vector<16xi32> to vector<1xi32>
          %squeeze3A_176 = vector.extract %slice3A_175[0] : i32 from vector<1xi32>
          %shift_right_arithmetic3A_177 = arith.constant 10 : i32
          %shift_right_arithmetic3A_178 = arith.shrsi %squeeze3A_176, %shift_right_arithmetic3A_177 : i32
          %dma_start3A = arith.constant 128 : i32
          %dma_start3A_179 = arith.constant 0 : i32
          %dma_start3A_180 = tpu.memref_slice %arg9[%dma_start3A, %dma_start3A_179] : memref<768x128xf32, #tpu.memory_space<vmem>> -> memref<64x128xf32, #tpu.memory_space<vmem>>
          %dma_start3A_181 = arith.constant 0 : i32
          %dma_start3A_182 = tpu.memref_slice %arg4[%shift_right_arithmetic3A_178, %dma_start3A_181, %multiple_of3A] : memref<1000x64x1000xf32, #tpu.memory_space<hbm>> -> memref<1x64x128xf32, #tpu.memory_space<hbm>>
          %dma_start3A_183 = tpu.memref_squeeze %dma_start3A_182 : memref<1x64x128xf32, #tpu.memory_space<hbm>> -> memref<64x128xf32, #tpu.memory_space<hbm>>
          %dma_start3A_184 = arith.constant 128 : i32
          %dma_start3A_185 = arith.constant 0 : i32
          %dma_start3A_186 = tpu.memref_slice %arg9[%dma_start3A_184, %dma_start3A_185] : memref<768x128xf32, #tpu.memory_space<vmem>> -> memref<64x128xf32, #tpu.memory_space<vmem>>
          %dma_start3A_187 = arith.constant 0 : i32
          %dma_start3A_188 = tpu.memref_slice %arg4[%shift_right_arithmetic3A_178, %dma_start3A_187, %multiple_of3A] : memref<1000x64x1000xf32, #tpu.memory_space<hbm>> -> memref<1x64x128xf32, #tpu.memory_space<hbm>>
          %dma_start3A_189 = tpu.memref_squeeze %dma_start3A_188 : memref<1x64x128xf32, #tpu.memory_space<hbm>> -> memref<64x128xf32, #tpu.memory_space<hbm>>
          tpu.enqueue_dma source(%dma_start3A_189 : memref<64x128xf32, #tpu.memory_space<hbm>>) target(%dma_start3A_186 : memref<64x128xf32, #tpu.memory_space<vmem>>) target_semaphore(%arg14 : memref<!tpu.dma_semaphore, #tpu.memory_space<semaphore_mem>>)
          %add3A_190 = arith.constant 16 : i32
          %add3A_191 = arith.addi %scan3A_21, %add3A_190 : i32
          %get3A_192 = arith.index_cast %add3A_191 : i32 to index
          %get3A_193 = tpu.vector_load %arg7[%get3A_192] {strides = array<i32>} : memref<592xi32, #tpu.memory_space<vmem>>, vector<16xi32>,
          %slice3A_194 = vector.extract_strided_slice %get3A_193 {offsets = [0], sizes = [1], strides = [1]} : vector<16xi32> to vector<1xi32>
          %squeeze3A_195 = vector.extract %slice3A_194[0] : i32 from vector<1xi32>
          %shift_right_arithmetic3A_196 = arith.constant 10 : i32
          %shift_right_arithmetic3A_197 = arith.shrsi %squeeze3A_195, %shift_right_arithmetic3A_196 : i32
          %dma_start3A_198 = arith.constant 2 : i32
          %dma_start3A_199 = arith.constant 0 : i32
          %dma_start3A_200 = tpu.memref_slice %arg10[%dma_start3A_198, %dma_start3A_199] : memref<12x64xf32, #tpu.memory_space<vmem>> -> memref<1x64xf32, #tpu.memory_space<vmem>>
          %dma_start3A_201 = tpu.memref_squeeze %dma_start3A_200 : memref<1x64xf32, #tpu.memory_space<vmem>> -> memref<64xf32, #tpu.memory_space<vmem>>
          %dma_start3A_202 = arith.constant 0 : i32
          %dma_start3A_203 = tpu.memref_slice %arg5[%shift_right_arithmetic3A_197, %dma_start3A_202] : memref<1000x64xf32, #tpu.memory_space<hbm>> -> memref<1x64xf32, #tpu.memory_space<hbm>>
          %dma_start3A_204 = tpu.memref_squeeze %dma_start3A_203 : memref<1x64xf32, #tpu.memory_space<hbm>> -> memref<64xf32, #tpu.memory_space<hbm>>
          %dma_start3A_205 = arith.constant 0 : i32
          %dma_start3A_206 = tpu.memref_slice %arg10[%dma_start3A_198, %dma_start3A_205] : memref<12x64xf32, #tpu.memory_space<vmem>> -> memref<1x64xf32, #tpu.memory_space<vmem>>
          %dma_start3A_207 = tpu.memref_squeeze %dma_start3A_206 : memref<1x64xf32, #tpu.memory_space<vmem>> -> memref<64xf32, #tpu.memory_space<vmem>>
          %dma_start3A_208 = arith.constant 0 : i32
          %dma_start3A_209 = tpu.memref_slice %arg5[%shift_right_arithmetic3A_197, %dma_start3A_208] : memref<1000x64xf32, #tpu.memory_space<hbm>> -> memref<1x64xf32, #tpu.memory_space<hbm>>
          %dma_start3A_210 = tpu.memref_squeeze %dma_start3A_209 : memref<1x64xf32, #tpu.memory_space<hbm>> -> memref<64xf32, #tpu.memory_space<hbm>>
          tpu.enqueue_dma source(%dma_start3A_210 : memref<64xf32, #tpu.memory_space<hbm>>) target(%dma_start3A_207 : memref<64xf32, #tpu.memory_space<vmem>>) target_semaphore(%arg14 : memref<!tpu.dma_semaphore, #tpu.memory_space<semaphore_mem>>)
        } else {
        }
        %eq3A_96 = arith.constant 3 : i32
        %eq3A_97 = arith.cmpi eq, %select_n3A_40, %eq3A_96 : i32
        %convert_element_type3A_98 = arith.extui %eq3A_97 : i1 to i32
        %cond3A_99 = arith.constant 0 : i32
        %cond3A_100 = arith.cmpi ne, %convert_element_type3A_98, %cond3A_99 : i32
        scf.if %cond3A_100 {
          %add3A_141 = arith.constant 16 : i32
          %add3A_142 = arith.addi %scan3A_21, %add3A_141 : i32
          %get3A_143 = arith.index_cast %add3A_142 : i32 to index
          %get3A_144 = tpu.vector_load %arg7[%get3A_143] {strides = array<i32>} : memref<592xi32, #tpu.memory_space<vmem>>, vector<16xi32>,
          %slice3A_145 = vector.extract_strided_slice %get3A_144 {offsets = [0], sizes = [1], strides = [1]} : vector<16xi32> to vector<1xi32>
          %squeeze3A_146 = vector.extract %slice3A_145[0] : i32 from vector<1xi32>
          %and3A = arith.constant 1023 : i32
          %and3A_147 = arith.andi %squeeze3A_146, %and3A : i32
          %jit3A_148 = arith.constant 128 : i32
          %div3A = arith.divsi %and3A_147, %jit3A_148 : i32
          %sign3A = arith.constant 0 : i32
          %sign3A_149 = arith.cmpi sgt, %and3A_147, %sign3A : i32
          %sign3A_150 = arith.extui %sign3A_149 : i1 to i32
          %sign3A_151 = arith.constant 0 : i32
          %sign3A_152 = arith.cmpi slt, %and3A_147, %sign3A_151 : i32
          %sign3A_153 = arith.extui %sign3A_152 : i1 to i32
          %sign3A_154 = arith.subi %sign3A_150, %sign3A_153 : i32
          %sign3A_155 = arith.constant 0 : i32
          %sign3A_156 = arith.cmpi sgt, %jit3A_148, %sign3A_155 : i32
          %sign3A_157 = arith.extui %sign3A_156 : i1 to i32
          %sign3A_158 = arith.constant 0 : i32
          %sign3A_159 = arith.cmpi slt, %jit3A_148, %sign3A_158 : i32
          %sign3A_160 = arith.extui %sign3A_159 : i1 to i32
          %sign3A_161 = arith.subi %sign3A_157, %sign3A_160 : i32
          %ne3A_162 = arith.cmpi ne, %sign3A_154, %sign3A_161 : i32
          %rem3A = arith.remsi %and3A_147, %jit3A_148 : i32
          %ne3A_163 = arith.constant 0 : i32
          %ne3A_164 = arith.cmpi ne, %rem3A, %ne3A_163 : i32
          %and3A_165 = arith.andi %ne3A_162, %ne3A_164 : i1
          %sub3A_166 = arith.constant 1 : i32
          %sub3A_167 = arith.subi %div3A, %sub3A_166 : i32
          %select_n3A_168 = arith.select %and3A_165, %sub3A_167, %div3A : i32
          %mul3A_169 = arith.constant 128 : i32
          %mul3A_170 = arith.muli %select_n3A_168, %mul3A_169 : i32
          %multiple_of3A = tpu.assume_multiple %mul3A_170, 128 : i32
          %add3A_171 = arith.constant 16 : i32
          %add3A_172 = arith.addi %scan3A_21, %add3A_171 : i32
          %get3A_173 = arith.index_cast %add3A_172 : i32 to index
          %get3A_174 = tpu.vector_load %arg7[%get3A_173] {strides = array<i32>} : memref<592xi32, #tpu.memory_space<vmem>>, vector<16xi32>,
          %slice3A_175 = vector.extract_strided_slice %get3A_174 {offsets = [0], sizes = [1], strides = [1]} : vector<16xi32> to vector<1xi32>
          %squeeze3A_176 = vector.extract %slice3A_175[0] : i32 from vector<1xi32>
          %shift_right_arithmetic3A_177 = arith.constant 10 : i32
          %shift_right_arithmetic3A_178 = arith.shrsi %squeeze3A_176, %shift_right_arithmetic3A_177 : i32
          %dma_start3A = arith.constant 192 : i32
          %dma_start3A_179 = arith.constant 0 : i32
          %dma_start3A_180 = tpu.memref_slice %arg9[%dma_start3A, %dma_start3A_179] : memref<768x128xf32, #tpu.memory_space<vmem>> -> memref<64x128xf32, #tpu.memory_space<vmem>>
          %dma_start3A_181 = arith.constant 0 : i32
          %dma_start3A_182 = tpu.memref_slice %arg4[%shift_right_arithmetic3A_178, %dma_start3A_181, %multiple_of3A] : memref<1000x64x1000xf32, #tpu.memory_space<hbm>> -> memref<1x64x128xf32, #tpu.memory_space<hbm>>
          %dma_start3A_183 = tpu.memref_squeeze %dma_start3A_182 : memref<1x64x128xf32, #tpu.memory_space<hbm>> -> memref<64x128xf32, #tpu.memory_space<hbm>>
          %dma_start3A_184 = arith.constant 192 : i32
          %dma_start3A_185 = arith.constant 0 : i32
          %dma_start3A_186 = tpu.memref_slice %arg9[%dma_start3A_184, %dma_start3A_185] : memref<768x128xf32, #tpu.memory_space<vmem>> -> memref<64x128xf32, #tpu.memory_space<vmem>>
          %dma_start3A_187 = arith.constant 0 : i32
          %dma_start3A_188 = tpu.memref_slice %arg4[%shift_right_arithmetic3A_178, %dma_start3A_187, %multiple_of3A] : memref<1000x64x1000xf32, #tpu.memory_space<hbm>> -> memref<1x64x128xf32, #tpu.memory_space<hbm>>
          %dma_start3A_189 = tpu.memref_squeeze %dma_start3A_188 : memref<1x64x128xf32, #tpu.memory_space<hbm>> -> memref<64x128xf32, #tpu.memory_space<hbm>>
          tpu.enqueue_dma source(%dma_start3A_189 : memref<64x128xf32, #tpu.memory_space<hbm>>) target(%dma_start3A_186 : memref<64x128xf32, #tpu.memory_space<vmem>>) target_semaphore(%arg15 : memref<!tpu.dma_semaphore, #tpu.memory_space<semaphore_mem>>)
          %add3A_190 = arith.constant 16 : i32
          %add3A_191 = arith.addi %scan3A_21, %add3A_190 : i32
          %get3A_192 = arith.index_cast %add3A_191 : i32 to index
          %get3A_193 = tpu.vector_load %arg7[%get3A_192] {strides = array<i32>} : memref<592xi32, #tpu.memory_space<vmem>>, vector<16xi32>,
          %slice3A_194 = vector.extract_strided_slice %get3A_193 {offsets = [0], sizes = [1], strides = [1]} : vector<16xi32> to vector<1xi32>
          %squeeze3A_195 = vector.extract %slice3A_194[0] : i32 from vector<1xi32>
          %shift_right_arithmetic3A_196 = arith.constant 10 : i32
          %shift_right_arithmetic3A_197 = arith.shrsi %squeeze3A_195, %shift_right_arithmetic3A_196 : i32
          %dma_start3A_198 = arith.constant 3 : i32
          %dma_start3A_199 = arith.constant 0 : i32
          %dma_start3A_200 = tpu.memref_slice %arg10[%dma_start3A_198, %dma_start3A_199] : memref<12x64xf32, #tpu.memory_space<vmem>> -> memref<1x64xf32, #tpu.memory_space<vmem>>
          %dma_start3A_201 = tpu.memref_squeeze %dma_start3A_200 : memref<1x64xf32, #tpu.memory_space<vmem>> -> memref<64xf32, #tpu.memory_space<vmem>>
          %dma_start3A_202 = arith.constant 0 : i32
          %dma_start3A_203 = tpu.memref_slice %arg5[%shift_right_arithmetic3A_197, %dma_start3A_202] : memref<1000x64xf32, #tpu.memory_space<hbm>> -> memref<1x64xf32, #tpu.memory_space<hbm>>
          %dma_start3A_204 = tpu.memref_squeeze %dma_start3A_203 : memref<1x64xf32, #tpu.memory_space<hbm>> -> memref<64xf32, #tpu.memory_space<hbm>>
          %dma_start3A_205 = arith.constant 0 : i32
          %dma_start3A_206 = tpu.memref_slice %arg10[%dma_start3A_198, %dma_start3A_205] : memref<12x64xf32, #tpu.memory_space<vmem>> -> memref<1x64xf32, #tpu.memory_space<vmem>>
          %dma_start3A_207 = tpu.memref_squeeze %dma_start3A_206 : memref<1x64xf32, #tpu.memory_space<vmem>> -> memref<64xf32, #tpu.memory_space<vmem>>
          %dma_start3A_208 = arith.constant 0 : i32
          %dma_start3A_209 = tpu.memref_slice %arg5[%shift_right_arithmetic3A_197, %dma_start3A_208] : memref<1000x64xf32, #tpu.memory_space<hbm>> -> memref<1x64xf32, #tpu.memory_space<hbm>>
          %dma_start3A_210 = tpu.memref_squeeze %dma_start3A_209 : memref<1x64xf32, #tpu.memory_space<hbm>> -> memref<64xf32, #tpu.memory_space<hbm>>
          tpu.enqueue_dma source(%dma_start3A_210 : memref<64xf32, #tpu.memory_space<hbm>>) target(%dma_start3A_207 : memref<64xf32, #tpu.memory_space<vmem>>) target_semaphore(%arg15 : memref<!tpu.dma_semaphore, #tpu.memory_space<semaphore_mem>>)
        } else {
        }
        %eq3A_101 = arith.constant 4 : i32
        %eq3A_102 = arith.cmpi eq, %select_n3A_40, %eq3A_101 : i32
        %convert_element_type3A_103 = arith.extui %eq3A_102 : i1 to i32
        %cond3A_104 = arith.constant 0 : i32
        %cond3A_105 = arith.cmpi ne, %convert_element_type3A_103, %cond3A_104 : i32
        scf.if %cond3A_105 {
          %add3A_141 = arith.constant 16 : i32
          %add3A_142 = arith.addi %scan3A_21, %add3A_141 : i32
          %get3A_143 = arith.index_cast %add3A_142 : i32 to index
          %get3A_144 = tpu.vector_load %arg7[%get3A_143] {strides = array<i32>} : memref<592xi32, #tpu.memory_space<vmem>>, vector<16xi32>,
          %slice3A_145 = vector.extract_strided_slice %get3A_144 {offsets = [0], sizes = [1], strides = [1]} : vector<16xi32> to vector<1xi32>
          %squeeze3A_146 = vector.extract %slice3A_145[0] : i32 from vector<1xi32>
          %and3A = arith.constant 1023 : i32
          %and3A_147 = arith.andi %squeeze3A_146, %and3A : i32
          %jit3A_148 = arith.constant 128 : i32
          %div3A = arith.divsi %and3A_147, %jit3A_148 : i32
          %sign3A = arith.constant 0 : i32
          %sign3A_149 = arith.cmpi sgt, %and3A_147, %sign3A : i32
          %sign3A_150 = arith.extui %sign3A_149 : i1 to i32
          %sign3A_151 = arith.constant 0 : i32
          %sign3A_152 = arith.cmpi slt, %and3A_147, %sign3A_151 : i32
          %sign3A_153 = arith.extui %sign3A_152 : i1 to i32
          %sign3A_154 = arith.subi %sign3A_150, %sign3A_153 : i32
          %sign3A_155 = arith.constant 0 : i32
          %sign3A_156 = arith.cmpi sgt, %jit3A_148, %sign3A_155 : i32
          %sign3A_157 = arith.extui %sign3A_156 : i1 to i32
          %sign3A_158 = arith.constant 0 : i32
          %sign3A_159 = arith.cmpi slt, %jit3A_148, %sign3A_158 : i32
          %sign3A_160 = arith.extui %sign3A_159 : i1 to i32
          %sign3A_161 = arith.subi %sign3A_157, %sign3A_160 : i32
          %ne3A_162 = arith.cmpi ne, %sign3A_154, %sign3A_161 : i32
          %rem3A = arith.remsi %and3A_147, %jit3A_148 : i32
          %ne3A_163 = arith.constant 0 : i32
          %ne3A_164 = arith.cmpi ne, %rem3A, %ne3A_163 : i32
          %and3A_165 = arith.andi %ne3A_162, %ne3A_164 : i1
          %sub3A_166 = arith.constant 1 : i32
          %sub3A_167 = arith.subi %div3A, %sub3A_166 : i32
          %select_n3A_168 = arith.select %and3A_165, %sub3A_167, %div3A : i32
          %mul3A_169 = arith.constant 128 : i32
          %mul3A_170 = arith.muli %select_n3A_168, %mul3A_169 : i32
          %multiple_of3A = tpu.assume_multiple %mul3A_170, 128 : i32
          %add3A_171 = arith.constant 16 : i32
          %add3A_172 = arith.addi %scan3A_21, %add3A_171 : i32
          %get3A_173 = arith.index_cast %add3A_172 : i32 to index
          %get3A_174 = tpu.vector_load %arg7[%get3A_173] {strides = array<i32>} : memref<592xi32, #tpu.memory_space<vmem>>, vector<16xi32>,
          %slice3A_175 = vector.extract_strided_slice %get3A_174 {offsets = [0], sizes = [1], strides = [1]} : vector<16xi32> to vector<1xi32>
          %squeeze3A_176 = vector.extract %slice3A_175[0] : i32 from vector<1xi32>
          %shift_right_arithmetic3A_177 = arith.constant 10 : i32
          %shift_right_arithmetic3A_178 = arith.shrsi %squeeze3A_176, %shift_right_arithmetic3A_177 : i32
          %dma_start3A = arith.constant 256 : i32
          %dma_start3A_179 = arith.constant 0 : i32
          %dma_start3A_180 = tpu.memref_slice %arg9[%dma_start3A, %dma_start3A_179] : memref<768x128xf32, #tpu.memory_space<vmem>> -> memref<64x128xf32, #tpu.memory_space<vmem>>
          %dma_start3A_181 = arith.constant 0 : i32
          %dma_start3A_182 = tpu.memref_slice %arg4[%shift_right_arithmetic3A_178, %dma_start3A_181, %multiple_of3A] : memref<1000x64x1000xf32, #tpu.memory_space<hbm>> -> memref<1x64x128xf32, #tpu.memory_space<hbm>>
          %dma_start3A_183 = tpu.memref_squeeze %dma_start3A_182 : memref<1x64x128xf32, #tpu.memory_space<hbm>> -> memref<64x128xf32, #tpu.memory_space<hbm>>
          %dma_start3A_184 = arith.constant 256 : i32
          %dma_start3A_185 = arith.constant 0 : i32
          %dma_start3A_186 = tpu.memref_slice %arg9[%dma_start3A_184, %dma_start3A_185] : memref<768x128xf32, #tpu.memory_space<vmem>> -> memref<64x128xf32, #tpu.memory_space<vmem>>
          %dma_start3A_187 = arith.constant 0 : i32
          %dma_start3A_188 = tpu.memref_slice %arg4[%shift_right_arithmetic3A_178, %dma_start3A_187, %multiple_of3A] : memref<1000x64x1000xf32, #tpu.memory_space<hbm>> -> memref<1x64x128xf32, #tpu.memory_space<hbm>>
          %dma_start3A_189 = tpu.memref_squeeze %dma_start3A_188 : memref<1x64x128xf32, #tpu.memory_space<hbm>> -> memref<64x128xf32, #tpu.memory_space<hbm>>
          tpu.enqueue_dma source(%dma_start3A_189 : memref<64x128xf32, #tpu.memory_space<hbm>>) target(%dma_start3A_186 : memref<64x128xf32, #tpu.memory_space<vmem>>) target_semaphore(%arg16 : memref<!tpu.dma_semaphore, #tpu.memory_space<semaphore_mem>>)
          %add3A_190 = arith.constant 16 : i32
          %add3A_191 = arith.addi %scan3A_21, %add3A_190 : i32
          %get3A_192 = arith.index_cast %add3A_191 : i32 to index
          %get3A_193 = tpu.vector_load %arg7[%get3A_192] {strides = array<i32>} : memref<592xi32, #tpu.memory_space<vmem>>, vector<16xi32>,
          %slice3A_194 = vector.extract_strided_slice %get3A_193 {offsets = [0], sizes = [1], strides = [1]} : vector<16xi32> to vector<1xi32>
          %squeeze3A_195 = vector.extract %slice3A_194[0] : i32 from vector<1xi32>
          %shift_right_arithmetic3A_196 = arith.constant 10 : i32
          %shift_right_arithmetic3A_197 = arith.shrsi %squeeze3A_195, %shift_right_arithmetic3A_196 : i32
          %dma_start3A_198 = arith.constant 4 : i32
          %dma_start3A_199 = arith.constant 0 : i32
          %dma_start3A_200 = tpu.memref_slice %arg10[%dma_start3A_198, %dma_start3A_199] : memref<12x64xf32, #tpu.memory_space<vmem>> -> memref<1x64xf32, #tpu.memory_space<vmem>>
          %dma_start3A_201 = tpu.memref_squeeze %dma_start3A_200 : memref<1x64xf32, #tpu.memory_space<vmem>> -> memref<64xf32, #tpu.memory_space<vmem>>
          %dma_start3A_202 = arith.constant 0 : i32
          %dma_start3A_203 = tpu.memref_slice %arg5[%shift_right_arithmetic3A_197, %dma_start3A_202] : memref<1000x64xf32, #tpu.memory_space<hbm>> -> memref<1x64xf32, #tpu.memory_space<hbm>>
          %dma_start3A_204 = tpu.memref_squeeze %dma_start3A_203 : memref<1x64xf32, #tpu.memory_space<hbm>> -> memref<64xf32, #tpu.memory_space<hbm>>
          %dma_start3A_205 = arith.constant 0 : i32
          %dma_start3A_206 = tpu.memref_slice %arg10[%dma_start3A_198, %dma_start3A_205] : memref<12x64xf32, #tpu.memory_space<vmem>> -> memref<1x64xf32, #tpu.memory_space<vmem>>
          %dma_start3A_207 = tpu.memref_squeeze %dma_start3A_206 : memref<1x64xf32, #tpu.memory_space<vmem>> -> memref<64xf32, #tpu.memory_space<vmem>>
          %dma_start3A_208 = arith.constant 0 : i32
          %dma_start3A_209 = tpu.memref_slice %arg5[%shift_right_arithmetic3A_197, %dma_start3A_208] : memref<1000x64xf32, #tpu.memory_space<hbm>> -> memref<1x64xf32, #tpu.memory_space<hbm>>
          %dma_start3A_210 = tpu.memref_squeeze %dma_start3A_209 : memref<1x64xf32, #tpu.memory_space<hbm>> -> memref<64xf32, #tpu.memory_space<hbm>>
          tpu.enqueue_dma source(%dma_start3A_210 : memref<64xf32, #tpu.memory_space<hbm>>) target(%dma_start3A_207 : memref<64xf32, #tpu.memory_space<vmem>>) target_semaphore(%arg16 : memref<!tpu.dma_semaphore, #tpu.memory_space<semaphore_mem>>)
        } else {
        }
        %eq3A_106 = arith.constant 5 : i32
        %eq3A_107 = arith.cmpi eq, %select_n3A_40, %eq3A_106 : i32
        %convert_element_type3A_108 = arith.extui %eq3A_107 : i1 to i32
        %cond3A_109 = arith.constant 0 : i32
        %cond3A_110 = arith.cmpi ne, %convert_element_type3A_108, %cond3A_109 : i32
        scf.if %cond3A_110 {
          %add3A_141 = arith.constant 16 : i32
          %add3A_142 = arith.addi %scan3A_21, %add3A_141 : i32
          %get3A_143 = arith.index_cast %add3A_142 : i32 to index
          %get3A_144 = tpu.vector_load %arg7[%get3A_143] {strides = array<i32>} : memref<592xi32, #tpu.memory_space<vmem>>, vector<16xi32>,
          %slice3A_145 = vector.extract_strided_slice %get3A_144 {offsets = [0], sizes = [1], strides = [1]} : vector<16xi32> to vector<1xi32>
          %squeeze3A_146 = vector.extract %slice3A_145[0] : i32 from vector<1xi32>
          %and3A = arith.constant 1023 : i32
          %and3A_147 = arith.andi %squeeze3A_146, %and3A : i32
          %jit3A_148 = arith.constant 128 : i32
          %div3A = arith.divsi %and3A_147, %jit3A_148 : i32
          %sign3A = arith.constant 0 : i32
          %sign3A_149 = arith.cmpi sgt, %and3A_147, %sign3A : i32
          %sign3A_150 = arith.extui %sign3A_149 : i1 to i32
          %sign3A_151 = arith.constant 0 : i32
          %sign3A_152 = arith.cmpi slt, %and3A_147, %sign3A_151 : i32
          %sign3A_153 = arith.extui %sign3A_152 : i1 to i32
          %sign3A_154 = arith.subi %sign3A_150, %sign3A_153 : i32
          %sign3A_155 = arith.constant 0 : i32
          %sign3A_156 = arith.cmpi sgt, %jit3A_148, %sign3A_155 : i32
          %sign3A_157 = arith.extui %sign3A_156 : i1 to i32
          %sign3A_158 = arith.constant 0 : i32
          %sign3A_159 = arith.cmpi slt, %jit3A_148, %sign3A_158 : i32
          %sign3A_160 = arith.extui %sign3A_159 : i1 to i32
          %sign3A_161 = arith.subi %sign3A_157, %sign3A_160 : i32
          %ne3A_162 = arith.cmpi ne, %sign3A_154, %sign3A_161 : i32
          %rem3A = arith.remsi %and3A_147, %jit3A_148 : i32
          %ne3A_163 = arith.constant 0 : i32
          %ne3A_164 = arith.cmpi ne, %rem3A, %ne3A_163 : i32
          %and3A_165 = arith.andi %ne3A_162, %ne3A_164 : i1
          %sub3A_166 = arith.constant 1 : i32
          %sub3A_167 = arith.subi %div3A, %sub3A_166 : i32
          %select_n3A_168 = arith.select %and3A_165, %sub3A_167, %div3A : i32
          %mul3A_169 = arith.constant 128 : i32
          %mul3A_170 = arith.muli %select_n3A_168, %mul3A_169 : i32
          %multiple_of3A = tpu.assume_multiple %mul3A_170, 128 : i32
          %add3A_171 = arith.constant 16 : i32
          %add3A_172 = arith.addi %scan3A_21, %add3A_171 : i32
          %get3A_173 = arith.index_cast %add3A_172 : i32 to index
          %get3A_174 = tpu.vector_load %arg7[%get3A_173] {strides = array<i32>} : memref<592xi32, #tpu.memory_space<vmem>>, vector<16xi32>,
          %slice3A_175 = vector.extract_strided_slice %get3A_174 {offsets = [0], sizes = [1], strides = [1]} : vector<16xi32> to vector<1xi32>
          %squeeze3A_176 = vector.extract %slice3A_175[0] : i32 from vector<1xi32>
          %shift_right_arithmetic3A_177 = arith.constant 10 : i32
          %shift_right_arithmetic3A_178 = arith.shrsi %squeeze3A_176, %shift_right_arithmetic3A_177 : i32
          %dma_start3A = arith.constant 320 : i32
          %dma_start3A_179 = arith.constant 0 : i32
          %dma_start3A_180 = tpu.memref_slice %arg9[%dma_start3A, %dma_start3A_179] : memref<768x128xf32, #tpu.memory_space<vmem>> -> memref<64x128xf32, #tpu.memory_space<vmem>>
          %dma_start3A_181 = arith.constant 0 : i32
          %dma_start3A_182 = tpu.memref_slice %arg4[%shift_right_arithmetic3A_178, %dma_start3A_181, %multiple_of3A] : memref<1000x64x1000xf32, #tpu.memory_space<hbm>> -> memref<1x64x128xf32, #tpu.memory_space<hbm>>
          %dma_start3A_183 = tpu.memref_squeeze %dma_start3A_182 : memref<1x64x128xf32, #tpu.memory_space<hbm>> -> memref<64x128xf32, #tpu.memory_space<hbm>>
          %dma_start3A_184 = arith.constant 320 : i32
          %dma_start3A_185 = arith.constant 0 : i32
          %dma_start3A_186 = tpu.memref_slice %arg9[%dma_start3A_184, %dma_start3A_185] : memref<768x128xf32, #tpu.memory_space<vmem>> -> memref<64x128xf32, #tpu.memory_space<vmem>>
          %dma_start3A_187 = arith.constant 0 : i32
          %dma_start3A_188 = tpu.memref_slice %arg4[%shift_right_arithmetic3A_178, %dma_start3A_187, %multiple_of3A] : memref<1000x64x1000xf32, #tpu.memory_space<hbm>> -> memref<1x64x128xf32, #tpu.memory_space<hbm>>
          %dma_start3A_189 = tpu.memref_squeeze %dma_start3A_188 : memref<1x64x128xf32, #tpu.memory_space<hbm>> -> memref<64x128xf32, #tpu.memory_space<hbm>>
          tpu.enqueue_dma source(%dma_start3A_189 : memref<64x128xf32, #tpu.memory_space<hbm>>) target(%dma_start3A_186 : memref<64x128xf32, #tpu.memory_space<vmem>>) target_semaphore(%arg17 : memref<!tpu.dma_semaphore, #tpu.memory_space<semaphore_mem>>)
          %add3A_190 = arith.constant 16 : i32
          %add3A_191 = arith.addi %scan3A_21, %add3A_190 : i32
          %get3A_192 = arith.index_cast %add3A_191 : i32 to index
          %get3A_193 = tpu.vector_load %arg7[%get3A_192] {strides = array<i32>} : memref<592xi32, #tpu.memory_space<vmem>>, vector<16xi32>,
          %slice3A_194 = vector.extract_strided_slice %get3A_193 {offsets = [0], sizes = [1], strides = [1]} : vector<16xi32> to vector<1xi32>
          %squeeze3A_195 = vector.extract %slice3A_194[0] : i32 from vector<1xi32>
          %shift_right_arithmetic3A_196 = arith.constant 10 : i32
          %shift_right_arithmetic3A_197 = arith.shrsi %squeeze3A_195, %shift_right_arithmetic3A_196 : i32
          %dma_start3A_198 = arith.constant 5 : i32
          %dma_start3A_199 = arith.constant 0 : i32
          %dma_start3A_200 = tpu.memref_slice %arg10[%dma_start3A_198, %dma_start3A_199] : memref<12x64xf32, #tpu.memory_space<vmem>> -> memref<1x64xf32, #tpu.memory_space<vmem>>
          %dma_start3A_201 = tpu.memref_squeeze %dma_start3A_200 : memref<1x64xf32, #tpu.memory_space<vmem>> -> memref<64xf32, #tpu.memory_space<vmem>>
          %dma_start3A_202 = arith.constant 0 : i32
          %dma_start3A_203 = tpu.memref_slice %arg5[%shift_right_arithmetic3A_197, %dma_start3A_202] : memref<1000x64xf32, #tpu.memory_space<hbm>> -> memref<1x64xf32, #tpu.memory_space<hbm>>
          %dma_start3A_204 = tpu.memref_squeeze %dma_start3A_203 : memref<1x64xf32, #tpu.memory_space<hbm>> -> memref<64xf32, #tpu.memory_space<hbm>>
          %dma_start3A_205 = arith.constant 0 : i32
          %dma_start3A_206 = tpu.memref_slice %arg10[%dma_start3A_198, %dma_start3A_205] : memref<12x64xf32, #tpu.memory_space<vmem>> -> memref<1x64xf32, #tpu.memory_space<vmem>>
          %dma_start3A_207 = tpu.memref_squeeze %dma_start3A_206 : memref<1x64xf32, #tpu.memory_space<vmem>> -> memref<64xf32, #tpu.memory_space<vmem>>
          %dma_start3A_208 = arith.constant 0 : i32
          %dma_start3A_209 = tpu.memref_slice %arg5[%shift_right_arithmetic3A_197, %dma_start3A_208] : memref<1000x64xf32, #tpu.memory_space<hbm>> -> memref<1x64xf32, #tpu.memory_space<hbm>>
          %dma_start3A_210 = tpu.memref_squeeze %dma_start3A_209 : memref<1x64xf32, #tpu.memory_space<hbm>> -> memref<64xf32, #tpu.memory_space<hbm>>
          tpu.enqueue_dma source(%dma_start3A_210 : memref<64xf32, #tpu.memory_space<hbm>>) target(%dma_start3A_207 : memref<64xf32, #tpu.memory_space<vmem>>) target_semaphore(%arg17 : memref<!tpu.dma_semaphore, #tpu.memory_space<semaphore_mem>>)
        } else {
        }
        %eq3A_111 = arith.constant 6 : i32
        %eq3A_112 = arith.cmpi eq, %select_n3A_40, %eq3A_111 : i32
        %convert_element_type3A_113 = arith.extui %eq3A_112 : i1 to i32
        %cond3A_114 = arith.constant 0 : i32
        %cond3A_115 = arith.cmpi ne, %convert_element_type3A_113, %cond3A_114 : i32
        scf.if %cond3A_115 {
          %add3A_141 = arith.constant 16 : i32
          %add3A_142 = arith.addi %scan3A_21, %add3A_141 : i32
          %get3A_143 = arith.index_cast %add3A_142 : i32 to index
          %get3A_144 = tpu.vector_load %arg7[%get3A_143] {strides = array<i32>} : memref<592xi32, #tpu.memory_space<vmem>>, vector<16xi32>,
          %slice3A_145 = vector.extract_strided_slice %get3A_144 {offsets = [0], sizes = [1], strides = [1]} : vector<16xi32> to vector<1xi32>
          %squeeze3A_146 = vector.extract %slice3A_145[0] : i32 from vector<1xi32>
          %and3A = arith.constant 1023 : i32
          %and3A_147 = arith.andi %squeeze3A_146, %and3A : i32
          %jit3A_148 = arith.constant 128 : i32
          %div3A = arith.divsi %and3A_147, %jit3A_148 : i32
          %sign3A = arith.constant 0 : i32
          %sign3A_149 = arith.cmpi sgt, %and3A_147, %sign3A : i32
          %sign3A_150 = arith.extui %sign3A_149 : i1 to i32
          %sign3A_151 = arith.constant 0 : i32
          %sign3A_152 = arith.cmpi slt, %and3A_147, %sign3A_151 : i32
          %sign3A_153 = arith.extui %sign3A_152 : i1 to i32
          %sign3A_154 = arith.subi %sign3A_150, %sign3A_153 : i32
          %sign3A_155 = arith.constant 0 : i32
          %sign3A_156 = arith.cmpi sgt, %jit3A_148, %sign3A_155 : i32
          %sign3A_157 = arith.extui %sign3A_156 : i1 to i32
          %sign3A_158 = arith.constant 0 : i32
          %sign3A_159 = arith.cmpi slt, %jit3A_148, %sign3A_158 : i32
          %sign3A_160 = arith.extui %sign3A_159 : i1 to i32
          %sign3A_161 = arith.subi %sign3A_157, %sign3A_160 : i32
          %ne3A_162 = arith.cmpi ne, %sign3A_154, %sign3A_161 : i32
          %rem3A = arith.remsi %and3A_147, %jit3A_148 : i32
          %ne3A_163 = arith.constant 0 : i32
          %ne3A_164 = arith.cmpi ne, %rem3A, %ne3A_163 : i32
          %and3A_165 = arith.andi %ne3A_162, %ne3A_164 : i1
          %sub3A_166 = arith.constant 1 : i32
          %sub3A_167 = arith.subi %div3A, %sub3A_166 : i32
          %select_n3A_168 = arith.select %and3A_165, %sub3A_167, %div3A : i32
          %mul3A_169 = arith.constant 128 : i32
          %mul3A_170 = arith.muli %select_n3A_168, %mul3A_169 : i32
          %multiple_of3A = tpu.assume_multiple %mul3A_170, 128 : i32
          %add3A_171 = arith.constant 16 : i32
          %add3A_172 = arith.addi %scan3A_21, %add3A_171 : i32
          %get3A_173 = arith.index_cast %add3A_172 : i32 to index
          %get3A_174 = tpu.vector_load %arg7[%get3A_173] {strides = array<i32>} : memref<592xi32, #tpu.memory_space<vmem>>, vector<16xi32>,
          %slice3A_175 = vector.extract_strided_slice %get3A_174 {offsets = [0], sizes = [1], strides = [1]} : vector<16xi32> to vector<1xi32>
          %squeeze3A_176 = vector.extract %slice3A_175[0] : i32 from vector<1xi32>
          %shift_right_arithmetic3A_177 = arith.constant 10 : i32
          %shift_right_arithmetic3A_178 = arith.shrsi %squeeze3A_176, %shift_right_arithmetic3A_177 : i32
          %dma_start3A = arith.constant 384 : i32
          %dma_start3A_179 = arith.constant 0 : i32
          %dma_start3A_180 = tpu.memref_slice %arg9[%dma_start3A, %dma_start3A_179] : memref<768x128xf32, #tpu.memory_space<vmem>> -> memref<64x128xf32, #tpu.memory_space<vmem>>
          %dma_start3A_181 = arith.constant 0 : i32
          %dma_start3A_182 = tpu.memref_slice %arg4[%shift_right_arithmetic3A_178, %dma_start3A_181, %multiple_of3A] : memref<1000x64x1000xf32, #tpu.memory_space<hbm>> -> memref<1x64x128xf32, #tpu.memory_space<hbm>>
          %dma_start3A_183 = tpu.memref_squeeze %dma_start3A_182 : memref<1x64x128xf32, #tpu.memory_space<hbm>> -> memref<64x128xf32, #tpu.memory_space<hbm>>
          %dma_start3A_184 = arith.constant 384 : i32
          %dma_start3A_185 = arith.constant 0 : i32
          %dma_start3A_186 = tpu.memref_slice %arg9[%dma_start3A_184, %dma_start3A_185] : memref<768x128xf32, #tpu.memory_space<vmem>> -> memref<64x128xf32, #tpu.memory_space<vmem>>
          %dma_start3A_187 = arith.constant 0 : i32
          %dma_start3A_188 = tpu.memref_slice %arg4[%shift_right_arithmetic3A_178, %dma_start3A_187, %multiple_of3A] : memref<1000x64x1000xf32, #tpu.memory_space<hbm>> -> memref<1x64x128xf32, #tpu.memory_space<hbm>>
          %dma_start3A_189 = tpu.memref_squeeze %dma_start3A_188 : memref<1x64x128xf32, #tpu.memory_space<hbm>> -> memref<64x128xf32, #tpu.memory_space<hbm>>
          tpu.enqueue_dma source(%dma_start3A_189 : memref<64x128xf32, #tpu.memory_space<hbm>>) target(%dma_start3A_186 : memref<64x128xf32, #tpu.memory_space<vmem>>) target_semaphore(%arg18 : memref<!tpu.dma_semaphore, #tpu.memory_space<semaphore_mem>>)
          %add3A_190 = arith.constant 16 : i32
          %add3A_191 = arith.addi %scan3A_21, %add3A_190 : i32
          %get3A_192 = arith.index_cast %add3A_191 : i32 to index
          %get3A_193 = tpu.vector_load %arg7[%get3A_192] {strides = array<i32>} : memref<592xi32, #tpu.memory_space<vmem>>, vector<16xi32>,
          %slice3A_194 = vector.extract_strided_slice %get3A_193 {offsets = [0], sizes = [1], strides = [1]} : vector<16xi32> to vector<1xi32>
          %squeeze3A_195 = vector.extract %slice3A_194[0] : i32 from vector<1xi32>
          %shift_right_arithmetic3A_196 = arith.constant 10 : i32
          %shift_right_arithmetic3A_197 = arith.shrsi %squeeze3A_195, %shift_right_arithmetic3A_196 : i32
          %dma_start3A_198 = arith.constant 6 : i32
          %dma_start3A_199 = arith.constant 0 : i32
          %dma_start3A_200 = tpu.memref_slice %arg10[%dma_start3A_198, %dma_start3A_199] : memref<12x64xf32, #tpu.memory_space<vmem>> -> memref<1x64xf32, #tpu.memory_space<vmem>>
          %dma_start3A_201 = tpu.memref_squeeze %dma_start3A_200 : memref<1x64xf32, #tpu.memory_space<vmem>> -> memref<64xf32, #tpu.memory_space<vmem>>
          %dma_start3A_202 = arith.constant 0 : i32
          %dma_start3A_203 = tpu.memref_slice %arg5[%shift_right_arithmetic3A_197, %dma_start3A_202] : memref<1000x64xf32, #tpu.memory_space<hbm>> -> memref<1x64xf32, #tpu.memory_space<hbm>>
          %dma_start3A_204 = tpu.memref_squeeze %dma_start3A_203 : memref<1x64xf32, #tpu.memory_space<hbm>> -> memref<64xf32, #tpu.memory_space<hbm>>
          %dma_start3A_205 = arith.constant 0 : i32
          %dma_start3A_206 = tpu.memref_slice %arg10[%dma_start3A_198, %dma_start3A_205] : memref<12x64xf32, #tpu.memory_space<vmem>> -> memref<1x64xf32, #tpu.memory_space<vmem>>
          %dma_start3A_207 = tpu.memref_squeeze %dma_start3A_206 : memref<1x64xf32, #tpu.memory_space<vmem>> -> memref<64xf32, #tpu.memory_space<vmem>>
          %dma_start3A_208 = arith.constant 0 : i32
          %dma_start3A_209 = tpu.memref_slice %arg5[%shift_right_arithmetic3A_197, %dma_start3A_208] : memref<1000x64xf32, #tpu.memory_space<hbm>> -> memref<1x64xf32, #tpu.memory_space<hbm>>
          %dma_start3A_210 = tpu.memref_squeeze %dma_start3A_209 : memref<1x64xf32, #tpu.memory_space<hbm>> -> memref<64xf32, #tpu.memory_space<hbm>>
          tpu.enqueue_dma source(%dma_start3A_210 : memref<64xf32, #tpu.memory_space<hbm>>) target(%dma_start3A_207 : memref<64xf32, #tpu.memory_space<vmem>>) target_semaphore(%arg18 : memref<!tpu.dma_semaphore, #tpu.memory_space<semaphore_mem>>)
        } else {
        }
        %eq3A_116 = arith.constant 7 : i32
        %eq3A_117 = arith.cmpi eq, %select_n3A_40, %eq3A_116 : i32
        %convert_element_type3A_118 = arith.extui %eq3A_117 : i1 to i32
        %cond3A_119 = arith.constant 0 : i32
        %cond3A_120 = arith.cmpi ne, %convert_element_type3A_118, %cond3A_119 : i32
        scf.if %cond3A_120 {
          %add3A_141 = arith.constant 16 : i32
          %add3A_142 = arith.addi %scan3A_21, %add3A_141 : i32
          %get3A_143 = arith.index_cast %add3A_142 : i32 to index
          %get3A_144 = tpu.vector_load %arg7[%get3A_143] {strides = array<i32>} : memref<592xi32, #tpu.memory_space<vmem>>, vector<16xi32>,
          %slice3A_145 = vector.extract_strided_slice %get3A_144 {offsets = [0], sizes = [1], strides = [1]} : vector<16xi32> to vector<1xi32>
          %squeeze3A_146 = vector.extract %slice3A_145[0] : i32 from vector<1xi32>
          %and3A = arith.constant 1023 : i32
          %and3A_147 = arith.andi %squeeze3A_146, %and3A : i32
          %jit3A_148 = arith.constant 128 : i32
          %div3A = arith.divsi %and3A_147, %jit3A_148 : i32
          %sign3A = arith.constant 0 : i32
          %sign3A_149 = arith.cmpi sgt, %and3A_147, %sign3A : i32
          %sign3A_150 = arith.extui %sign3A_149 : i1 to i32
          %sign3A_151 = arith.constant 0 : i32
          %sign3A_152 = arith.cmpi slt, %and3A_147, %sign3A_151 : i32
          %sign3A_153 = arith.extui %sign3A_152 : i1 to i32
          %sign3A_154 = arith.subi %sign3A_150, %sign3A_153 : i32
          %sign3A_155 = arith.constant 0 : i32
          %sign3A_156 = arith.cmpi sgt, %jit3A_148, %sign3A_155 : i32
          %sign3A_157 = arith.extui %sign3A_156 : i1 to i32
          %sign3A_158 = arith.constant 0 : i32
          %sign3A_159 = arith.cmpi slt, %jit3A_148, %sign3A_158 : i32
          %sign3A_160 = arith.extui %sign3A_159 : i1 to i32
          %sign3A_161 = arith.subi %sign3A_157, %sign3A_160 : i32
          %ne3A_162 = arith.cmpi ne, %sign3A_154, %sign3A_161 : i32
          %rem3A = arith.remsi %and3A_147, %jit3A_148 : i32
          %ne3A_163 = arith.constant 0 : i32
          %ne3A_164 = arith.cmpi ne, %rem3A, %ne3A_163 : i32
          %and3A_165 = arith.andi %ne3A_162, %ne3A_164 : i1
          %sub3A_166 = arith.constant 1 : i32
          %sub3A_167 = arith.subi %div3A, %sub3A_166 : i32
          %select_n3A_168 = arith.select %and3A_165, %sub3A_167, %div3A : i32
          %mul3A_169 = arith.constant 128 : i32
          %mul3A_170 = arith.muli %select_n3A_168, %mul3A_169 : i32
          %multiple_of3A = tpu.assume_multiple %mul3A_170, 128 : i32
          %add3A_171 = arith.constant 16 : i32
          %add3A_172 = arith.addi %scan3A_21, %add3A_171 : i32
          %get3A_173 = arith.index_cast %add3A_172 : i32 to index
          %get3A_174 = tpu.vector_load %arg7[%get3A_173] {strides = array<i32>} : memref<592xi32, #tpu.memory_space<vmem>>, vector<16xi32>,
          %slice3A_175 = vector.extract_strided_slice %get3A_174 {offsets = [0], sizes = [1], strides = [1]} : vector<16xi32> to vector<1xi32>
          %squeeze3A_176 = vector.extract %slice3A_175[0] : i32 from vector<1xi32>
          %shift_right_arithmetic3A_177 = arith.constant 10 : i32
          %shift_right_arithmetic3A_178 = arith.shrsi %squeeze3A_176, %shift_right_arithmetic3A_177 : i32
          %dma_start3A = arith.constant 448 : i32
          %dma_start3A_179 = arith.constant 0 : i32
          %dma_start3A_180 = tpu.memref_slice %arg9[%dma_start3A, %dma_start3A_179] : memref<768x128xf32, #tpu.memory_space<vmem>> -> memref<64x128xf32, #tpu.memory_space<vmem>>
          %dma_start3A_181 = arith.constant 0 : i32
          %dma_start3A_182 = tpu.memref_slice %arg4[%shift_right_arithmetic3A_178, %dma_start3A_181, %multiple_of3A] : memref<1000x64x1000xf32, #tpu.memory_space<hbm>> -> memref<1x64x128xf32, #tpu.memory_space<hbm>>
          %dma_start3A_183 = tpu.memref_squeeze %dma_start3A_182 : memref<1x64x128xf32, #tpu.memory_space<hbm>> -> memref<64x128xf32, #tpu.memory_space<hbm>>
          %dma_start3A_184 = arith.constant 448 : i32
          %dma_start3A_185 = arith.constant 0 : i32
          %dma_start3A_186 = tpu.memref_slice %arg9[%dma_start3A_184, %dma_start3A_185] : memref<768x128xf32, #tpu.memory_space<vmem>> -> memref<64x128xf32, #tpu.memory_space<vmem>>
          %dma_start3A_187 = arith.constant 0 : i32
          %dma_start3A_188 = tpu.memref_slice %arg4[%shift_right_arithmetic3A_178, %dma_start3A_187, %multiple_of3A] : memref<1000x64x1000xf32, #tpu.memory_space<hbm>> -> memref<1x64x128xf32, #tpu.memory_space<hbm>>
          %dma_start3A_189 = tpu.memref_squeeze %dma_start3A_188 : memref<1x64x128xf32, #tpu.memory_space<hbm>> -> memref<64x128xf32, #tpu.memory_space<hbm>>
          tpu.enqueue_dma source(%dma_start3A_189 : memref<64x128xf32, #tpu.memory_space<hbm>>) target(%dma_start3A_186 : memref<64x128xf32, #tpu.memory_space<vmem>>) target_semaphore(%arg19 : memref<!tpu.dma_semaphore, #tpu.memory_space<semaphore_mem>>)
          %add3A_190 = arith.constant 16 : i32
          %add3A_191 = arith.addi %scan3A_21, %add3A_190 : i32
          %get3A_192 = arith.index_cast %add3A_191 : i32 to index
          %get3A_193 = tpu.vector_load %arg7[%get3A_192] {strides = array<i32>} : memref<592xi32, #tpu.memory_space<vmem>>, vector<16xi32>,
          %slice3A_194 = vector.extract_strided_slice %get3A_193 {offsets = [0], sizes = [1], strides = [1]} : vector<16xi32> to vector<1xi32>
          %squeeze3A_195 = vector.extract %slice3A_194[0] : i32 from vector<1xi32>
          %shift_right_arithmetic3A_196 = arith.constant 10 : i32
          %shift_right_arithmetic3A_197 = arith.shrsi %squeeze3A_195, %shift_right_arithmetic3A_196 : i32
          %dma_start3A_198 = arith.constant 7 : i32
          %dma_start3A_199 = arith.constant 0 : i32
          %dma_start3A_200 = tpu.memref_slice %arg10[%dma_start3A_198, %dma_start3A_199] : memref<12x64xf32, #tpu.memory_space<vmem>> -> memref<1x64xf32, #tpu.memory_space<vmem>>
          %dma_start3A_201 = tpu.memref_squeeze %dma_start3A_200 : memref<1x64xf32, #tpu.memory_space<vmem>> -> memref<64xf32, #tpu.memory_space<vmem>>
          %dma_start3A_202 = arith.constant 0 : i32
          %dma_start3A_203 = tpu.memref_slice %arg5[%shift_right_arithmetic3A_197, %dma_start3A_202] : memref<1000x64xf32, #tpu.memory_space<hbm>> -> memref<1x64xf32, #tpu.memory_space<hbm>>
          %dma_start3A_204 = tpu.memref_squeeze %dma_start3A_203 : memref<1x64xf32, #tpu.memory_space<hbm>> -> memref<64xf32, #tpu.memory_space<hbm>>
          %dma_start3A_205 = arith.constant 0 : i32
          %dma_start3A_206 = tpu.memref_slice %arg10[%dma_start3A_198, %dma_start3A_205] : memref<12x64xf32, #tpu.memory_space<vmem>> -> memref<1x64xf32, #tpu.memory_space<vmem>>
          %dma_start3A_207 = tpu.memref_squeeze %dma_start3A_206 : memref<1x64xf32, #tpu.memory_space<vmem>> -> memref<64xf32, #tpu.memory_space<vmem>>
          %dma_start3A_208 = arith.constant 0 : i32
          %dma_start3A_209 = tpu.memref_slice %arg5[%shift_right_arithmetic3A_197, %dma_start3A_208] : memref<1000x64xf32, #tpu.memory_space<hbm>> -> memref<1x64xf32, #tpu.memory_space<hbm>>
          %dma_start3A_210 = tpu.memref_squeeze %dma_start3A_209 : memref<1x64xf32, #tpu.memory_space<hbm>> -> memref<64xf32, #tpu.memory_space<hbm>>
          tpu.enqueue_dma source(%dma_start3A_210 : memref<64xf32, #tpu.memory_space<hbm>>) target(%dma_start3A_207 : memref<64xf32, #tpu.memory_space<vmem>>) target_semaphore(%arg19 : memref<!tpu.dma_semaphore, #tpu.memory_space<semaphore_mem>>)
        } else {
        }
        %eq3A_121 = arith.constant 8 : i32
        %eq3A_122 = arith.cmpi eq, %select_n3A_40, %eq3A_121 : i32
        %convert_element_type3A_123 = arith.extui %eq3A_122 : i1 to i32
        %cond3A_124 = arith.constant 0 : i32
        %cond3A_125 = arith.cmpi ne, %convert_element_type3A_123, %cond3A_124 : i32
        scf.if %cond3A_125 {
          %add3A_141 = arith.constant 16 : i32
          %add3A_142 = arith.addi %scan3A_21, %add3A_141 : i32
          %get3A_143 = arith.index_cast %add3A_142 : i32 to index
          %get3A_144 = tpu.vector_load %arg7[%get3A_143] {strides = array<i32>} : memref<592xi32, #tpu.memory_space<vmem>>, vector<16xi32>,
          %slice3A_145 = vector.extract_strided_slice %get3A_144 {offsets = [0], sizes = [1], strides = [1]} : vector<16xi32> to vector<1xi32>
          %squeeze3A_146 = vector.extract %slice3A_145[0] : i32 from vector<1xi32>
          %and3A = arith.constant 1023 : i32
          %and3A_147 = arith.andi %squeeze3A_146, %and3A : i32
          %jit3A_148 = arith.constant 128 : i32
          %div3A = arith.divsi %and3A_147, %jit3A_148 : i32
          %sign3A = arith.constant 0 : i32
          %sign3A_149 = arith.cmpi sgt, %and3A_147, %sign3A : i32
          %sign3A_150 = arith.extui %sign3A_149 : i1 to i32
          %sign3A_151 = arith.constant 0 : i32
          %sign3A_152 = arith.cmpi slt, %and3A_147, %sign3A_151 : i32
          %sign3A_153 = arith.extui %sign3A_152 : i1 to i32
          %sign3A_154 = arith.subi %sign3A_150, %sign3A_153 : i32
          %sign3A_155 = arith.constant 0 : i32
          %sign3A_156 = arith.cmpi sgt, %jit3A_148, %sign3A_155 : i32
          %sign3A_157 = arith.extui %sign3A_156 : i1 to i32
          %sign3A_158 = arith.constant 0 : i32
          %sign3A_159 = arith.cmpi slt, %jit3A_148, %sign3A_158 : i32
          %sign3A_160 = arith.extui %sign3A_159 : i1 to i32
          %sign3A_161 = arith.subi %sign3A_157, %sign3A_160 : i32
          %ne3A_162 = arith.cmpi ne, %sign3A_154, %sign3A_161 : i32
          %rem3A = arith.remsi %and3A_147, %jit3A_148 : i32
          %ne3A_163 = arith.constant 0 : i32
          %ne3A_164 = arith.cmpi ne, %rem3A, %ne3A_163 : i32
          %and3A_165 = arith.andi %ne3A_162, %ne3A_164 : i1
          %sub3A_166 = arith.constant 1 : i32
          %sub3A_167 = arith.subi %div3A, %sub3A_166 : i32
          %select_n3A_168 = arith.select %and3A_165, %sub3A_167, %div3A : i32
          %mul3A_169 = arith.constant 128 : i32
          %mul3A_170 = arith.muli %select_n3A_168, %mul3A_169 : i32
          %multiple_of3A = tpu.assume_multiple %mul3A_170, 128 : i32
          %add3A_171 = arith.constant 16 : i32
          %add3A_172 = arith.addi %scan3A_21, %add3A_171 : i32
          %get3A_173 = arith.index_cast %add3A_172 : i32 to index
          %get3A_174 = tpu.vector_load %arg7[%get3A_173] {strides = array<i32>} : memref<592xi32, #tpu.memory_space<vmem>>, vector<16xi32>,
          %slice3A_175 = vector.extract_strided_slice %get3A_174 {offsets = [0], sizes = [1], strides = [1]} : vector<16xi32> to vector<1xi32>
          %squeeze3A_176 = vector.extract %slice3A_175[0] : i32 from vector<1xi32>
          %shift_right_arithmetic3A_177 = arith.constant 10 : i32
          %shift_right_arithmetic3A_178 = arith.shrsi %squeeze3A_176, %shift_right_arithmetic3A_177 : i32
          %dma_start3A = arith.constant 512 : i32
          %dma_start3A_179 = arith.constant 0 : i32
          %dma_start3A_180 = tpu.memref_slice %arg9[%dma_start3A, %dma_start3A_179] : memref<768x128xf32, #tpu.memory_space<vmem>> -> memref<64x128xf32, #tpu.memory_space<vmem>>
          %dma_start3A_181 = arith.constant 0 : i32
          %dma_start3A_182 = tpu.memref_slice %arg4[%shift_right_arithmetic3A_178, %dma_start3A_181, %multiple_of3A] : memref<1000x64x1000xf32, #tpu.memory_space<hbm>> -> memref<1x64x128xf32, #tpu.memory_space<hbm>>
          %dma_start3A_183 = tpu.memref_squeeze %dma_start3A_182 : memref<1x64x128xf32, #tpu.memory_space<hbm>> -> memref<64x128xf32, #tpu.memory_space<hbm>>
          %dma_start3A_184 = arith.constant 512 : i32
          %dma_start3A_185 = arith.constant 0 : i32
          %dma_start3A_186 = tpu.memref_slice %arg9[%dma_start3A_184, %dma_start3A_185] : memref<768x128xf32, #tpu.memory_space<vmem>> -> memref<64x128xf32, #tpu.memory_space<vmem>>
          %dma_start3A_187 = arith.constant 0 : i32
          %dma_start3A_188 = tpu.memref_slice %arg4[%shift_right_arithmetic3A_178, %dma_start3A_187, %multiple_of3A] : memref<1000x64x1000xf32, #tpu.memory_space<hbm>> -> memref<1x64x128xf32, #tpu.memory_space<hbm>>
          %dma_start3A_189 = tpu.memref_squeeze %dma_start3A_188 : memref<1x64x128xf32, #tpu.memory_space<hbm>> -> memref<64x128xf32, #tpu.memory_space<hbm>>
          tpu.enqueue_dma source(%dma_start3A_189 : memref<64x128xf32, #tpu.memory_space<hbm>>) target(%dma_start3A_186 : memref<64x128xf32, #tpu.memory_space<vmem>>) target_semaphore(%arg20 : memref<!tpu.dma_semaphore, #tpu.memory_space<semaphore_mem>>)
          %add3A_190 = arith.constant 16 : i32
          %add3A_191 = arith.addi %scan3A_21, %add3A_190 : i32
          %get3A_192 = arith.index_cast %add3A_191 : i32 to index
          %get3A_193 = tpu.vector_load %arg7[%get3A_192] {strides = array<i32>} : memref<592xi32, #tpu.memory_space<vmem>>, vector<16xi32>,
          %slice3A_194 = vector.extract_strided_slice %get3A_193 {offsets = [0], sizes = [1], strides = [1]} : vector<16xi32> to vector<1xi32>
          %squeeze3A_195 = vector.extract %slice3A_194[0] : i32 from vector<1xi32>
          %shift_right_arithmetic3A_196 = arith.constant 10 : i32
          %shift_right_arithmetic3A_197 = arith.shrsi %squeeze3A_195, %shift_right_arithmetic3A_196 : i32
          %dma_start3A_198 = arith.constant 8 : i32
          %dma_start3A_199 = arith.constant 0 : i32
          %dma_start3A_200 = tpu.memref_slice %arg10[%dma_start3A_198, %dma_start3A_199] : memref<12x64xf32, #tpu.memory_space<vmem>> -> memref<1x64xf32, #tpu.memory_space<vmem>>
          %dma_start3A_201 = tpu.memref_squeeze %dma_start3A_200 : memref<1x64xf32, #tpu.memory_space<vmem>> -> memref<64xf32, #tpu.memory_space<vmem>>
          %dma_start3A_202 = arith.constant 0 : i32
          %dma_start3A_203 = tpu.memref_slice %arg5[%shift_right_arithmetic3A_197, %dma_start3A_202] : memref<1000x64xf32, #tpu.memory_space<hbm>> -> memref<1x64xf32, #tpu.memory_space<hbm>>
          %dma_start3A_204 = tpu.memref_squeeze %dma_start3A_203 : memref<1x64xf32, #tpu.memory_space<hbm>> -> memref<64xf32, #tpu.memory_space<hbm>>
          %dma_start3A_205 = arith.constant 0 : i32
          %dma_start3A_206 = tpu.memref_slice %arg10[%dma_start3A_198, %dma_start3A_205] : memref<12x64xf32, #tpu.memory_space<vmem>> -> memref<1x64xf32, #tpu.memory_space<vmem>>
          %dma_start3A_207 = tpu.memref_squeeze %dma_start3A_206 : memref<1x64xf32, #tpu.memory_space<vmem>> -> memref<64xf32, #tpu.memory_space<vmem>>
          %dma_start3A_208 = arith.constant 0 : i32
          %dma_start3A_209 = tpu.memref_slice %arg5[%shift_right_arithmetic3A_197, %dma_start3A_208] : memref<1000x64xf32, #tpu.memory_space<hbm>> -> memref<1x64xf32, #tpu.memory_space<hbm>>
          %dma_start3A_210 = tpu.memref_squeeze %dma_start3A_209 : memref<1x64xf32, #tpu.memory_space<hbm>> -> memref<64xf32, #tpu.memory_space<hbm>>
          tpu.enqueue_dma source(%dma_start3A_210 : memref<64xf32, #tpu.memory_space<hbm>>) target(%dma_start3A_207 : memref<64xf32, #tpu.memory_space<vmem>>) target_semaphore(%arg20 : memref<!tpu.dma_semaphore, #tpu.memory_space<semaphore_mem>>)
        } else {
        }
        %eq3A_126 = arith.constant 9 : i32
        %eq3A_127 = arith.cmpi eq, %select_n3A_40, %eq3A_126 : i32
        %convert_element_type3A_128 = arith.extui %eq3A_127 : i1 to i32
        %cond3A_129 = arith.constant 0 : i32
        %cond3A_130 = arith.cmpi ne, %convert_element_type3A_128, %cond3A_129 : i32
        scf.if %cond3A_130 {
          %add3A_141 = arith.constant 16 : i32
          %add3A_142 = arith.addi %scan3A_21, %add3A_141 : i32
          %get3A_143 = arith.index_cast %add3A_142 : i32 to index
          %get3A_144 = tpu.vector_load %arg7[%get3A_143] {strides = array<i32>} : memref<592xi32, #tpu.memory_space<vmem>>, vector<16xi32>,
          %slice3A_145 = vector.extract_strided_slice %get3A_144 {offsets = [0], sizes = [1], strides = [1]} : vector<16xi32> to vector<1xi32>
          %squeeze3A_146 = vector.extract %slice3A_145[0] : i32 from vector<1xi32>
          %and3A = arith.constant 1023 : i32
          %and3A_147 = arith.andi %squeeze3A_146, %and3A : i32
          %jit3A_148 = arith.constant 128 : i32
          %div3A = arith.divsi %and3A_147, %jit3A_148 : i32
          %sign3A = arith.constant 0 : i32
          %sign3A_149 = arith.cmpi sgt, %and3A_147, %sign3A : i32
          %sign3A_150 = arith.extui %sign3A_149 : i1 to i32
          %sign3A_151 = arith.constant 0 : i32
          %sign3A_152 = arith.cmpi slt, %and3A_147, %sign3A_151 : i32
          %sign3A_153 = arith.extui %sign3A_152 : i1 to i32
          %sign3A_154 = arith.subi %sign3A_150, %sign3A_153 : i32
          %sign3A_155 = arith.constant 0 : i32
          %sign3A_156 = arith.cmpi sgt, %jit3A_148, %sign3A_155 : i32
          %sign3A_157 = arith.extui %sign3A_156 : i1 to i32
          %sign3A_158 = arith.constant 0 : i32
          %sign3A_159 = arith.cmpi slt, %jit3A_148, %sign3A_158 : i32
          %sign3A_160 = arith.extui %sign3A_159 : i1 to i32
          %sign3A_161 = arith.subi %sign3A_157, %sign3A_160 : i32
          %ne3A_162 = arith.cmpi ne, %sign3A_154, %sign3A_161 : i32
          %rem3A = arith.remsi %and3A_147, %jit3A_148 : i32
          %ne3A_163 = arith.constant 0 : i32
          %ne3A_164 = arith.cmpi ne, %rem3A, %ne3A_163 : i32
          %and3A_165 = arith.andi %ne3A_162, %ne3A_164 : i1
          %sub3A_166 = arith.constant 1 : i32
          %sub3A_167 = arith.subi %div3A, %sub3A_166 : i32
          %select_n3A_168 = arith.select %and3A_165, %sub3A_167, %div3A : i32
          %mul3A_169 = arith.constant 128 : i32
          %mul3A_170 = arith.muli %select_n3A_168, %mul3A_169 : i32
          %multiple_of3A = tpu.assume_multiple %mul3A_170, 128 : i32
          %add3A_171 = arith.constant 16 : i32
          %add3A_172 = arith.addi %scan3A_21, %add3A_171 : i32
          %get3A_173 = arith.index_cast %add3A_172 : i32 to index
          %get3A_174 = tpu.vector_load %arg7[%get3A_173] {strides = array<i32>} : memref<592xi32, #tpu.memory_space<vmem>>, vector<16xi32>,
          %slice3A_175 = vector.extract_strided_slice %get3A_174 {offsets = [0], sizes = [1], strides = [1]} : vector<16xi32> to vector<1xi32>
          %squeeze3A_176 = vector.extract %slice3A_175[0] : i32 from vector<1xi32>
          %shift_right_arithmetic3A_177 = arith.constant 10 : i32
          %shift_right_arithmetic3A_178 = arith.shrsi %squeeze3A_176, %shift_right_arithmetic3A_177 : i32
          %dma_start3A = arith.constant 576 : i32
          %dma_start3A_179 = arith.constant 0 : i32
          %dma_start3A_180 = tpu.memref_slice %arg9[%dma_start3A, %dma_start3A_179] : memref<768x128xf32, #tpu.memory_space<vmem>> -> memref<64x128xf32, #tpu.memory_space<vmem>>
          %dma_start3A_181 = arith.constant 0 : i32
          %dma_start3A_182 = tpu.memref_slice %arg4[%shift_right_arithmetic3A_178, %dma_start3A_181, %multiple_of3A] : memref<1000x64x1000xf32, #tpu.memory_space<hbm>> -> memref<1x64x128xf32, #tpu.memory_space<hbm>>
          %dma_start3A_183 = tpu.memref_squeeze %dma_start3A_182 : memref<1x64x128xf32, #tpu.memory_space<hbm>> -> memref<64x128xf32, #tpu.memory_space<hbm>>
          %dma_start3A_184 = arith.constant 576 : i32
          %dma_start3A_185 = arith.constant 0 : i32
          %dma_start3A_186 = tpu.memref_slice %arg9[%dma_start3A_184, %dma_start3A_185] : memref<768x128xf32, #tpu.memory_space<vmem>> -> memref<64x128xf32, #tpu.memory_space<vmem>>
          %dma_start3A_187 = arith.constant 0 : i32
          %dma_start3A_188 = tpu.memref_slice %arg4[%shift_right_arithmetic3A_178, %dma_start3A_187, %multiple_of3A] : memref<1000x64x1000xf32, #tpu.memory_space<hbm>> -> memref<1x64x128xf32, #tpu.memory_space<hbm>>
          %dma_start3A_189 = tpu.memref_squeeze %dma_start3A_188 : memref<1x64x128xf32, #tpu.memory_space<hbm>> -> memref<64x128xf32, #tpu.memory_space<hbm>>
          tpu.enqueue_dma source(%dma_start3A_189 : memref<64x128xf32, #tpu.memory_space<hbm>>) target(%dma_start3A_186 : memref<64x128xf32, #tpu.memory_space<vmem>>) target_semaphore(%arg21 : memref<!tpu.dma_semaphore, #tpu.memory_space<semaphore_mem>>)
          %add3A_190 = arith.constant 16 : i32
          %add3A_191 = arith.addi %scan3A_21, %add3A_190 : i32
          %get3A_192 = arith.index_cast %add3A_191 : i32 to index
          %get3A_193 = tpu.vector_load %arg7[%get3A_192] {strides = array<i32>} : memref<592xi32, #tpu.memory_space<vmem>>, vector<16xi32>,
          %slice3A_194 = vector.extract_strided_slice %get3A_193 {offsets = [0], sizes = [1], strides = [1]} : vector<16xi32> to vector<1xi32>
          %squeeze3A_195 = vector.extract %slice3A_194[0] : i32 from vector<1xi32>
          %shift_right_arithmetic3A_196 = arith.constant 10 : i32
          %shift_right_arithmetic3A_197 = arith.shrsi %squeeze3A_195, %shift_right_arithmetic3A_196 : i32
          %dma_start3A_198 = arith.constant 9 : i32
          %dma_start3A_199 = arith.constant 0 : i32
          %dma_start3A_200 = tpu.memref_slice %arg10[%dma_start3A_198, %dma_start3A_199] : memref<12x64xf32, #tpu.memory_space<vmem>> -> memref<1x64xf32, #tpu.memory_space<vmem>>
          %dma_start3A_201 = tpu.memref_squeeze %dma_start3A_200 : memref<1x64xf32, #tpu.memory_space<vmem>> -> memref<64xf32, #tpu.memory_space<vmem>>
          %dma_start3A_202 = arith.constant 0 : i32
          %dma_start3A_203 = tpu.memref_slice %arg5[%shift_right_arithmetic3A_197, %dma_start3A_202] : memref<1000x64xf32, #tpu.memory_space<hbm>> -> memref<1x64xf32, #tpu.memory_space<hbm>>
          %dma_start3A_204 = tpu.memref_squeeze %dma_start3A_203 : memref<1x64xf32, #tpu.memory_space<hbm>> -> memref<64xf32, #tpu.memory_space<hbm>>
          %dma_start3A_205 = arith.constant 0 : i32
          %dma_start3A_206 = tpu.memref_slice %arg10[%dma_start3A_198, %dma_start3A_205] : memref<12x64xf32, #tpu.memory_space<vmem>> -> memref<1x64xf32, #tpu.memory_space<vmem>>
          %dma_start3A_207 = tpu.memref_squeeze %dma_start3A_206 : memref<1x64xf32, #tpu.memory_space<vmem>> -> memref<64xf32, #tpu.memory_space<vmem>>
          %dma_start3A_208 = arith.constant 0 : i32
          %dma_start3A_209 = tpu.memref_slice %arg5[%shift_right_arithmetic3A_197, %dma_start3A_208] : memref<1000x64xf32, #tpu.memory_space<hbm>> -> memref<1x64xf32, #tpu.memory_space<hbm>>
          %dma_start3A_210 = tpu.memref_squeeze %dma_start3A_209 : memref<1x64xf32, #tpu.memory_space<hbm>> -> memref<64xf32, #tpu.memory_space<hbm>>
          tpu.enqueue_dma source(%dma_start3A_210 : memref<64xf32, #tpu.memory_space<hbm>>) target(%dma_start3A_207 : memref<64xf32, #tpu.memory_space<vmem>>) target_semaphore(%arg21 : memref<!tpu.dma_semaphore, #tpu.memory_space<semaphore_mem>>)
        } else {
        }
        %eq3A_131 = arith.constant 10 : i32
        %eq3A_132 = arith.cmpi eq, %select_n3A_40, %eq3A_131 : i32
        %convert_element_type3A_133 = arith.extui %eq3A_132 : i1 to i32
        %cond3A_134 = arith.constant 0 : i32
        %cond3A_135 = arith.cmpi ne, %convert_element_type3A_133, %cond3A_134 : i32
        scf.if %cond3A_135 {
          %add3A_141 = arith.constant 16 : i32
          %add3A_142 = arith.addi %scan3A_21, %add3A_141 : i32
          %get3A_143 = arith.index_cast %add3A_142 : i32 to index
          %get3A_144 = tpu.vector_load %arg7[%get3A_143] {strides = array<i32>} : memref<592xi32, #tpu.memory_space<vmem>>, vector<16xi32>,
          %slice3A_145 = vector.extract_strided_slice %get3A_144 {offsets = [0], sizes = [1], strides = [1]} : vector<16xi32> to vector<1xi32>
          %squeeze3A_146 = vector.extract %slice3A_145[0] : i32 from vector<1xi32>
          %and3A = arith.constant 1023 : i32
          %and3A_147 = arith.andi %squeeze3A_146, %and3A : i32
          %jit3A_148 = arith.constant 128 : i32
          %div3A = arith.divsi %and3A_147, %jit3A_148 : i32
          %sign3A = arith.constant 0 : i32
          %sign3A_149 = arith.cmpi sgt, %and3A_147, %sign3A : i32
          %sign3A_150 = arith.extui %sign3A_149 : i1 to i32
          %sign3A_151 = arith.constant 0 : i32
          %sign3A_152 = arith.cmpi slt, %and3A_147, %sign3A_151 : i32
          %sign3A_153 = arith.extui %sign3A_152 : i1 to i32
          %sign3A_154 = arith.subi %sign3A_150, %sign3A_153 : i32
          %sign3A_155 = arith.constant 0 : i32
          %sign3A_156 = arith.cmpi sgt, %jit3A_148, %sign3A_155 : i32
          %sign3A_157 = arith.extui %sign3A_156 : i1 to i32
          %sign3A_158 = arith.constant 0 : i32
          %sign3A_159 = arith.cmpi slt, %jit3A_148, %sign3A_158 : i32
          %sign3A_160 = arith.extui %sign3A_159 : i1 to i32
          %sign3A_161 = arith.subi %sign3A_157, %sign3A_160 : i32
          %ne3A_162 = arith.cmpi ne, %sign3A_154, %sign3A_161 : i32
          %rem3A = arith.remsi %and3A_147, %jit3A_148 : i32
          %ne3A_163 = arith.constant 0 : i32
          %ne3A_164 = arith.cmpi ne, %rem3A, %ne3A_163 : i32
          %and3A_165 = arith.andi %ne3A_162, %ne3A_164 : i1
          %sub3A_166 = arith.constant 1 : i32
          %sub3A_167 = arith.subi %div3A, %sub3A_166 : i32
          %select_n3A_168 = arith.select %and3A_165, %sub3A_167, %div3A : i32
          %mul3A_169 = arith.constant 128 : i32
          %mul3A_170 = arith.muli %select_n3A_168, %mul3A_169 : i32
          %multiple_of3A = tpu.assume_multiple %mul3A_170, 128 : i32
          %add3A_171 = arith.constant 16 : i32
          %add3A_172 = arith.addi %scan3A_21, %add3A_171 : i32
          %get3A_173 = arith.index_cast %add3A_172 : i32 to index
          %get3A_174 = tpu.vector_load %arg7[%get3A_173] {strides = array<i32>} : memref<592xi32, #tpu.memory_space<vmem>>, vector<16xi32>,
          %slice3A_175 = vector.extract_strided_slice %get3A_174 {offsets = [0], sizes = [1], strides = [1]} : vector<16xi32> to vector<1xi32>
          %squeeze3A_176 = vector.extract %slice3A_175[0] : i32 from vector<1xi32>
          %shift_right_arithmetic3A_177 = arith.constant 10 : i32
          %shift_right_arithmetic3A_178 = arith.shrsi %squeeze3A_176, %shift_right_arithmetic3A_177 : i32
          %dma_start3A = arith.constant 640 : i32
          %dma_start3A_179 = arith.constant 0 : i32
          %dma_start3A_180 = tpu.memref_slice %arg9[%dma_start3A, %dma_start3A_179] : memref<768x128xf32, #tpu.memory_space<vmem>> -> memref<64x128xf32, #tpu.memory_space<vmem>>
          %dma_start3A_181 = arith.constant 0 : i32
          %dma_start3A_182 = tpu.memref_slice %arg4[%shift_right_arithmetic3A_178, %dma_start3A_181, %multiple_of3A] : memref<1000x64x1000xf32, #tpu.memory_space<hbm>> -> memref<1x64x128xf32, #tpu.memory_space<hbm>>
          %dma_start3A_183 = tpu.memref_squeeze %dma_start3A_182 : memref<1x64x128xf32, #tpu.memory_space<hbm>> -> memref<64x128xf32, #tpu.memory_space<hbm>>
          %dma_start3A_184 = arith.constant 640 : i32
          %dma_start3A_185 = arith.constant 0 : i32
          %dma_start3A_186 = tpu.memref_slice %arg9[%dma_start3A_184, %dma_start3A_185] : memref<768x128xf32, #tpu.memory_space<vmem>> -> memref<64x128xf32, #tpu.memory_space<vmem>>
          %dma_start3A_187 = arith.constant 0 : i32
          %dma_start3A_188 = tpu.memref_slice %arg4[%shift_right_arithmetic3A_178, %dma_start3A_187, %multiple_of3A] : memref<1000x64x1000xf32, #tpu.memory_space<hbm>> -> memref<1x64x128xf32, #tpu.memory_space<hbm>>
          %dma_start3A_189 = tpu.memref_squeeze %dma_start3A_188 : memref<1x64x128xf32, #tpu.memory_space<hbm>> -> memref<64x128xf32, #tpu.memory_space<hbm>>
          tpu.enqueue_dma source(%dma_start3A_189 : memref<64x128xf32, #tpu.memory_space<hbm>>) target(%dma_start3A_186 : memref<64x128xf32, #tpu.memory_space<vmem>>) target_semaphore(%arg22 : memref<!tpu.dma_semaphore, #tpu.memory_space<semaphore_mem>>)
          %add3A_190 = arith.constant 16 : i32
          %add3A_191 = arith.addi %scan3A_21, %add3A_190 : i32
          %get3A_192 = arith.index_cast %add3A_191 : i32 to index
          %get3A_193 = tpu.vector_load %arg7[%get3A_192] {strides = array<i32>} : memref<592xi32, #tpu.memory_space<vmem>>, vector<16xi32>,
          %slice3A_194 = vector.extract_strided_slice %get3A_193 {offsets = [0], sizes = [1], strides = [1]} : vector<16xi32> to vector<1xi32>
          %squeeze3A_195 = vector.extract %slice3A_194[0] : i32 from vector<1xi32>
          %shift_right_arithmetic3A_196 = arith.constant 10 : i32
          %shift_right_arithmetic3A_197 = arith.shrsi %squeeze3A_195, %shift_right_arithmetic3A_196 : i32
          %dma_start3A_198 = arith.constant 10 : i32
          %dma_start3A_199 = arith.constant 0 : i32
          %dma_start3A_200 = tpu.memref_slice %arg10[%dma_start3A_198, %dma_start3A_199] : memref<12x64xf32, #tpu.memory_space<vmem>> -> memref<1x64xf32, #tpu.memory_space<vmem>>
          %dma_start3A_201 = tpu.memref_squeeze %dma_start3A_200 : memref<1x64xf32, #tpu.memory_space<vmem>> -> memref<64xf32, #tpu.memory_space<vmem>>
          %dma_start3A_202 = arith.constant 0 : i32
          %dma_start3A_203 = tpu.memref_slice %arg5[%shift_right_arithmetic3A_197, %dma_start3A_202] : memref<1000x64xf32, #tpu.memory_space<hbm>> -> memref<1x64xf32, #tpu.memory_space<hbm>>
          %dma_start3A_204 = tpu.memref_squeeze %dma_start3A_203 : memref<1x64xf32, #tpu.memory_space<hbm>> -> memref<64xf32, #tpu.memory_space<hbm>>
          %dma_start3A_205 = arith.constant 0 : i32
          %dma_start3A_206 = tpu.memref_slice %arg10[%dma_start3A_198, %dma_start3A_205] : memref<12x64xf32, #tpu.memory_space<vmem>> -> memref<1x64xf32, #tpu.memory_space<vmem>>
          %dma_start3A_207 = tpu.memref_squeeze %dma_start3A_206 : memref<1x64xf32, #tpu.memory_space<vmem>> -> memref<64xf32, #tpu.memory_space<vmem>>
          %dma_start3A_208 = arith.constant 0 : i32
          %dma_start3A_209 = tpu.memref_slice %arg5[%shift_right_arithmetic3A_197, %dma_start3A_208] : memref<1000x64xf32, #tpu.memory_space<hbm>> -> memref<1x64xf32, #tpu.memory_space<hbm>>
          %dma_start3A_210 = tpu.memref_squeeze %dma_start3A_209 : memref<1x64xf32, #tpu.memory_space<hbm>> -> memref<64xf32, #tpu.memory_space<hbm>>
          tpu.enqueue_dma source(%dma_start3A_210 : memref<64xf32, #tpu.memory_space<hbm>>) target(%dma_start3A_207 : memref<64xf32, #tpu.memory_space<vmem>>) target_semaphore(%arg22 : memref<!tpu.dma_semaphore, #tpu.memory_space<semaphore_mem>>)
        } else {
        }
        %eq3A_136 = arith.constant 11 : i32
        %eq3A_137 = arith.cmpi eq, %select_n3A_40, %eq3A_136 : i32
        %convert_element_type3A_138 = arith.extui %eq3A_137 : i1 to i32
        %cond3A_139 = arith.constant 0 : i32
        %cond3A_140 = arith.cmpi ne, %convert_element_type3A_138, %cond3A_139 : i32
        scf.if %cond3A_140 {
          %add3A_141 = arith.constant 16 : i32
          %add3A_142 = arith.addi %scan3A_21, %add3A_141 : i32
          %get3A_143 = arith.index_cast %add3A_142 : i32 to index
          %get3A_144 = tpu.vector_load %arg7[%get3A_143] {strides = array<i32>} : memref<592xi32, #tpu.memory_space<vmem>>, vector<16xi32>,
          %slice3A_145 = vector.extract_strided_slice %get3A_144 {offsets = [0], sizes = [1], strides = [1]} : vector<16xi32> to vector<1xi32>
          %squeeze3A_146 = vector.extract %slice3A_145[0] : i32 from vector<1xi32>
          %and3A = arith.constant 1023 : i32
          %and3A_147 = arith.andi %squeeze3A_146, %and3A : i32
          %jit3A_148 = arith.constant 128 : i32
          %div3A = arith.divsi %and3A_147, %jit3A_148 : i32
          %sign3A = arith.constant 0 : i32
          %sign3A_149 = arith.cmpi sgt, %and3A_147, %sign3A : i32
          %sign3A_150 = arith.extui %sign3A_149 : i1 to i32
          %sign3A_151 = arith.constant 0 : i32
          %sign3A_152 = arith.cmpi slt, %and3A_147, %sign3A_151 : i32
          %sign3A_153 = arith.extui %sign3A_152 : i1 to i32
          %sign3A_154 = arith.subi %sign3A_150, %sign3A_153 : i32
          %sign3A_155 = arith.constant 0 : i32
          %sign3A_156 = arith.cmpi sgt, %jit3A_148, %sign3A_155 : i32
          %sign3A_157 = arith.extui %sign3A_156 : i1 to i32
          %sign3A_158 = arith.constant 0 : i32
          %sign3A_159 = arith.cmpi slt, %jit3A_148, %sign3A_158 : i32
          %sign3A_160 = arith.extui %sign3A_159 : i1 to i32
          %sign3A_161 = arith.subi %sign3A_157, %sign3A_160 : i32
          %ne3A_162 = arith.cmpi ne, %sign3A_154, %sign3A_161 : i32
          %rem3A = arith.remsi %and3A_147, %jit3A_148 : i32
          %ne3A_163 = arith.constant 0 : i32
          %ne3A_164 = arith.cmpi ne, %rem3A, %ne3A_163 : i32
          %and3A_165 = arith.andi %ne3A_162, %ne3A_164 : i1
          %sub3A_166 = arith.constant 1 : i32
          %sub3A_167 = arith.subi %div3A, %sub3A_166 : i32
          %select_n3A_168 = arith.select %and3A_165, %sub3A_167, %div3A : i32
          %mul3A_169 = arith.constant 128 : i32
          %mul3A_170 = arith.muli %select_n3A_168, %mul3A_169 : i32
          %multiple_of3A = tpu.assume_multiple %mul3A_170, 128 : i32
          %add3A_171 = arith.constant 16 : i32
          %add3A_172 = arith.addi %scan3A_21, %add3A_171 : i32
          %get3A_173 = arith.index_cast %add3A_172 : i32 to index
          %get3A_174 = tpu.vector_load %arg7[%get3A_173] {strides = array<i32>} : memref<592xi32, #tpu.memory_space<vmem>>, vector<16xi32>,
          %slice3A_175 = vector.extract_strided_slice %get3A_174 {offsets = [0], sizes = [1], strides = [1]} : vector<16xi32> to vector<1xi32>
          %squeeze3A_176 = vector.extract %slice3A_175[0] : i32 from vector<1xi32>
          %shift_right_arithmetic3A_177 = arith.constant 10 : i32
          %shift_right_arithmetic3A_178 = arith.shrsi %squeeze3A_176, %shift_right_arithmetic3A_177 : i32
          %dma_start3A = arith.constant 704 : i32
          %dma_start3A_179 = arith.constant 0 : i32
          %dma_start3A_180 = tpu.memref_slice %arg9[%dma_start3A, %dma_start3A_179] : memref<768x128xf32, #tpu.memory_space<vmem>> -> memref<64x128xf32, #tpu.memory_space<vmem>>
          %dma_start3A_181 = arith.constant 0 : i32
          %dma_start3A_182 = tpu.memref_slice %arg4[%shift_right_arithmetic3A_178, %dma_start3A_181, %multiple_of3A] : memref<1000x64x1000xf32, #tpu.memory_space<hbm>> -> memref<1x64x128xf32, #tpu.memory_space<hbm>>
          %dma_start3A_183 = tpu.memref_squeeze %dma_start3A_182 : memref<1x64x128xf32, #tpu.memory_space<hbm>> -> memref<64x128xf32, #tpu.memory_space<hbm>>
          %dma_start3A_184 = arith.constant 704 : i32
          %dma_start3A_185 = arith.constant 0 : i32
          %dma_start3A_186 = tpu.memref_slice %arg9[%dma_start3A_184, %dma_start3A_185] : memref<768x128xf32, #tpu.memory_space<vmem>> -> memref<64x128xf32, #tpu.memory_space<vmem>>
          %dma_start3A_187 = arith.constant 0 : i32
          %dma_start3A_188 = tpu.memref_slice %arg4[%shift_right_arithmetic3A_178, %dma_start3A_187, %multiple_of3A] : memref<1000x64x1000xf32, #tpu.memory_space<hbm>> -> memref<1x64x128xf32, #tpu.memory_space<hbm>>
          %dma_start3A_189 = tpu.memref_squeeze %dma_start3A_188 : memref<1x64x128xf32, #tpu.memory_space<hbm>> -> memref<64x128xf32, #tpu.memory_space<hbm>>
          tpu.enqueue_dma source(%dma_start3A_189 : memref<64x128xf32, #tpu.memory_space<hbm>>) target(%dma_start3A_186 : memref<64x128xf32, #tpu.memory_space<vmem>>) target_semaphore(%arg23 : memref<!tpu.dma_semaphore, #tpu.memory_space<semaphore_mem>>)
          %add3A_190 = arith.constant 16 : i32
          %add3A_191 = arith.addi %scan3A_21, %add3A_190 : i32
          %get3A_192 = arith.index_cast %add3A_191 : i32 to index
          %get3A_193 = tpu.vector_load %arg7[%get3A_192] {strides = array<i32>} : memref<592xi32, #tpu.memory_space<vmem>>, vector<16xi32>,
          %slice3A_194 = vector.extract_strided_slice %get3A_193 {offsets = [0], sizes = [1], strides = [1]} : vector<16xi32> to vector<1xi32>
          %squeeze3A_195 = vector.extract %slice3A_194[0] : i32 from vector<1xi32>
          %shift_right_arithmetic3A_196 = arith.constant 10 : i32
          %shift_right_arithmetic3A_197 = arith.shrsi %squeeze3A_195, %shift_right_arithmetic3A_196 : i32
          %dma_start3A_198 = arith.constant 11 : i32
          %dma_start3A_199 = arith.constant 0 : i32
          %dma_start3A_200 = tpu.memref_slice %arg10[%dma_start3A_198, %dma_start3A_199] : memref<12x64xf32, #tpu.memory_space<vmem>> -> memref<1x64xf32, #tpu.memory_space<vmem>>
          %dma_start3A_201 = tpu.memref_squeeze %dma_start3A_200 : memref<1x64xf32, #tpu.memory_space<vmem>> -> memref<64xf32, #tpu.memory_space<vmem>>
          %dma_start3A_202 = arith.constant 0 : i32
          %dma_start3A_203 = tpu.memref_slice %arg5[%shift_right_arithmetic3A_197, %dma_start3A_202] : memref<1000x64xf32, #tpu.memory_space<hbm>> -> memref<1x64xf32, #tpu.memory_space<hbm>>
          %dma_start3A_204 = tpu.memref_squeeze %dma_start3A_203 : memref<1x64xf32, #tpu.memory_space<hbm>> -> memref<64xf32, #tpu.memory_space<hbm>>
          %dma_start3A_205 = arith.constant 0 : i32
          %dma_start3A_206 = tpu.memref_slice %arg10[%dma_start3A_198, %dma_start3A_205] : memref<12x64xf32, #tpu.memory_space<vmem>> -> memref<1x64xf32, #tpu.memory_space<vmem>>
          %dma_start3A_207 = tpu.memref_squeeze %dma_start3A_206 : memref<1x64xf32, #tpu.memory_space<vmem>> -> memref<64xf32, #tpu.memory_space<vmem>>
          %dma_start3A_208 = arith.constant 0 : i32
          %dma_start3A_209 = tpu.memref_slice %arg5[%shift_right_arithmetic3A_197, %dma_start3A_208] : memref<1000x64xf32, #tpu.memory_space<hbm>> -> memref<1x64xf32, #tpu.memory_space<hbm>>
          %dma_start3A_210 = tpu.memref_squeeze %dma_start3A_209 : memref<1x64xf32, #tpu.memory_space<hbm>> -> memref<64xf32, #tpu.memory_space<hbm>>
          tpu.enqueue_dma source(%dma_start3A_210 : memref<64xf32, #tpu.memory_space<hbm>>) target(%dma_start3A_207 : memref<64xf32, #tpu.memory_space<vmem>>) target_semaphore(%arg23 : memref<!tpu.dma_semaphore, #tpu.memory_space<semaphore_mem>>)
        } else {
        }
      } else {
      }
      %sub3A = arith.constant 11 : i32
      %sub3A_48 = arith.subi %scan3A_21, %sub3A : i32
      %add3A_49 = arith.constant 16 : i32
      %add3A_50 = arith.addi %sub3A_48, %add3A_49 : i32
      %get3A_51 = arith.index_cast %add3A_50 : i32 to index
      %get3A_52 = tpu.vector_load %arg7[%get3A_51] {strides = array<i32>} : memref<592xi32, #tpu.memory_space<vmem>>, vector<16xi32>,
      %slice3A_53 = vector.extract_strided_slice %get3A_52 {offsets = [0], sizes = [1], strides = [1]} : vector<16xi32> to vector<1xi32>
      %squeeze3A_54 = vector.extract %slice3A_53[0] : i32 from vector<1xi32>
      %shift_right_arithmetic3A_55 = arith.constant 7 : i32
      %shift_right_arithmetic3A_56 = arith.shrsi %squeeze3A_54, %shift_right_arithmetic3A_55 : i32
      %ge3A = arith.constant 11 : i32
      %ge3A_57 = arith.cmpi sge, %scan3A_21, %ge3A : i32
      %eq3A_58 = arith.constant 0 : i32
      %eq3A_59 = arith.cmpi eq, %sub3A_48, %eq3A_58 : i32
      %ne3A_60 = arith.cmpi ne, %shift_right_arithmetic3A_56, %scan3A_25 : i32
      %convert_element_type3A_61 = arith.extui %ne3A_60 : i1 to i32
      %select_n3A_62 = arith.select %eq3A_59, %scan3A, %convert_element_type3A_61 : i32
      %select_n3A_63 = arith.select %ge3A_57, %select_n3A_62, %scan3A_3 : i32
      %eq3A_64 = arith.constant 1 : i32
      %eq3A_65 = arith.cmpi eq, %select_n3A_63, %eq3A_64 : i32
      %eq3A_66 = arith.constant 11 : i32
      %eq3A_67 = arith.cmpi eq, %scan3A_23, %eq3A_66 : i32
      %add3A_68 = arith.constant 1 : i32
      %add3A_69 = arith.addi %scan3A_23, %add3A_68 : i32
      %jit3A_70 = arith.constant 0 : i32
      %select_n3A_71 = arith.select %eq3A_67, %jit3A_70, %add3A_69 : i32
      %select_n3A_72 = arith.select %eq3A_65, %select_n3A_71, %scan3A_23 : i32
      %ge3A_73 = arith.constant 11 : i32
      %ge3A_74 = arith.cmpi sge, %scan3A_21, %ge3A_73 : i32
      %select_n3A_75 = arith.select %ge3A_74, %shift_right_arithmetic3A_56, %scan3A_25 : i32
      %ge3A_76 = arith.constant 11 : i32
      %ge3A_77 = arith.cmpi sge, %scan3A_21, %ge3A_76 : i32
      %convert_element_type3A_78 = arith.extui %ge3A_77 : i1 to i32
      %cond3A_79 = arith.constant 0 : i32
      %cond3A_80 = arith.cmpi ne, %convert_element_type3A_78, %cond3A_79 : i32
      scf.if %cond3A_80 {
        %eq3A_81 = arith.constant 1 : i32
        %eq3A_82 = arith.cmpi eq, %select_n3A_63, %eq3A_81 : i32
        %convert_element_type3A_83 = arith.extui %eq3A_82 : i1 to i32
        %cond3A_84 = arith.constant 0 : i32
        %cond3A_85 = arith.cmpi ne, %convert_element_type3A_83, %cond3A_84 : i32
        scf.if %cond3A_85 {
          %eq3A_325 = arith.constant 0 : i32
          %eq3A_326 = arith.cmpi eq, %select_n3A_72, %eq3A_325 : i32
          %convert_element_type3A_327 = arith.extui %eq3A_326 : i1 to i32
          %cond3A_328 = arith.constant 0 : i32
          %cond3A_329 = arith.cmpi ne, %convert_element_type3A_327, %cond3A_328 : i32
          scf.if %cond3A_329 {
            %add3A_385 = arith.constant 16 : i32
            %add3A_386 = arith.addi %sub3A_48, %add3A_385 : i32
            %get3A_387 = arith.index_cast %add3A_386 : i32 to index
            %get3A_388 = tpu.vector_load %arg7[%get3A_387] {strides = array<i32>} : memref<592xi32, #tpu.memory_space<vmem>>, vector<16xi32>,
            %slice3A_389 = vector.extract_strided_slice %get3A_388 {offsets = [0], sizes = [1], strides = [1]} : vector<16xi32> to vector<1xi32>
            %squeeze3A_390 = vector.extract %slice3A_389[0] : i32 from vector<1xi32>
            %and3A_391 = arith.constant 1023 : i32
            %and3A_392 = arith.andi %squeeze3A_390, %and3A_391 : i32
            %jit3A_393 = arith.constant 128 : i32
            %div3A = arith.divsi %and3A_392, %jit3A_393 : i32
            %sign3A = arith.constant 0 : i32
            %sign3A_394 = arith.cmpi sgt, %and3A_392, %sign3A : i32
            %sign3A_395 = arith.extui %sign3A_394 : i1 to i32
            %sign3A_396 = arith.constant 0 : i32
            %sign3A_397 = arith.cmpi slt, %and3A_392, %sign3A_396 : i32
            %sign3A_398 = arith.extui %sign3A_397 : i1 to i32
            %sign3A_399 = arith.subi %sign3A_395, %sign3A_398 : i32
            %sign3A_400 = arith.constant 0 : i32
            %sign3A_401 = arith.cmpi sgt, %jit3A_393, %sign3A_400 : i32
            %sign3A_402 = arith.extui %sign3A_401 : i1 to i32
            %sign3A_403 = arith.constant 0 : i32
            %sign3A_404 = arith.cmpi slt, %jit3A_393, %sign3A_403 : i32
            %sign3A_405 = arith.extui %sign3A_404 : i1 to i32
            %sign3A_406 = arith.subi %sign3A_402, %sign3A_405 : i32
            %ne3A_407 = arith.cmpi ne, %sign3A_399, %sign3A_406 : i32
            %rem3A_408 = arith.remsi %and3A_392, %jit3A_393 : i32
            %ne3A_409 = arith.constant 0 : i32
            %ne3A_410 = arith.cmpi ne, %rem3A_408, %ne3A_409 : i32
            %and3A_411 = arith.andi %ne3A_407, %ne3A_410 : i1
            %sub3A_412 = arith.constant 1 : i32
            %sub3A_413 = arith.subi %div3A, %sub3A_412 : i32
            %select_n3A_414 = arith.select %and3A_411, %sub3A_413, %div3A : i32
            %mul3A_415 = arith.constant 128 : i32
            %mul3A_416 = arith.muli %select_n3A_414, %mul3A_415 : i32
            %multiple_of3A = tpu.assume_multiple %mul3A_416, 128 : i32
            %add3A_417 = arith.constant 16 : i32
            %add3A_418 = arith.addi %sub3A_48, %add3A_417 : i32
            %get3A_419 = arith.index_cast %add3A_418 : i32 to index
            %get3A_420 = tpu.vector_load %arg7[%get3A_419] {strides = array<i32>} : memref<592xi32, #tpu.memory_space<vmem>>, vector<16xi32>,
            %slice3A_421 = vector.extract_strided_slice %get3A_420 {offsets = [0], sizes = [1], strides = [1]} : vector<16xi32> to vector<1xi32>
            %squeeze3A_422 = vector.extract %slice3A_421[0] : i32 from vector<1xi32>
            %shift_right_arithmetic3A_423 = arith.constant 10 : i32
            %shift_right_arithmetic3A_424 = arith.shrsi %squeeze3A_422, %shift_right_arithmetic3A_423 : i32
            %dma_wait3A = arith.constant 0 : i32
            %dma_wait3A_425 = arith.constant 0 : i32
            %dma_wait3A_426 = tpu.memref_slice %arg9[%dma_wait3A, %dma_wait3A_425] : memref<768x128xf32, #tpu.memory_space<vmem>> -> memref<64x128xf32, #tpu.memory_space<vmem>>
            %dma_wait3A_427 = arith.constant 0 : i32
            %dma_wait3A_428 = tpu.memref_slice %arg4[%shift_right_arithmetic3A_424, %dma_wait3A_427, %multiple_of3A] : memref<1000x64x1000xf32, #tpu.memory_space<hbm>> -> memref<1x64x128xf32, #tpu.memory_space<hbm>>
            %dma_wait3A_429 = tpu.memref_squeeze %dma_wait3A_428 : memref<1x64x128xf32, #tpu.memory_space<hbm>> -> memref<64x128xf32, #tpu.memory_space<hbm>>
            %dma_wait3A_430 = arith.constant 0 : i32
            %dma_wait3A_431 = arith.constant 0 : i32
            %dma_wait3A_432 = tpu.memref_slice %arg9[%dma_wait3A_430, %dma_wait3A_431] : memref<768x128xf32, #tpu.memory_space<vmem>> -> memref<64x128xf32, #tpu.memory_space<vmem>>
            %dma_wait3A_433 = arith.constant 0 : i32
            %dma_wait3A_434 = tpu.memref_slice %arg4[%shift_right_arithmetic3A_424, %dma_wait3A_433, %multiple_of3A] : memref<1000x64x1000xf32, #tpu.memory_space<hbm>> -> memref<1x64x128xf32, #tpu.memory_space<hbm>>
            %dma_wait3A_435 = tpu.memref_squeeze %dma_wait3A_434 : memref<1x64x128xf32, #tpu.memory_space<hbm>> -> memref<64x128xf32, #tpu.memory_space<hbm>>
            tpu.wait_dma2 semaphore(%arg12 : memref<!tpu.dma_semaphore, #tpu.memory_space<semaphore_mem>>) src(%dma_wait3A_435 : memref<64x128xf32, #tpu.memory_space<hbm>>) dst(%dma_wait3A_432 : memref<64x128xf32, #tpu.memory_space<vmem>>)
            %add3A_436 = arith.constant 16 : i32
            %add3A_437 = arith.addi %sub3A_48, %add3A_436 : i32
            %get3A_438 = arith.index_cast %add3A_437 : i32 to index
            %get3A_439 = tpu.vector_load %arg7[%get3A_438] {strides = array<i32>} : memref<592xi32, #tpu.memory_space<vmem>>, vector<16xi32>,
            %slice3A_440 = vector.extract_strided_slice %get3A_439 {offsets = [0], sizes = [1], strides = [1]} : vector<16xi32> to vector<1xi32>
            %squeeze3A_441 = vector.extract %slice3A_440[0] : i32 from vector<1xi32>
            %shift_right_arithmetic3A_442 = arith.constant 10 : i32
            %shift_right_arithmetic3A_443 = arith.shrsi %squeeze3A_441, %shift_right_arithmetic3A_442 : i32
            %dma_wait3A_444 = arith.constant 0 : i32
            %dma_wait3A_445 = arith.constant 0 : i32
            %dma_wait3A_446 = tpu.memref_slice %arg10[%dma_wait3A_444, %dma_wait3A_445] : memref<12x64xf32, #tpu.memory_space<vmem>> -> memref<1x64xf32, #tpu.memory_space<vmem>>
            %dma_wait3A_447 = tpu.memref_squeeze %dma_wait3A_446 : memref<1x64xf32, #tpu.memory_space<vmem>> -> memref<64xf32, #tpu.memory_space<vmem>>
            %dma_wait3A_448 = arith.constant 0 : i32
            %dma_wait3A_449 = tpu.memref_slice %arg5[%shift_right_arithmetic3A_443, %dma_wait3A_448] : memref<1000x64xf32, #tpu.memory_space<hbm>> -> memref<1x64xf32, #tpu.memory_space<hbm>>
            %dma_wait3A_450 = tpu.memref_squeeze %dma_wait3A_449 : memref<1x64xf32, #tpu.memory_space<hbm>> -> memref<64xf32, #tpu.memory_space<hbm>>
            %dma_wait3A_451 = arith.constant 0 : i32
            %dma_wait3A_452 = tpu.memref_slice %arg10[%dma_wait3A_444, %dma_wait3A_451] : memref<12x64xf32, #tpu.memory_space<vmem>> -> memref<1x64xf32, #tpu.memory_space<vmem>>
            %dma_wait3A_453 = tpu.memref_squeeze %dma_wait3A_452 : memref<1x64xf32, #tpu.memory_space<vmem>> -> memref<64xf32, #tpu.memory_space<vmem>>
            %dma_wait3A_454 = arith.constant 0 : i32
            %dma_wait3A_455 = tpu.memref_slice %arg5[%shift_right_arithmetic3A_443, %dma_wait3A_454] : memref<1000x64xf32, #tpu.memory_space<hbm>> -> memref<1x64xf32, #tpu.memory_space<hbm>>
            %dma_wait3A_456 = tpu.memref_squeeze %dma_wait3A_455 : memref<1x64xf32, #tpu.memory_space<hbm>> -> memref<64xf32, #tpu.memory_space<hbm>>
            tpu.wait_dma2 semaphore(%arg12 : memref<!tpu.dma_semaphore, #tpu.memory_space<semaphore_mem>>) src(%dma_wait3A_456 : memref<64xf32, #tpu.memory_space<hbm>>) dst(%dma_wait3A_453 : memref<64xf32, #tpu.memory_space<vmem>>)
          } else {
          }
          %eq3A_330 = arith.constant 1 : i32
          %eq3A_331 = arith.cmpi eq, %select_n3A_72, %eq3A_330 : i32
          %convert_element_type3A_332 = arith.extui %eq3A_331 : i1 to i32
          %cond3A_333 = arith.constant 0 : i32
          %cond3A_334 = arith.cmpi ne, %convert_element_type3A_332, %cond3A_333 : i32
          scf.if %cond3A_334 {
            %add3A_385 = arith.constant 16 : i32
            %add3A_386 = arith.addi %sub3A_48, %add3A_385 : i32
            %get3A_387 = arith.index_cast %add3A_386 : i32 to index
            %get3A_388 = tpu.vector_load %arg7[%get3A_387] {strides = array<i32>} : memref<592xi32, #tpu.memory_space<vmem>>, vector<16xi32>,
            %slice3A_389 = vector.extract_strided_slice %get3A_388 {offsets = [0], sizes = [1], strides = [1]} : vector<16xi32> to vector<1xi32>
            %squeeze3A_390 = vector.extract %slice3A_389[0] : i32 from vector<1xi32>
            %and3A_391 = arith.constant 1023 : i32
            %and3A_392 = arith.andi %squeeze3A_390, %and3A_391 : i32
            %jit3A_393 = arith.constant 128 : i32
            %div3A = arith.divsi %and3A_392, %jit3A_393 : i32
            %sign3A = arith.constant 0 : i32
            %sign3A_394 = arith.cmpi sgt, %and3A_392, %sign3A : i32
            %sign3A_395 = arith.extui %sign3A_394 : i1 to i32
            %sign3A_396 = arith.constant 0 : i32
            %sign3A_397 = arith.cmpi slt, %and3A_392, %sign3A_396 : i32
            %sign3A_398 = arith.extui %sign3A_397 : i1 to i32
            %sign3A_399 = arith.subi %sign3A_395, %sign3A_398 : i32
            %sign3A_400 = arith.constant 0 : i32
            %sign3A_401 = arith.cmpi sgt, %jit3A_393, %sign3A_400 : i32
            %sign3A_402 = arith.extui %sign3A_401 : i1 to i32
            %sign3A_403 = arith.constant 0 : i32
            %sign3A_404 = arith.cmpi slt, %jit3A_393, %sign3A_403 : i32
            %sign3A_405 = arith.extui %sign3A_404 : i1 to i32
            %sign3A_406 = arith.subi %sign3A_402, %sign3A_405 : i32
            %ne3A_407 = arith.cmpi ne, %sign3A_399, %sign3A_406 : i32
            %rem3A_408 = arith.remsi %and3A_392, %jit3A_393 : i32
            %ne3A_409 = arith.constant 0 : i32
            %ne3A_410 = arith.cmpi ne, %rem3A_408, %ne3A_409 : i32
            %and3A_411 = arith.andi %ne3A_407, %ne3A_410 : i1
            %sub3A_412 = arith.constant 1 : i32
            %sub3A_413 = arith.subi %div3A, %sub3A_412 : i32
            %select_n3A_414 = arith.select %and3A_411, %sub3A_413, %div3A : i32
            %mul3A_415 = arith.constant 128 : i32
            %mul3A_416 = arith.muli %select_n3A_414, %mul3A_415 : i32
            %multiple_of3A = tpu.assume_multiple %mul3A_416, 128 : i32
            %add3A_417 = arith.constant 16 : i32
            %add3A_418 = arith.addi %sub3A_48, %add3A_417 : i32
            %get3A_419 = arith.index_cast %add3A_418 : i32 to index
            %get3A_420 = tpu.vector_load %arg7[%get3A_419] {strides = array<i32>} : memref<592xi32, #tpu.memory_space<vmem>>, vector<16xi32>,
            %slice3A_421 = vector.extract_strided_slice %get3A_420 {offsets = [0], sizes = [1], strides = [1]} : vector<16xi32> to vector<1xi32>
            %squeeze3A_422 = vector.extract %slice3A_421[0] : i32 from vector<1xi32>
            %shift_right_arithmetic3A_423 = arith.constant 10 : i32
            %shift_right_arithmetic3A_424 = arith.shrsi %squeeze3A_422, %shift_right_arithmetic3A_423 : i32
            %dma_wait3A = arith.constant 64 : i32
            %dma_wait3A_425 = arith.constant 0 : i32
            %dma_wait3A_426 = tpu.memref_slice %arg9[%dma_wait3A, %dma_wait3A_425] : memref<768x128xf32, #tpu.memory_space<vmem>> -> memref<64x128xf32, #tpu.memory_space<vmem>>
            %dma_wait3A_427 = arith.constant 0 : i32
            %dma_wait3A_428 = tpu.memref_slice %arg4[%shift_right_arithmetic3A_424, %dma_wait3A_427, %multiple_of3A] : memref<1000x64x1000xf32, #tpu.memory_space<hbm>> -> memref<1x64x128xf32, #tpu.memory_space<hbm>>
            %dma_wait3A_429 = tpu.memref_squeeze %dma_wait3A_428 : memref<1x64x128xf32, #tpu.memory_space<hbm>> -> memref<64x128xf32, #tpu.memory_space<hbm>>
            %dma_wait3A_430 = arith.constant 64 : i32
            %dma_wait3A_431 = arith.constant 0 : i32
            %dma_wait3A_432 = tpu.memref_slice %arg9[%dma_wait3A_430, %dma_wait3A_431] : memref<768x128xf32, #tpu.memory_space<vmem>> -> memref<64x128xf32, #tpu.memory_space<vmem>>
            %dma_wait3A_433 = arith.constant 0 : i32
            %dma_wait3A_434 = tpu.memref_slice %arg4[%shift_right_arithmetic3A_424, %dma_wait3A_433, %multiple_of3A] : memref<1000x64x1000xf32, #tpu.memory_space<hbm>> -> memref<1x64x128xf32, #tpu.memory_space<hbm>>
            %dma_wait3A_435 = tpu.memref_squeeze %dma_wait3A_434 : memref<1x64x128xf32, #tpu.memory_space<hbm>> -> memref<64x128xf32, #tpu.memory_space<hbm>>
            tpu.wait_dma2 semaphore(%arg13 : memref<!tpu.dma_semaphore, #tpu.memory_space<semaphore_mem>>) src(%dma_wait3A_435 : memref<64x128xf32, #tpu.memory_space<hbm>>) dst(%dma_wait3A_432 : memref<64x128xf32, #tpu.memory_space<vmem>>)
            %add3A_436 = arith.constant 16 : i32
            %add3A_437 = arith.addi %sub3A_48, %add3A_436 : i32
            %get3A_438 = arith.index_cast %add3A_437 : i32 to index
            %get3A_439 = tpu.vector_load %arg7[%get3A_438] {strides = array<i32>} : memref<592xi32, #tpu.memory_space<vmem>>, vector<16xi32>,
            %slice3A_440 = vector.extract_strided_slice %get3A_439 {offsets = [0], sizes = [1], strides = [1]} : vector<16xi32> to vector<1xi32>
            %squeeze3A_441 = vector.extract %slice3A_440[0] : i32 from vector<1xi32>
            %shift_right_arithmetic3A_442 = arith.constant 10 : i32
            %shift_right_arithmetic3A_443 = arith.shrsi %squeeze3A_441, %shift_right_arithmetic3A_442 : i32
            %dma_wait3A_444 = arith.constant 1 : i32
            %dma_wait3A_445 = arith.constant 0 : i32
            %dma_wait3A_446 = tpu.memref_slice %arg10[%dma_wait3A_444, %dma_wait3A_445] : memref<12x64xf32, #tpu.memory_space<vmem>> -> memref<1x64xf32, #tpu.memory_space<vmem>>
            %dma_wait3A_447 = tpu.memref_squeeze %dma_wait3A_446 : memref<1x64xf32, #tpu.memory_space<vmem>> -> memref<64xf32, #tpu.memory_space<vmem>>
            %dma_wait3A_448 = arith.constant 0 : i32
            %dma_wait3A_449 = tpu.memref_slice %arg5[%shift_right_arithmetic3A_443, %dma_wait3A_448] : memref<1000x64xf32, #tpu.memory_space<hbm>> -> memref<1x64xf32, #tpu.memory_space<hbm>>
            %dma_wait3A_450 = tpu.memref_squeeze %dma_wait3A_449 : memref<1x64xf32, #tpu.memory_space<hbm>> -> memref<64xf32, #tpu.memory_space<hbm>>
            %dma_wait3A_451 = arith.constant 0 : i32
            %dma_wait3A_452 = tpu.memref_slice %arg10[%dma_wait3A_444, %dma_wait3A_451] : memref<12x64xf32, #tpu.memory_space<vmem>> -> memref<1x64xf32, #tpu.memory_space<vmem>>
            %dma_wait3A_453 = tpu.memref_squeeze %dma_wait3A_452 : memref<1x64xf32, #tpu.memory_space<vmem>> -> memref<64xf32, #tpu.memory_space<vmem>>
            %dma_wait3A_454 = arith.constant 0 : i32
            %dma_wait3A_455 = tpu.memref_slice %arg5[%shift_right_arithmetic3A_443, %dma_wait3A_454] : memref<1000x64xf32, #tpu.memory_space<hbm>> -> memref<1x64xf32, #tpu.memory_space<hbm>>
            %dma_wait3A_456 = tpu.memref_squeeze %dma_wait3A_455 : memref<1x64xf32, #tpu.memory_space<hbm>> -> memref<64xf32, #tpu.memory_space<hbm>>
            tpu.wait_dma2 semaphore(%arg13 : memref<!tpu.dma_semaphore, #tpu.memory_space<semaphore_mem>>) src(%dma_wait3A_456 : memref<64xf32, #tpu.memory_space<hbm>>) dst(%dma_wait3A_453 : memref<64xf32, #tpu.memory_space<vmem>>)
          } else {
          }
          %eq3A_335 = arith.constant 2 : i32
          %eq3A_336 = arith.cmpi eq, %select_n3A_72, %eq3A_335 : i32
          %convert_element_type3A_337 = arith.extui %eq3A_336 : i1 to i32
          %cond3A_338 = arith.constant 0 : i32
          %cond3A_339 = arith.cmpi ne, %convert_element_type3A_337, %cond3A_338 : i32
          scf.if %cond3A_339 {
            %add3A_385 = arith.constant 16 : i32
            %add3A_386 = arith.addi %sub3A_48, %add3A_385 : i32
            %get3A_387 = arith.index_cast %add3A_386 : i32 to index
            %get3A_388 = tpu.vector_load %arg7[%get3A_387] {strides = array<i32>} : memref<592xi32, #tpu.memory_space<vmem>>, vector<16xi32>,
            %slice3A_389 = vector.extract_strided_slice %get3A_388 {offsets = [0], sizes = [1], strides = [1]} : vector<16xi32> to vector<1xi32>
            %squeeze3A_390 = vector.extract %slice3A_389[0] : i32 from vector<1xi32>
            %and3A_391 = arith.constant 1023 : i32
            %and3A_392 = arith.andi %squeeze3A_390, %and3A_391 : i32
            %jit3A_393 = arith.constant 128 : i32
            %div3A = arith.divsi %and3A_392, %jit3A_393 : i32
            %sign3A = arith.constant 0 : i32
            %sign3A_394 = arith.cmpi sgt, %and3A_392, %sign3A : i32
            %sign3A_395 = arith.extui %sign3A_394 : i1 to i32
            %sign3A_396 = arith.constant 0 : i32
            %sign3A_397 = arith.cmpi slt, %and3A_392, %sign3A_396 : i32
            %sign3A_398 = arith.extui %sign3A_397 : i1 to i32
            %sign3A_399 = arith.subi %sign3A_395, %sign3A_398 : i32
            %sign3A_400 = arith.constant 0 : i32
            %sign3A_401 = arith.cmpi sgt, %jit3A_393, %sign3A_400 : i32
            %sign3A_402 = arith.extui %sign3A_401 : i1 to i32
            %sign3A_403 = arith.constant 0 : i32
            %sign3A_404 = arith.cmpi slt, %jit3A_393, %sign3A_403 : i32
            %sign3A_405 = arith.extui %sign3A_404 : i1 to i32
            %sign3A_406 = arith.subi %sign3A_402, %sign3A_405 : i32
            %ne3A_407 = arith.cmpi ne, %sign3A_399, %sign3A_406 : i32
            %rem3A_408 = arith.remsi %and3A_392, %jit3A_393 : i32
            %ne3A_409 = arith.constant 0 : i32
            %ne3A_410 = arith.cmpi ne, %rem3A_408, %ne3A_409 : i32
            %and3A_411 = arith.andi %ne3A_407, %ne3A_410 : i1
            %sub3A_412 = arith.constant 1 : i32
            %sub3A_413 = arith.subi %div3A, %sub3A_412 : i32
            %select_n3A_414 = arith.select %and3A_411, %sub3A_413, %div3A : i32
            %mul3A_415 = arith.constant 128 : i32
            %mul3A_416 = arith.muli %select_n3A_414, %mul3A_415 : i32
            %multiple_of3A = tpu.assume_multiple %mul3A_416, 128 : i32
            %add3A_417 = arith.constant 16 : i32
            %add3A_418 = arith.addi %sub3A_48, %add3A_417 : i32
            %get3A_419 = arith.index_cast %add3A_418 : i32 to index
            %get3A_420 = tpu.vector_load %arg7[%get3A_419] {strides = array<i32>} : memref<592xi32, #tpu.memory_space<vmem>>, vector<16xi32>,
            %slice3A_421 = vector.extract_strided_slice %get3A_420 {offsets = [0], sizes = [1], strides = [1]} : vector<16xi32> to vector<1xi32>
            %squeeze3A_422 = vector.extract %slice3A_421[0] : i32 from vector<1xi32>
            %shift_right_arithmetic3A_423 = arith.constant 10 : i32
            %shift_right_arithmetic3A_424 = arith.shrsi %squeeze3A_422, %shift_right_arithmetic3A_423 : i32
            %dma_wait3A = arith.constant 128 : i32
            %dma_wait3A_425 = arith.constant 0 : i32
            %dma_wait3A_426 = tpu.memref_slice %arg9[%dma_wait3A, %dma_wait3A_425] : memref<768x128xf32, #tpu.memory_space<vmem>> -> memref<64x128xf32, #tpu.memory_space<vmem>>
            %dma_wait3A_427 = arith.constant 0 : i32
            %dma_wait3A_428 = tpu.memref_slice %arg4[%shift_right_arithmetic3A_424, %dma_wait3A_427, %multiple_of3A] : memref<1000x64x1000xf32, #tpu.memory_space<hbm>> -> memref<1x64x128xf32, #tpu.memory_space<hbm>>
            %dma_wait3A_429 = tpu.memref_squeeze %dma_wait3A_428 : memref<1x64x128xf32, #tpu.memory_space<hbm>> -> memref<64x128xf32, #tpu.memory_space<hbm>>
            %dma_wait3A_430 = arith.constant 128 : i32
            %dma_wait3A_431 = arith.constant 0 : i32
            %dma_wait3A_432 = tpu.memref_slice %arg9[%dma_wait3A_430, %dma_wait3A_431] : memref<768x128xf32, #tpu.memory_space<vmem>> -> memref<64x128xf32, #tpu.memory_space<vmem>>
            %dma_wait3A_433 = arith.constant 0 : i32
            %dma_wait3A_434 = tpu.memref_slice %arg4[%shift_right_arithmetic3A_424, %dma_wait3A_433, %multiple_of3A] : memref<1000x64x1000xf32, #tpu.memory_space<hbm>> -> memref<1x64x128xf32, #tpu.memory_space<hbm>>
            %dma_wait3A_435 = tpu.memref_squeeze %dma_wait3A_434 : memref<1x64x128xf32, #tpu.memory_space<hbm>> -> memref<64x128xf32, #tpu.memory_space<hbm>>
            tpu.wait_dma2 semaphore(%arg14 : memref<!tpu.dma_semaphore, #tpu.memory_space<semaphore_mem>>) src(%dma_wait3A_435 : memref<64x128xf32, #tpu.memory_space<hbm>>) dst(%dma_wait3A_432 : memref<64x128xf32, #tpu.memory_space<vmem>>)
            %add3A_436 = arith.constant 16 : i32
            %add3A_437 = arith.addi %sub3A_48, %add3A_436 : i32
            %get3A_438 = arith.index_cast %add3A_437 : i32 to index
            %get3A_439 = tpu.vector_load %arg7[%get3A_438] {strides = array<i32>} : memref<592xi32, #tpu.memory_space<vmem>>, vector<16xi32>,
            %slice3A_440 = vector.extract_strided_slice %get3A_439 {offsets = [0], sizes = [1], strides = [1]} : vector<16xi32> to vector<1xi32>
            %squeeze3A_441 = vector.extract %slice3A_440[0] : i32 from vector<1xi32>
            %shift_right_arithmetic3A_442 = arith.constant 10 : i32
            %shift_right_arithmetic3A_443 = arith.shrsi %squeeze3A_441, %shift_right_arithmetic3A_442 : i32
            %dma_wait3A_444 = arith.constant 2 : i32
            %dma_wait3A_445 = arith.constant 0 : i32
            %dma_wait3A_446 = tpu.memref_slice %arg10[%dma_wait3A_444, %dma_wait3A_445] : memref<12x64xf32, #tpu.memory_space<vmem>> -> memref<1x64xf32, #tpu.memory_space<vmem>>
            %dma_wait3A_447 = tpu.memref_squeeze %dma_wait3A_446 : memref<1x64xf32, #tpu.memory_space<vmem>> -> memref<64xf32, #tpu.memory_space<vmem>>
            %dma_wait3A_448 = arith.constant 0 : i32
            %dma_wait3A_449 = tpu.memref_slice %arg5[%shift_right_arithmetic3A_443, %dma_wait3A_448] : memref<1000x64xf32, #tpu.memory_space<hbm>> -> memref<1x64xf32, #tpu.memory_space<hbm>>
            %dma_wait3A_450 = tpu.memref_squeeze %dma_wait3A_449 : memref<1x64xf32, #tpu.memory_space<hbm>> -> memref<64xf32, #tpu.memory_space<hbm>>
            %dma_wait3A_451 = arith.constant 0 : i32
            %dma_wait3A_452 = tpu.memref_slice %arg10[%dma_wait3A_444, %dma_wait3A_451] : memref<12x64xf32, #tpu.memory_space<vmem>> -> memref<1x64xf32, #tpu.memory_space<vmem>>
            %dma_wait3A_453 = tpu.memref_squeeze %dma_wait3A_452 : memref<1x64xf32, #tpu.memory_space<vmem>> -> memref<64xf32, #tpu.memory_space<vmem>>
            %dma_wait3A_454 = arith.constant 0 : i32
            %dma_wait3A_455 = tpu.memref_slice %arg5[%shift_right_arithmetic3A_443, %dma_wait3A_454] : memref<1000x64xf32, #tpu.memory_space<hbm>> -> memref<1x64xf32, #tpu.memory_space<hbm>>
            %dma_wait3A_456 = tpu.memref_squeeze %dma_wait3A_455 : memref<1x64xf32, #tpu.memory_space<hbm>> -> memref<64xf32, #tpu.memory_space<hbm>>
            tpu.wait_dma2 semaphore(%arg14 : memref<!tpu.dma_semaphore, #tpu.memory_space<semaphore_mem>>) src(%dma_wait3A_456 : memref<64xf32, #tpu.memory_space<hbm>>) dst(%dma_wait3A_453 : memref<64xf32, #tpu.memory_space<vmem>>)
          } else {
          }
          %eq3A_340 = arith.constant 3 : i32
          %eq3A_341 = arith.cmpi eq, %select_n3A_72, %eq3A_340 : i32
          %convert_element_type3A_342 = arith.extui %eq3A_341 : i1 to i32
          %cond3A_343 = arith.constant 0 : i32
          %cond3A_344 = arith.cmpi ne, %convert_element_type3A_342, %cond3A_343 : i32
          scf.if %cond3A_344 {
            %add3A_385 = arith.constant 16 : i32
            %add3A_386 = arith.addi %sub3A_48, %add3A_385 : i32
            %get3A_387 = arith.index_cast %add3A_386 : i32 to index
            %get3A_388 = tpu.vector_load %arg7[%get3A_387] {strides = array<i32>} : memref<592xi32, #tpu.memory_space<vmem>>, vector<16xi32>,
            %slice3A_389 = vector.extract_strided_slice %get3A_388 {offsets = [0], sizes = [1], strides = [1]} : vector<16xi32> to vector<1xi32>
            %squeeze3A_390 = vector.extract %slice3A_389[0] : i32 from vector<1xi32>
            %and3A_391 = arith.constant 1023 : i32
            %and3A_392 = arith.andi %squeeze3A_390, %and3A_391 : i32
            %jit3A_393 = arith.constant 128 : i32
            %div3A = arith.divsi %and3A_392, %jit3A_393 : i32
            %sign3A = arith.constant 0 : i32
            %sign3A_394 = arith.cmpi sgt, %and3A_392, %sign3A : i32
            %sign3A_395 = arith.extui %sign3A_394 : i1 to i32
            %sign3A_396 = arith.constant 0 : i32
            %sign3A_397 = arith.cmpi slt, %and3A_392, %sign3A_396 : i32
            %sign3A_398 = arith.extui %sign3A_397 : i1 to i32
            %sign3A_399 = arith.subi %sign3A_395, %sign3A_398 : i32
            %sign3A_400 = arith.constant 0 : i32
            %sign3A_401 = arith.cmpi sgt, %jit3A_393, %sign3A_400 : i32
            %sign3A_402 = arith.extui %sign3A_401 : i1 to i32
            %sign3A_403 = arith.constant 0 : i32
            %sign3A_404 = arith.cmpi slt, %jit3A_393, %sign3A_403 : i32
            %sign3A_405 = arith.extui %sign3A_404 : i1 to i32
            %sign3A_406 = arith.subi %sign3A_402, %sign3A_405 : i32
            %ne3A_407 = arith.cmpi ne, %sign3A_399, %sign3A_406 : i32
            %rem3A_408 = arith.remsi %and3A_392, %jit3A_393 : i32
            %ne3A_409 = arith.constant 0 : i32
            %ne3A_410 = arith.cmpi ne, %rem3A_408, %ne3A_409 : i32
            %and3A_411 = arith.andi %ne3A_407, %ne3A_410 : i1
            %sub3A_412 = arith.constant 1 : i32
            %sub3A_413 = arith.subi %div3A, %sub3A_412 : i32
            %select_n3A_414 = arith.select %and3A_411, %sub3A_413, %div3A : i32
            %mul3A_415 = arith.constant 128 : i32
            %mul3A_416 = arith.muli %select_n3A_414, %mul3A_415 : i32
            %multiple_of3A = tpu.assume_multiple %mul3A_416, 128 : i32
            %add3A_417 = arith.constant 16 : i32
            %add3A_418 = arith.addi %sub3A_48, %add3A_417 : i32
            %get3A_419 = arith.index_cast %add3A_418 : i32 to index
            %get3A_420 = tpu.vector_load %arg7[%get3A_419] {strides = array<i32>} : memref<592xi32, #tpu.memory_space<vmem>>, vector<16xi32>,
            %slice3A_421 = vector.extract_strided_slice %get3A_420 {offsets = [0], sizes = [1], strides = [1]} : vector<16xi32> to vector<1xi32>
            %squeeze3A_422 = vector.extract %slice3A_421[0] : i32 from vector<1xi32>
            %shift_right_arithmetic3A_423 = arith.constant 10 : i32
            %shift_right_arithmetic3A_424 = arith.shrsi %squeeze3A_422, %shift_right_arithmetic3A_423 : i32
            %dma_wait3A = arith.constant 192 : i32
            %dma_wait3A_425 = arith.constant 0 : i32
            %dma_wait3A_426 = tpu.memref_slice %arg9[%dma_wait3A, %dma_wait3A_425] : memref<768x128xf32, #tpu.memory_space<vmem>> -> memref<64x128xf32, #tpu.memory_space<vmem>>
            %dma_wait3A_427 = arith.constant 0 : i32
            %dma_wait3A_428 = tpu.memref_slice %arg4[%shift_right_arithmetic3A_424, %dma_wait3A_427, %multiple_of3A] : memref<1000x64x1000xf32, #tpu.memory_space<hbm>> -> memref<1x64x128xf32, #tpu.memory_space<hbm>>
            %dma_wait3A_429 = tpu.memref_squeeze %dma_wait3A_428 : memref<1x64x128xf32, #tpu.memory_space<hbm>> -> memref<64x128xf32, #tpu.memory_space<hbm>>
            %dma_wait3A_430 = arith.constant 192 : i32
            %dma_wait3A_431 = arith.constant 0 : i32
            %dma_wait3A_432 = tpu.memref_slice %arg9[%dma_wait3A_430, %dma_wait3A_431] : memref<768x128xf32, #tpu.memory_space<vmem>> -> memref<64x128xf32, #tpu.memory_space<vmem>>
            %dma_wait3A_433 = arith.constant 0 : i32
            %dma_wait3A_434 = tpu.memref_slice %arg4[%shift_right_arithmetic3A_424, %dma_wait3A_433, %multiple_of3A] : memref<1000x64x1000xf32, #tpu.memory_space<hbm>> -> memref<1x64x128xf32, #tpu.memory_space<hbm>>
            %dma_wait3A_435 = tpu.memref_squeeze %dma_wait3A_434 : memref<1x64x128xf32, #tpu.memory_space<hbm>> -> memref<64x128xf32, #tpu.memory_space<hbm>>
            tpu.wait_dma2 semaphore(%arg15 : memref<!tpu.dma_semaphore, #tpu.memory_space<semaphore_mem>>) src(%dma_wait3A_435 : memref<64x128xf32, #tpu.memory_space<hbm>>) dst(%dma_wait3A_432 : memref<64x128xf32, #tpu.memory_space<vmem>>)
            %add3A_436 = arith.constant 16 : i32
            %add3A_437 = arith.addi %sub3A_48, %add3A_436 : i32
            %get3A_438 = arith.index_cast %add3A_437 : i32 to index
            %get3A_439 = tpu.vector_load %arg7[%get3A_438] {strides = array<i32>} : memref<592xi32, #tpu.memory_space<vmem>>, vector<16xi32>,
            %slice3A_440 = vector.extract_strided_slice %get3A_439 {offsets = [0], sizes = [1], strides = [1]} : vector<16xi32> to vector<1xi32>
            %squeeze3A_441 = vector.extract %slice3A_440[0] : i32 from vector<1xi32>
            %shift_right_arithmetic3A_442 = arith.constant 10 : i32
            %shift_right_arithmetic3A_443 = arith.shrsi %squeeze3A_441, %shift_right_arithmetic3A_442 : i32
            %dma_wait3A_444 = arith.constant 3 : i32
            %dma_wait3A_445 = arith.constant 0 : i32
            %dma_wait3A_446 = tpu.memref_slice %arg10[%dma_wait3A_444, %dma_wait3A_445] : memref<12x64xf32, #tpu.memory_space<vmem>> -> memref<1x64xf32, #tpu.memory_space<vmem>>
            %dma_wait3A_447 = tpu.memref_squeeze %dma_wait3A_446 : memref<1x64xf32, #tpu.memory_space<vmem>> -> memref<64xf32, #tpu.memory_space<vmem>>
            %dma_wait3A_448 = arith.constant 0 : i32
            %dma_wait3A_449 = tpu.memref_slice %arg5[%shift_right_arithmetic3A_443, %dma_wait3A_448] : memref<1000x64xf32, #tpu.memory_space<hbm>> -> memref<1x64xf32, #tpu.memory_space<hbm>>
            %dma_wait3A_450 = tpu.memref_squeeze %dma_wait3A_449 : memref<1x64xf32, #tpu.memory_space<hbm>> -> memref<64xf32, #tpu.memory_space<hbm>>
            %dma_wait3A_451 = arith.constant 0 : i32
            %dma_wait3A_452 = tpu.memref_slice %arg10[%dma_wait3A_444, %dma_wait3A_451] : memref<12x64xf32, #tpu.memory_space<vmem>> -> memref<1x64xf32, #tpu.memory_space<vmem>>
            %dma_wait3A_453 = tpu.memref_squeeze %dma_wait3A_452 : memref<1x64xf32, #tpu.memory_space<vmem>> -> memref<64xf32, #tpu.memory_space<vmem>>
            %dma_wait3A_454 = arith.constant 0 : i32
            %dma_wait3A_455 = tpu.memref_slice %arg5[%shift_right_arithmetic3A_443, %dma_wait3A_454] : memref<1000x64xf32, #tpu.memory_space<hbm>> -> memref<1x64xf32, #tpu.memory_space<hbm>>
            %dma_wait3A_456 = tpu.memref_squeeze %dma_wait3A_455 : memref<1x64xf32, #tpu.memory_space<hbm>> -> memref<64xf32, #tpu.memory_space<hbm>>
            tpu.wait_dma2 semaphore(%arg15 : memref<!tpu.dma_semaphore, #tpu.memory_space<semaphore_mem>>) src(%dma_wait3A_456 : memref<64xf32, #tpu.memory_space<hbm>>) dst(%dma_wait3A_453 : memref<64xf32, #tpu.memory_space<vmem>>)
          } else {
          }
          %eq3A_345 = arith.constant 4 : i32
          %eq3A_346 = arith.cmpi eq, %select_n3A_72, %eq3A_345 : i32
          %convert_element_type3A_347 = arith.extui %eq3A_346 : i1 to i32
          %cond3A_348 = arith.constant 0 : i32
          %cond3A_349 = arith.cmpi ne, %convert_element_type3A_347, %cond3A_348 : i32
          scf.if %cond3A_349 {
            %add3A_385 = arith.constant 16 : i32
            %add3A_386 = arith.addi %sub3A_48, %add3A_385 : i32
            %get3A_387 = arith.index_cast %add3A_386 : i32 to index
            %get3A_388 = tpu.vector_load %arg7[%get3A_387] {strides = array<i32>} : memref<592xi32, #tpu.memory_space<vmem>>, vector<16xi32>,
            %slice3A_389 = vector.extract_strided_slice %get3A_388 {offsets = [0], sizes = [1], strides = [1]} : vector<16xi32> to vector<1xi32>
            %squeeze3A_390 = vector.extract %slice3A_389[0] : i32 from vector<1xi32>
            %and3A_391 = arith.constant 1023 : i32
            %and3A_392 = arith.andi %squeeze3A_390, %and3A_391 : i32
            %jit3A_393 = arith.constant 128 : i32
            %div3A = arith.divsi %and3A_392, %jit3A_393 : i32
            %sign3A = arith.constant 0 : i32
            %sign3A_394 = arith.cmpi sgt, %and3A_392, %sign3A : i32
            %sign3A_395 = arith.extui %sign3A_394 : i1 to i32
            %sign3A_396 = arith.constant 0 : i32
            %sign3A_397 = arith.cmpi slt, %and3A_392, %sign3A_396 : i32
            %sign3A_398 = arith.extui %sign3A_397 : i1 to i32
            %sign3A_399 = arith.subi %sign3A_395, %sign3A_398 : i32
            %sign3A_400 = arith.constant 0 : i32
            %sign3A_401 = arith.cmpi sgt, %jit3A_393, %sign3A_400 : i32
            %sign3A_402 = arith.extui %sign3A_401 : i1 to i32
            %sign3A_403 = arith.constant 0 : i32
            %sign3A_404 = arith.cmpi slt, %jit3A_393, %sign3A_403 : i32
            %sign3A_405 = arith.extui %sign3A_404 : i1 to i32
            %sign3A_406 = arith.subi %sign3A_402, %sign3A_405 : i32
            %ne3A_407 = arith.cmpi ne, %sign3A_399, %sign3A_406 : i32
            %rem3A_408 = arith.remsi %and3A_392, %jit3A_393 : i32
            %ne3A_409 = arith.constant 0 : i32
            %ne3A_410 = arith.cmpi ne, %rem3A_408, %ne3A_409 : i32
            %and3A_411 = arith.andi %ne3A_407, %ne3A_410 : i1
            %sub3A_412 = arith.constant 1 : i32
            %sub3A_413 = arith.subi %div3A, %sub3A_412 : i32
            %select_n3A_414 = arith.select %and3A_411, %sub3A_413, %div3A : i32
            %mul3A_415 = arith.constant 128 : i32
            %mul3A_416 = arith.muli %select_n3A_414, %mul3A_415 : i32
            %multiple_of3A = tpu.assume_multiple %mul3A_416, 128 : i32
            %add3A_417 = arith.constant 16 : i32
            %add3A_418 = arith.addi %sub3A_48, %add3A_417 : i32
            %get3A_419 = arith.index_cast %add3A_418 : i32 to index
            %get3A_420 = tpu.vector_load %arg7[%get3A_419] {strides = array<i32>} : memref<592xi32, #tpu.memory_space<vmem>>, vector<16xi32>,
            %slice3A_421 = vector.extract_strided_slice %get3A_420 {offsets = [0], sizes = [1], strides = [1]} : vector<16xi32> to vector<1xi32>
            %squeeze3A_422 = vector.extract %slice3A_421[0] : i32 from vector<1xi32>
            %shift_right_arithmetic3A_423 = arith.constant 10 : i32
            %shift_right_arithmetic3A_424 = arith.shrsi %squeeze3A_422, %shift_right_arithmetic3A_423 : i32
            %dma_wait3A = arith.constant 256 : i32
            %dma_wait3A_425 = arith.constant 0 : i32
            %dma_wait3A_426 = tpu.memref_slice %arg9[%dma_wait3A, %dma_wait3A_425] : memref<768x128xf32, #tpu.memory_space<vmem>> -> memref<64x128xf32, #tpu.memory_space<vmem>>
            %dma_wait3A_427 = arith.constant 0 : i32
            %dma_wait3A_428 = tpu.memref_slice %arg4[%shift_right_arithmetic3A_424, %dma_wait3A_427, %multiple_of3A] : memref<1000x64x1000xf32, #tpu.memory_space<hbm>> -> memref<1x64x128xf32, #tpu.memory_space<hbm>>
            %dma_wait3A_429 = tpu.memref_squeeze %dma_wait3A_428 : memref<1x64x128xf32, #tpu.memory_space<hbm>> -> memref<64x128xf32, #tpu.memory_space<hbm>>
            %dma_wait3A_430 = arith.constant 256 : i32
            %dma_wait3A_431 = arith.constant 0 : i32
            %dma_wait3A_432 = tpu.memref_slice %arg9[%dma_wait3A_430, %dma_wait3A_431] : memref<768x128xf32, #tpu.memory_space<vmem>> -> memref<64x128xf32, #tpu.memory_space<vmem>>
            %dma_wait3A_433 = arith.constant 0 : i32
            %dma_wait3A_434 = tpu.memref_slice %arg4[%shift_right_arithmetic3A_424, %dma_wait3A_433, %multiple_of3A] : memref<1000x64x1000xf32, #tpu.memory_space<hbm>> -> memref<1x64x128xf32, #tpu.memory_space<hbm>>
            %dma_wait3A_435 = tpu.memref_squeeze %dma_wait3A_434 : memref<1x64x128xf32, #tpu.memory_space<hbm>> -> memref<64x128xf32, #tpu.memory_space<hbm>>
            tpu.wait_dma2 semaphore(%arg16 : memref<!tpu.dma_semaphore, #tpu.memory_space<semaphore_mem>>) src(%dma_wait3A_435 : memref<64x128xf32, #tpu.memory_space<hbm>>) dst(%dma_wait3A_432 : memref<64x128xf32, #tpu.memory_space<vmem>>)
            %add3A_436 = arith.constant 16 : i32
            %add3A_437 = arith.addi %sub3A_48, %add3A_436 : i32
            %get3A_438 = arith.index_cast %add3A_437 : i32 to index
            %get3A_439 = tpu.vector_load %arg7[%get3A_438] {strides = array<i32>} : memref<592xi32, #tpu.memory_space<vmem>>, vector<16xi32>,
            %slice3A_440 = vector.extract_strided_slice %get3A_439 {offsets = [0], sizes = [1], strides = [1]} : vector<16xi32> to vector<1xi32>
            %squeeze3A_441 = vector.extract %slice3A_440[0] : i32 from vector<1xi32>
            %shift_right_arithmetic3A_442 = arith.constant 10 : i32
            %shift_right_arithmetic3A_443 = arith.shrsi %squeeze3A_441, %shift_right_arithmetic3A_442 : i32
            %dma_wait3A_444 = arith.constant 4 : i32
            %dma_wait3A_445 = arith.constant 0 : i32
            %dma_wait3A_446 = tpu.memref_slice %arg10[%dma_wait3A_444, %dma_wait3A_445] : memref<12x64xf32, #tpu.memory_space<vmem>> -> memref<1x64xf32, #tpu.memory_space<vmem>>
            %dma_wait3A_447 = tpu.memref_squeeze %dma_wait3A_446 : memref<1x64xf32, #tpu.memory_space<vmem>> -> memref<64xf32, #tpu.memory_space<vmem>>
            %dma_wait3A_448 = arith.constant 0 : i32
            %dma_wait3A_449 = tpu.memref_slice %arg5[%shift_right_arithmetic3A_443, %dma_wait3A_448] : memref<1000x64xf32, #tpu.memory_space<hbm>> -> memref<1x64xf32, #tpu.memory_space<hbm>>
            %dma_wait3A_450 = tpu.memref_squeeze %dma_wait3A_449 : memref<1x64xf32, #tpu.memory_space<hbm>> -> memref<64xf32, #tpu.memory_space<hbm>>
            %dma_wait3A_451 = arith.constant 0 : i32
            %dma_wait3A_452 = tpu.memref_slice %arg10[%dma_wait3A_444, %dma_wait3A_451] : memref<12x64xf32, #tpu.memory_space<vmem>> -> memref<1x64xf32, #tpu.memory_space<vmem>>
            %dma_wait3A_453 = tpu.memref_squeeze %dma_wait3A_452 : memref<1x64xf32, #tpu.memory_space<vmem>> -> memref<64xf32, #tpu.memory_space<vmem>>
            %dma_wait3A_454 = arith.constant 0 : i32
            %dma_wait3A_455 = tpu.memref_slice %arg5[%shift_right_arithmetic3A_443, %dma_wait3A_454] : memref<1000x64xf32, #tpu.memory_space<hbm>> -> memref<1x64xf32, #tpu.memory_space<hbm>>
            %dma_wait3A_456 = tpu.memref_squeeze %dma_wait3A_455 : memref<1x64xf32, #tpu.memory_space<hbm>> -> memref<64xf32, #tpu.memory_space<hbm>>
            tpu.wait_dma2 semaphore(%arg16 : memref<!tpu.dma_semaphore, #tpu.memory_space<semaphore_mem>>) src(%dma_wait3A_456 : memref<64xf32, #tpu.memory_space<hbm>>) dst(%dma_wait3A_453 : memref<64xf32, #tpu.memory_space<vmem>>)
          } else {
          }
          %eq3A_350 = arith.constant 5 : i32
          %eq3A_351 = arith.cmpi eq, %select_n3A_72, %eq3A_350 : i32
          %convert_element_type3A_352 = arith.extui %eq3A_351 : i1 to i32
          %cond3A_353 = arith.constant 0 : i32
          %cond3A_354 = arith.cmpi ne, %convert_element_type3A_352, %cond3A_353 : i32
          scf.if %cond3A_354 {
            %add3A_385 = arith.constant 16 : i32
            %add3A_386 = arith.addi %sub3A_48, %add3A_385 : i32
            %get3A_387 = arith.index_cast %add3A_386 : i32 to index
            %get3A_388 = tpu.vector_load %arg7[%get3A_387] {strides = array<i32>} : memref<592xi32, #tpu.memory_space<vmem>>, vector<16xi32>,
            %slice3A_389 = vector.extract_strided_slice %get3A_388 {offsets = [0], sizes = [1], strides = [1]} : vector<16xi32> to vector<1xi32>
            %squeeze3A_390 = vector.extract %slice3A_389[0] : i32 from vector<1xi32>
            %and3A_391 = arith.constant 1023 : i32
            %and3A_392 = arith.andi %squeeze3A_390, %and3A_391 : i32
            %jit3A_393 = arith.constant 128 : i32
            %div3A = arith.divsi %and3A_392, %jit3A_393 : i32
            %sign3A = arith.constant 0 : i32
            %sign3A_394 = arith.cmpi sgt, %and3A_392, %sign3A : i32
            %sign3A_395 = arith.extui %sign3A_394 : i1 to i32
            %sign3A_396 = arith.constant 0 : i32
            %sign3A_397 = arith.cmpi slt, %and3A_392, %sign3A_396 : i32
            %sign3A_398 = arith.extui %sign3A_397 : i1 to i32
            %sign3A_399 = arith.subi %sign3A_395, %sign3A_398 : i32
            %sign3A_400 = arith.constant 0 : i32
            %sign3A_401 = arith.cmpi sgt, %jit3A_393, %sign3A_400 : i32
            %sign3A_402 = arith.extui %sign3A_401 : i1 to i32
            %sign3A_403 = arith.constant 0 : i32
            %sign3A_404 = arith.cmpi slt, %jit3A_393, %sign3A_403 : i32
            %sign3A_405 = arith.extui %sign3A_404 : i1 to i32
            %sign3A_406 = arith.subi %sign3A_402, %sign3A_405 : i32
            %ne3A_407 = arith.cmpi ne, %sign3A_399, %sign3A_406 : i32
            %rem3A_408 = arith.remsi %and3A_392, %jit3A_393 : i32
            %ne3A_409 = arith.constant 0 : i32
            %ne3A_410 = arith.cmpi ne, %rem3A_408, %ne3A_409 : i32
            %and3A_411 = arith.andi %ne3A_407, %ne3A_410 : i1
            %sub3A_412 = arith.constant 1 : i32
            %sub3A_413 = arith.subi %div3A, %sub3A_412 : i32
            %select_n3A_414 = arith.select %and3A_411, %sub3A_413, %div3A : i32
            %mul3A_415 = arith.constant 128 : i32
            %mul3A_416 = arith.muli %select_n3A_414, %mul3A_415 : i32
            %multiple_of3A = tpu.assume_multiple %mul3A_416, 128 : i32
            %add3A_417 = arith.constant 16 : i32
            %add3A_418 = arith.addi %sub3A_48, %add3A_417 : i32
            %get3A_419 = arith.index_cast %add3A_418 : i32 to index
            %get3A_420 = tpu.vector_load %arg7[%get3A_419] {strides = array<i32>} : memref<592xi32, #tpu.memory_space<vmem>>, vector<16xi32>,
            %slice3A_421 = vector.extract_strided_slice %get3A_420 {offsets = [0], sizes = [1], strides = [1]} : vector<16xi32> to vector<1xi32>
            %squeeze3A_422 = vector.extract %slice3A_421[0] : i32 from vector<1xi32>
            %shift_right_arithmetic3A_423 = arith.constant 10 : i32
            %shift_right_arithmetic3A_424 = arith.shrsi %squeeze3A_422, %shift_right_arithmetic3A_423 : i32
            %dma_wait3A = arith.constant 320 : i32
            %dma_wait3A_425 = arith.constant 0 : i32
            %dma_wait3A_426 = tpu.memref_slice %arg9[%dma_wait3A, %dma_wait3A_425] : memref<768x128xf32, #tpu.memory_space<vmem>> -> memref<64x128xf32, #tpu.memory_space<vmem>>
            %dma_wait3A_427 = arith.constant 0 : i32
            %dma_wait3A_428 = tpu.memref_slice %arg4[%shift_right_arithmetic3A_424, %dma_wait3A_427, %multiple_of3A] : memref<1000x64x1000xf32, #tpu.memory_space<hbm>> -> memref<1x64x128xf32, #tpu.memory_space<hbm>>
            %dma_wait3A_429 = tpu.memref_squeeze %dma_wait3A_428 : memref<1x64x128xf32, #tpu.memory_space<hbm>> -> memref<64x128xf32, #tpu.memory_space<hbm>>
            %dma_wait3A_430 = arith.constant 320 : i32
            %dma_wait3A_431 = arith.constant 0 : i32
            %dma_wait3A_432 = tpu.memref_slice %arg9[%dma_wait3A_430, %dma_wait3A_431] : memref<768x128xf32, #tpu.memory_space<vmem>> -> memref<64x128xf32, #tpu.memory_space<vmem>>
            %dma_wait3A_433 = arith.constant 0 : i32
            %dma_wait3A_434 = tpu.memref_slice %arg4[%shift_right_arithmetic3A_424, %dma_wait3A_433, %multiple_of3A] : memref<1000x64x1000xf32, #tpu.memory_space<hbm>> -> memref<1x64x128xf32, #tpu.memory_space<hbm>>
            %dma_wait3A_435 = tpu.memref_squeeze %dma_wait3A_434 : memref<1x64x128xf32, #tpu.memory_space<hbm>> -> memref<64x128xf32, #tpu.memory_space<hbm>>
            tpu.wait_dma2 semaphore(%arg17 : memref<!tpu.dma_semaphore, #tpu.memory_space<semaphore_mem>>) src(%dma_wait3A_435 : memref<64x128xf32, #tpu.memory_space<hbm>>) dst(%dma_wait3A_432 : memref<64x128xf32, #tpu.memory_space<vmem>>)
            %add3A_436 = arith.constant 16 : i32
            %add3A_437 = arith.addi %sub3A_48, %add3A_436 : i32
            %get3A_438 = arith.index_cast %add3A_437 : i32 to index
            %get3A_439 = tpu.vector_load %arg7[%get3A_438] {strides = array<i32>} : memref<592xi32, #tpu.memory_space<vmem>>, vector<16xi32>,
            %slice3A_440 = vector.extract_strided_slice %get3A_439 {offsets = [0], sizes = [1], strides = [1]} : vector<16xi32> to vector<1xi32>
            %squeeze3A_441 = vector.extract %slice3A_440[0] : i32 from vector<1xi32>
            %shift_right_arithmetic3A_442 = arith.constant 10 : i32
            %shift_right_arithmetic3A_443 = arith.shrsi %squeeze3A_441, %shift_right_arithmetic3A_442 : i32
            %dma_wait3A_444 = arith.constant 5 : i32
            %dma_wait3A_445 = arith.constant 0 : i32
            %dma_wait3A_446 = tpu.memref_slice %arg10[%dma_wait3A_444, %dma_wait3A_445] : memref<12x64xf32, #tpu.memory_space<vmem>> -> memref<1x64xf32, #tpu.memory_space<vmem>>
            %dma_wait3A_447 = tpu.memref_squeeze %dma_wait3A_446 : memref<1x64xf32, #tpu.memory_space<vmem>> -> memref<64xf32, #tpu.memory_space<vmem>>
            %dma_wait3A_448 = arith.constant 0 : i32
            %dma_wait3A_449 = tpu.memref_slice %arg5[%shift_right_arithmetic3A_443, %dma_wait3A_448] : memref<1000x64xf32, #tpu.memory_space<hbm>> -> memref<1x64xf32, #tpu.memory_space<hbm>>
            %dma_wait3A_450 = tpu.memref_squeeze %dma_wait3A_449 : memref<1x64xf32, #tpu.memory_space<hbm>> -> memref<64xf32, #tpu.memory_space<hbm>>
            %dma_wait3A_451 = arith.constant 0 : i32
            %dma_wait3A_452 = tpu.memref_slice %arg10[%dma_wait3A_444, %dma_wait3A_451] : memref<12x64xf32, #tpu.memory_space<vmem>> -> memref<1x64xf32, #tpu.memory_space<vmem>>
            %dma_wait3A_453 = tpu.memref_squeeze %dma_wait3A_452 : memref<1x64xf32, #tpu.memory_space<vmem>> -> memref<64xf32, #tpu.memory_space<vmem>>
            %dma_wait3A_454 = arith.constant 0 : i32
            %dma_wait3A_455 = tpu.memref_slice %arg5[%shift_right_arithmetic3A_443, %dma_wait3A_454] : memref<1000x64xf32, #tpu.memory_space<hbm>> -> memref<1x64xf32, #tpu.memory_space<hbm>>
            %dma_wait3A_456 = tpu.memref_squeeze %dma_wait3A_455 : memref<1x64xf32, #tpu.memory_space<hbm>> -> memref<64xf32, #tpu.memory_space<hbm>>
            tpu.wait_dma2 semaphore(%arg17 : memref<!tpu.dma_semaphore, #tpu.memory_space<semaphore_mem>>) src(%dma_wait3A_456 : memref<64xf32, #tpu.memory_space<hbm>>) dst(%dma_wait3A_453 : memref<64xf32, #tpu.memory_space<vmem>>)
          } else {
          }
          %eq3A_355 = arith.constant 6 : i32
          %eq3A_356 = arith.cmpi eq, %select_n3A_72, %eq3A_355 : i32
          %convert_element_type3A_357 = arith.extui %eq3A_356 : i1 to i32
          %cond3A_358 = arith.constant 0 : i32
          %cond3A_359 = arith.cmpi ne, %convert_element_type3A_357, %cond3A_358 : i32
          scf.if %cond3A_359 {
            %add3A_385 = arith.constant 16 : i32
            %add3A_386 = arith.addi %sub3A_48, %add3A_385 : i32
            %get3A_387 = arith.index_cast %add3A_386 : i32 to index
            %get3A_388 = tpu.vector_load %arg7[%get3A_387] {strides = array<i32>} : memref<592xi32, #tpu.memory_space<vmem>>, vector<16xi32>,
            %slice3A_389 = vector.extract_strided_slice %get3A_388 {offsets = [0], sizes = [1], strides = [1]} : vector<16xi32> to vector<1xi32>
            %squeeze3A_390 = vector.extract %slice3A_389[0] : i32 from vector<1xi32>
            %and3A_391 = arith.constant 1023 : i32
            %and3A_392 = arith.andi %squeeze3A_390, %and3A_391 : i32
            %jit3A_393 = arith.constant 128 : i32
            %div3A = arith.divsi %and3A_392, %jit3A_393 : i32
            %sign3A = arith.constant 0 : i32
            %sign3A_394 = arith.cmpi sgt, %and3A_392, %sign3A : i32
            %sign3A_395 = arith.extui %sign3A_394 : i1 to i32
            %sign3A_396 = arith.constant 0 : i32
            %sign3A_397 = arith.cmpi slt, %and3A_392, %sign3A_396 : i32
            %sign3A_398 = arith.extui %sign3A_397 : i1 to i32
            %sign3A_399 = arith.subi %sign3A_395, %sign3A_398 : i32
            %sign3A_400 = arith.constant 0 : i32
            %sign3A_401 = arith.cmpi sgt, %jit3A_393, %sign3A_400 : i32
            %sign3A_402 = arith.extui %sign3A_401 : i1 to i32
            %sign3A_403 = arith.constant 0 : i32
            %sign3A_404 = arith.cmpi slt, %jit3A_393, %sign3A_403 : i32
            %sign3A_405 = arith.extui %sign3A_404 : i1 to i32
            %sign3A_406 = arith.subi %sign3A_402, %sign3A_405 : i32
            %ne3A_407 = arith.cmpi ne, %sign3A_399, %sign3A_406 : i32
            %rem3A_408 = arith.remsi %and3A_392, %jit3A_393 : i32
            %ne3A_409 = arith.constant 0 : i32
            %ne3A_410 = arith.cmpi ne, %rem3A_408, %ne3A_409 : i32
            %and3A_411 = arith.andi %ne3A_407, %ne3A_410 : i1
            %sub3A_412 = arith.constant 1 : i32
            %sub3A_413 = arith.subi %div3A, %sub3A_412 : i32
            %select_n3A_414 = arith.select %and3A_411, %sub3A_413, %div3A : i32
            %mul3A_415 = arith.constant 128 : i32
            %mul3A_416 = arith.muli %select_n3A_414, %mul3A_415 : i32
            %multiple_of3A = tpu.assume_multiple %mul3A_416, 128 : i32
            %add3A_417 = arith.constant 16 : i32
            %add3A_418 = arith.addi %sub3A_48, %add3A_417 : i32
            %get3A_419 = arith.index_cast %add3A_418 : i32 to index
            %get3A_420 = tpu.vector_load %arg7[%get3A_419] {strides = array<i32>} : memref<592xi32, #tpu.memory_space<vmem>>, vector<16xi32>,
            %slice3A_421 = vector.extract_strided_slice %get3A_420 {offsets = [0], sizes = [1], strides = [1]} : vector<16xi32> to vector<1xi32>
            %squeeze3A_422 = vector.extract %slice3A_421[0] : i32 from vector<1xi32>
            %shift_right_arithmetic3A_423 = arith.constant 10 : i32
            %shift_right_arithmetic3A_424 = arith.shrsi %squeeze3A_422, %shift_right_arithmetic3A_423 : i32
            %dma_wait3A = arith.constant 384 : i32
            %dma_wait3A_425 = arith.constant 0 : i32
            %dma_wait3A_426 = tpu.memref_slice %arg9[%dma_wait3A, %dma_wait3A_425] : memref<768x128xf32, #tpu.memory_space<vmem>> -> memref<64x128xf32, #tpu.memory_space<vmem>>
            %dma_wait3A_427 = arith.constant 0 : i32
            %dma_wait3A_428 = tpu.memref_slice %arg4[%shift_right_arithmetic3A_424, %dma_wait3A_427, %multiple_of3A] : memref<1000x64x1000xf32, #tpu.memory_space<hbm>> -> memref<1x64x128xf32, #tpu.memory_space<hbm>>
            %dma_wait3A_429 = tpu.memref_squeeze %dma_wait3A_428 : memref<1x64x128xf32, #tpu.memory_space<hbm>> -> memref<64x128xf32, #tpu.memory_space<hbm>>
            %dma_wait3A_430 = arith.constant 384 : i32
            %dma_wait3A_431 = arith.constant 0 : i32
            %dma_wait3A_432 = tpu.memref_slice %arg9[%dma_wait3A_430, %dma_wait3A_431] : memref<768x128xf32, #tpu.memory_space<vmem>> -> memref<64x128xf32, #tpu.memory_space<vmem>>
            %dma_wait3A_433 = arith.constant 0 : i32
            %dma_wait3A_434 = tpu.memref_slice %arg4[%shift_right_arithmetic3A_424, %dma_wait3A_433, %multiple_of3A] : memref<1000x64x1000xf32, #tpu.memory_space<hbm>> -> memref<1x64x128xf32, #tpu.memory_space<hbm>>
            %dma_wait3A_435 = tpu.memref_squeeze %dma_wait3A_434 : memref<1x64x128xf32, #tpu.memory_space<hbm>> -> memref<64x128xf32, #tpu.memory_space<hbm>>
            tpu.wait_dma2 semaphore(%arg18 : memref<!tpu.dma_semaphore, #tpu.memory_space<semaphore_mem>>) src(%dma_wait3A_435 : memref<64x128xf32, #tpu.memory_space<hbm>>) dst(%dma_wait3A_432 : memref<64x128xf32, #tpu.memory_space<vmem>>)
            %add3A_436 = arith.constant 16 : i32
            %add3A_437 = arith.addi %sub3A_48, %add3A_436 : i32
            %get3A_438 = arith.index_cast %add3A_437 : i32 to index
            %get3A_439 = tpu.vector_load %arg7[%get3A_438] {strides = array<i32>} : memref<592xi32, #tpu.memory_space<vmem>>, vector<16xi32>,
            %slice3A_440 = vector.extract_strided_slice %get3A_439 {offsets = [0], sizes = [1], strides = [1]} : vector<16xi32> to vector<1xi32>
            %squeeze3A_441 = vector.extract %slice3A_440[0] : i32 from vector<1xi32>
            %shift_right_arithmetic3A_442 = arith.constant 10 : i32
            %shift_right_arithmetic3A_443 = arith.shrsi %squeeze3A_441, %shift_right_arithmetic3A_442 : i32
            %dma_wait3A_444 = arith.constant 6 : i32
            %dma_wait3A_445 = arith.constant 0 : i32
            %dma_wait3A_446 = tpu.memref_slice %arg10[%dma_wait3A_444, %dma_wait3A_445] : memref<12x64xf32, #tpu.memory_space<vmem>> -> memref<1x64xf32, #tpu.memory_space<vmem>>
            %dma_wait3A_447 = tpu.memref_squeeze %dma_wait3A_446 : memref<1x64xf32, #tpu.memory_space<vmem>> -> memref<64xf32, #tpu.memory_space<vmem>>
            %dma_wait3A_448 = arith.constant 0 : i32
            %dma_wait3A_449 = tpu.memref_slice %arg5[%shift_right_arithmetic3A_443, %dma_wait3A_448] : memref<1000x64xf32, #tpu.memory_space<hbm>> -> memref<1x64xf32, #tpu.memory_space<hbm>>
            %dma_wait3A_450 = tpu.memref_squeeze %dma_wait3A_449 : memref<1x64xf32, #tpu.memory_space<hbm>> -> memref<64xf32, #tpu.memory_space<hbm>>
            %dma_wait3A_451 = arith.constant 0 : i32
            %dma_wait3A_452 = tpu.memref_slice %arg10[%dma_wait3A_444, %dma_wait3A_451] : memref<12x64xf32, #tpu.memory_space<vmem>> -> memref<1x64xf32, #tpu.memory_space<vmem>>
            %dma_wait3A_453 = tpu.memref_squeeze %dma_wait3A_452 : memref<1x64xf32, #tpu.memory_space<vmem>> -> memref<64xf32, #tpu.memory_space<vmem>>
            %dma_wait3A_454 = arith.constant 0 : i32
            %dma_wait3A_455 = tpu.memref_slice %arg5[%shift_right_arithmetic3A_443, %dma_wait3A_454] : memref<1000x64xf32, #tpu.memory_space<hbm>> -> memref<1x64xf32, #tpu.memory_space<hbm>>
            %dma_wait3A_456 = tpu.memref_squeeze %dma_wait3A_455 : memref<1x64xf32, #tpu.memory_space<hbm>> -> memref<64xf32, #tpu.memory_space<hbm>>
            tpu.wait_dma2 semaphore(%arg18 : memref<!tpu.dma_semaphore, #tpu.memory_space<semaphore_mem>>) src(%dma_wait3A_456 : memref<64xf32, #tpu.memory_space<hbm>>) dst(%dma_wait3A_453 : memref<64xf32, #tpu.memory_space<vmem>>)
          } else {
          }
          %eq3A_360 = arith.constant 7 : i32
          %eq3A_361 = arith.cmpi eq, %select_n3A_72, %eq3A_360 : i32
          %convert_element_type3A_362 = arith.extui %eq3A_361 : i1 to i32
          %cond3A_363 = arith.constant 0 : i32
          %cond3A_364 = arith.cmpi ne, %convert_element_type3A_362, %cond3A_363 : i32
          scf.if %cond3A_364 {
            %add3A_385 = arith.constant 16 : i32
            %add3A_386 = arith.addi %sub3A_48, %add3A_385 : i32
            %get3A_387 = arith.index_cast %add3A_386 : i32 to index
            %get3A_388 = tpu.vector_load %arg7[%get3A_387] {strides = array<i32>} : memref<592xi32, #tpu.memory_space<vmem>>, vector<16xi32>,
            %slice3A_389 = vector.extract_strided_slice %get3A_388 {offsets = [0], sizes = [1], strides = [1]} : vector<16xi32> to vector<1xi32>
            %squeeze3A_390 = vector.extract %slice3A_389[0] : i32 from vector<1xi32>
            %and3A_391 = arith.constant 1023 : i32
            %and3A_392 = arith.andi %squeeze3A_390, %and3A_391 : i32
            %jit3A_393 = arith.constant 128 : i32
            %div3A = arith.divsi %and3A_392, %jit3A_393 : i32
            %sign3A = arith.constant 0 : i32
            %sign3A_394 = arith.cmpi sgt, %and3A_392, %sign3A : i32
            %sign3A_395 = arith.extui %sign3A_394 : i1 to i32
            %sign3A_396 = arith.constant 0 : i32
            %sign3A_397 = arith.cmpi slt, %and3A_392, %sign3A_396 : i32
            %sign3A_398 = arith.extui %sign3A_397 : i1 to i32
            %sign3A_399 = arith.subi %sign3A_395, %sign3A_398 : i32
            %sign3A_400 = arith.constant 0 : i32
            %sign3A_401 = arith.cmpi sgt, %jit3A_393, %sign3A_400 : i32
            %sign3A_402 = arith.extui %sign3A_401 : i1 to i32
            %sign3A_403 = arith.constant 0 : i32
            %sign3A_404 = arith.cmpi slt, %jit3A_393, %sign3A_403 : i32
            %sign3A_405 = arith.extui %sign3A_404 : i1 to i32
            %sign3A_406 = arith.subi %sign3A_402, %sign3A_405 : i32
            %ne3A_407 = arith.cmpi ne, %sign3A_399, %sign3A_406 : i32
            %rem3A_408 = arith.remsi %and3A_392, %jit3A_393 : i32
            %ne3A_409 = arith.constant 0 : i32
            %ne3A_410 = arith.cmpi ne, %rem3A_408, %ne3A_409 : i32
            %and3A_411 = arith.andi %ne3A_407, %ne3A_410 : i1
            %sub3A_412 = arith.constant 1 : i32
            %sub3A_413 = arith.subi %div3A, %sub3A_412 : i32
            %select_n3A_414 = arith.select %and3A_411, %sub3A_413, %div3A : i32
            %mul3A_415 = arith.constant 128 : i32
            %mul3A_416 = arith.muli %select_n3A_414, %mul3A_415 : i32
            %multiple_of3A = tpu.assume_multiple %mul3A_416, 128 : i32
            %add3A_417 = arith.constant 16 : i32
            %add3A_418 = arith.addi %sub3A_48, %add3A_417 : i32
            %get3A_419 = arith.index_cast %add3A_418 : i32 to index
            %get3A_420 = tpu.vector_load %arg7[%get3A_419] {strides = array<i32>} : memref<592xi32, #tpu.memory_space<vmem>>, vector<16xi32>,
            %slice3A_421 = vector.extract_strided_slice %get3A_420 {offsets = [0], sizes = [1], strides = [1]} : vector<16xi32> to vector<1xi32>
            %squeeze3A_422 = vector.extract %slice3A_421[0] : i32 from vector<1xi32>
            %shift_right_arithmetic3A_423 = arith.constant 10 : i32
            %shift_right_arithmetic3A_424 = arith.shrsi %squeeze3A_422, %shift_right_arithmetic3A_423 : i32
            %dma_wait3A = arith.constant 448 : i32
            %dma_wait3A_425 = arith.constant 0 : i32
            %dma_wait3A_426 = tpu.memref_slice %arg9[%dma_wait3A, %dma_wait3A_425] : memref<768x128xf32, #tpu.memory_space<vmem>> -> memref<64x128xf32, #tpu.memory_space<vmem>>
            %dma_wait3A_427 = arith.constant 0 : i32
            %dma_wait3A_428 = tpu.memref_slice %arg4[%shift_right_arithmetic3A_424, %dma_wait3A_427, %multiple_of3A] : memref<1000x64x1000xf32, #tpu.memory_space<hbm>> -> memref<1x64x128xf32, #tpu.memory_space<hbm>>
            %dma_wait3A_429 = tpu.memref_squeeze %dma_wait3A_428 : memref<1x64x128xf32, #tpu.memory_space<hbm>> -> memref<64x128xf32, #tpu.memory_space<hbm>>
            %dma_wait3A_430 = arith.constant 448 : i32
            %dma_wait3A_431 = arith.constant 0 : i32
            %dma_wait3A_432 = tpu.memref_slice %arg9[%dma_wait3A_430, %dma_wait3A_431] : memref<768x128xf32, #tpu.memory_space<vmem>> -> memref<64x128xf32, #tpu.memory_space<vmem>>
            %dma_wait3A_433 = arith.constant 0 : i32
            %dma_wait3A_434 = tpu.memref_slice %arg4[%shift_right_arithmetic3A_424, %dma_wait3A_433, %multiple_of3A] : memref<1000x64x1000xf32, #tpu.memory_space<hbm>> -> memref<1x64x128xf32, #tpu.memory_space<hbm>>
            %dma_wait3A_435 = tpu.memref_squeeze %dma_wait3A_434 : memref<1x64x128xf32, #tpu.memory_space<hbm>> -> memref<64x128xf32, #tpu.memory_space<hbm>>
            tpu.wait_dma2 semaphore(%arg19 : memref<!tpu.dma_semaphore, #tpu.memory_space<semaphore_mem>>) src(%dma_wait3A_435 : memref<64x128xf32, #tpu.memory_space<hbm>>) dst(%dma_wait3A_432 : memref<64x128xf32, #tpu.memory_space<vmem>>)
            %add3A_436 = arith.constant 16 : i32
            %add3A_437 = arith.addi %sub3A_48, %add3A_436 : i32
            %get3A_438 = arith.index_cast %add3A_437 : i32 to index
            %get3A_439 = tpu.vector_load %arg7[%get3A_438] {strides = array<i32>} : memref<592xi32, #tpu.memory_space<vmem>>, vector<16xi32>,
            %slice3A_440 = vector.extract_strided_slice %get3A_439 {offsets = [0], sizes = [1], strides = [1]} : vector<16xi32> to vector<1xi32>
            %squeeze3A_441 = vector.extract %slice3A_440[0] : i32 from vector<1xi32>
            %shift_right_arithmetic3A_442 = arith.constant 10 : i32
            %shift_right_arithmetic3A_443 = arith.shrsi %squeeze3A_441, %shift_right_arithmetic3A_442 : i32
            %dma_wait3A_444 = arith.constant 7 : i32
            %dma_wait3A_445 = arith.constant 0 : i32
            %dma_wait3A_446 = tpu.memref_slice %arg10[%dma_wait3A_444, %dma_wait3A_445] : memref<12x64xf32, #tpu.memory_space<vmem>> -> memref<1x64xf32, #tpu.memory_space<vmem>>
            %dma_wait3A_447 = tpu.memref_squeeze %dma_wait3A_446 : memref<1x64xf32, #tpu.memory_space<vmem>> -> memref<64xf32, #tpu.memory_space<vmem>>
            %dma_wait3A_448 = arith.constant 0 : i32
            %dma_wait3A_449 = tpu.memref_slice %arg5[%shift_right_arithmetic3A_443, %dma_wait3A_448] : memref<1000x64xf32, #tpu.memory_space<hbm>> -> memref<1x64xf32, #tpu.memory_space<hbm>>
            %dma_wait3A_450 = tpu.memref_squeeze %dma_wait3A_449 : memref<1x64xf32, #tpu.memory_space<hbm>> -> memref<64xf32, #tpu.memory_space<hbm>>
            %dma_wait3A_451 = arith.constant 0 : i32
            %dma_wait3A_452 = tpu.memref_slice %arg10[%dma_wait3A_444, %dma_wait3A_451] : memref<12x64xf32, #tpu.memory_space<vmem>> -> memref<1x64xf32, #tpu.memory_space<vmem>>
            %dma_wait3A_453 = tpu.memref_squeeze %dma_wait3A_452 : memref<1x64xf32, #tpu.memory_space<vmem>> -> memref<64xf32, #tpu.memory_space<vmem>>
            %dma_wait3A_454 = arith.constant 0 : i32
            %dma_wait3A_455 = tpu.memref_slice %arg5[%shift_right_arithmetic3A_443, %dma_wait3A_454] : memref<1000x64xf32, #tpu.memory_space<hbm>> -> memref<1x64xf32, #tpu.memory_space<hbm>>
            %dma_wait3A_456 = tpu.memref_squeeze %dma_wait3A_455 : memref<1x64xf32, #tpu.memory_space<hbm>> -> memref<64xf32, #tpu.memory_space<hbm>>
            tpu.wait_dma2 semaphore(%arg19 : memref<!tpu.dma_semaphore, #tpu.memory_space<semaphore_mem>>) src(%dma_wait3A_456 : memref<64xf32, #tpu.memory_space<hbm>>) dst(%dma_wait3A_453 : memref<64xf32, #tpu.memory_space<vmem>>)
          } else {
          }
          %eq3A_365 = arith.constant 8 : i32
          %eq3A_366 = arith.cmpi eq, %select_n3A_72, %eq3A_365 : i32
          %convert_element_type3A_367 = arith.extui %eq3A_366 : i1 to i32
          %cond3A_368 = arith.constant 0 : i32
          %cond3A_369 = arith.cmpi ne, %convert_element_type3A_367, %cond3A_368 : i32
          scf.if %cond3A_369 {
            %add3A_385 = arith.constant 16 : i32
            %add3A_386 = arith.addi %sub3A_48, %add3A_385 : i32
            %get3A_387 = arith.index_cast %add3A_386 : i32 to index
            %get3A_388 = tpu.vector_load %arg7[%get3A_387] {strides = array<i32>} : memref<592xi32, #tpu.memory_space<vmem>>, vector<16xi32>,
            %slice3A_389 = vector.extract_strided_slice %get3A_388 {offsets = [0], sizes = [1], strides = [1]} : vector<16xi32> to vector<1xi32>
            %squeeze3A_390 = vector.extract %slice3A_389[0] : i32 from vector<1xi32>
            %and3A_391 = arith.constant 1023 : i32
            %and3A_392 = arith.andi %squeeze3A_390, %and3A_391 : i32
            %jit3A_393 = arith.constant 128 : i32
            %div3A = arith.divsi %and3A_392, %jit3A_393 : i32
            %sign3A = arith.constant 0 : i32
            %sign3A_394 = arith.cmpi sgt, %and3A_392, %sign3A : i32
            %sign3A_395 = arith.extui %sign3A_394 : i1 to i32
            %sign3A_396 = arith.constant 0 : i32
            %sign3A_397 = arith.cmpi slt, %and3A_392, %sign3A_396 : i32
            %sign3A_398 = arith.extui %sign3A_397 : i1 to i32
            %sign3A_399 = arith.subi %sign3A_395, %sign3A_398 : i32
            %sign3A_400 = arith.constant 0 : i32
            %sign3A_401 = arith.cmpi sgt, %jit3A_393, %sign3A_400 : i32
            %sign3A_402 = arith.extui %sign3A_401 : i1 to i32
            %sign3A_403 = arith.constant 0 : i32
            %sign3A_404 = arith.cmpi slt, %jit3A_393, %sign3A_403 : i32
            %sign3A_405 = arith.extui %sign3A_404 : i1 to i32
            %sign3A_406 = arith.subi %sign3A_402, %sign3A_405 : i32
            %ne3A_407 = arith.cmpi ne, %sign3A_399, %sign3A_406 : i32
            %rem3A_408 = arith.remsi %and3A_392, %jit3A_393 : i32
            %ne3A_409 = arith.constant 0 : i32
            %ne3A_410 = arith.cmpi ne, %rem3A_408, %ne3A_409 : i32
            %and3A_411 = arith.andi %ne3A_407, %ne3A_410 : i1
            %sub3A_412 = arith.constant 1 : i32
            %sub3A_413 = arith.subi %div3A, %sub3A_412 : i32
            %select_n3A_414 = arith.select %and3A_411, %sub3A_413, %div3A : i32
            %mul3A_415 = arith.constant 128 : i32
            %mul3A_416 = arith.muli %select_n3A_414, %mul3A_415 : i32
            %multiple_of3A = tpu.assume_multiple %mul3A_416, 128 : i32
            %add3A_417 = arith.constant 16 : i32
            %add3A_418 = arith.addi %sub3A_48, %add3A_417 : i32
            %get3A_419 = arith.index_cast %add3A_418 : i32 to index
            %get3A_420 = tpu.vector_load %arg7[%get3A_419] {strides = array<i32>} : memref<592xi32, #tpu.memory_space<vmem>>, vector<16xi32>,
            %slice3A_421 = vector.extract_strided_slice %get3A_420 {offsets = [0], sizes = [1], strides = [1]} : vector<16xi32> to vector<1xi32>
            %squeeze3A_422 = vector.extract %slice3A_421[0] : i32 from vector<1xi32>
            %shift_right_arithmetic3A_423 = arith.constant 10 : i32
            %shift_right_arithmetic3A_424 = arith.shrsi %squeeze3A_422, %shift_right_arithmetic3A_423 : i32
            %dma_wait3A = arith.constant 512 : i32
            %dma_wait3A_425 = arith.constant 0 : i32
            %dma_wait3A_426 = tpu.memref_slice %arg9[%dma_wait3A, %dma_wait3A_425] : memref<768x128xf32, #tpu.memory_space<vmem>> -> memref<64x128xf32, #tpu.memory_space<vmem>>
            %dma_wait3A_427 = arith.constant 0 : i32
            %dma_wait3A_428 = tpu.memref_slice %arg4[%shift_right_arithmetic3A_424, %dma_wait3A_427, %multiple_of3A] : memref<1000x64x1000xf32, #tpu.memory_space<hbm>> -> memref<1x64x128xf32, #tpu.memory_space<hbm>>
            %dma_wait3A_429 = tpu.memref_squeeze %dma_wait3A_428 : memref<1x64x128xf32, #tpu.memory_space<hbm>> -> memref<64x128xf32, #tpu.memory_space<hbm>>
            %dma_wait3A_430 = arith.constant 512 : i32
            %dma_wait3A_431 = arith.constant 0 : i32
            %dma_wait3A_432 = tpu.memref_slice %arg9[%dma_wait3A_430, %dma_wait3A_431] : memref<768x128xf32, #tpu.memory_space<vmem>> -> memref<64x128xf32, #tpu.memory_space<vmem>>
            %dma_wait3A_433 = arith.constant 0 : i32
            %dma_wait3A_434 = tpu.memref_slice %arg4[%shift_right_arithmetic3A_424, %dma_wait3A_433, %multiple_of3A] : memref<1000x64x1000xf32, #tpu.memory_space<hbm>> -> memref<1x64x128xf32, #tpu.memory_space<hbm>>
            %dma_wait3A_435 = tpu.memref_squeeze %dma_wait3A_434 : memref<1x64x128xf32, #tpu.memory_space<hbm>> -> memref<64x128xf32, #tpu.memory_space<hbm>>
            tpu.wait_dma2 semaphore(%arg20 : memref<!tpu.dma_semaphore, #tpu.memory_space<semaphore_mem>>) src(%dma_wait3A_435 : memref<64x128xf32, #tpu.memory_space<hbm>>) dst(%dma_wait3A_432 : memref<64x128xf32, #tpu.memory_space<vmem>>)
            %add3A_436 = arith.constant 16 : i32
            %add3A_437 = arith.addi %sub3A_48, %add3A_436 : i32
            %get3A_438 = arith.index_cast %add3A_437 : i32 to index
            %get3A_439 = tpu.vector_load %arg7[%get3A_438] {strides = array<i32>} : memref<592xi32, #tpu.memory_space<vmem>>, vector<16xi32>,
            %slice3A_440 = vector.extract_strided_slice %get3A_439 {offsets = [0], sizes = [1], strides = [1]} : vector<16xi32> to vector<1xi32>
            %squeeze3A_441 = vector.extract %slice3A_440[0] : i32 from vector<1xi32>
            %shift_right_arithmetic3A_442 = arith.constant 10 : i32
            %shift_right_arithmetic3A_443 = arith.shrsi %squeeze3A_441, %shift_right_arithmetic3A_442 : i32
            %dma_wait3A_444 = arith.constant 8 : i32
            %dma_wait3A_445 = arith.constant 0 : i32
            %dma_wait3A_446 = tpu.memref_slice %arg10[%dma_wait3A_444, %dma_wait3A_445] : memref<12x64xf32, #tpu.memory_space<vmem>> -> memref<1x64xf32, #tpu.memory_space<vmem>>
            %dma_wait3A_447 = tpu.memref_squeeze %dma_wait3A_446 : memref<1x64xf32, #tpu.memory_space<vmem>> -> memref<64xf32, #tpu.memory_space<vmem>>
            %dma_wait3A_448 = arith.constant 0 : i32
            %dma_wait3A_449 = tpu.memref_slice %arg5[%shift_right_arithmetic3A_443, %dma_wait3A_448] : memref<1000x64xf32, #tpu.memory_space<hbm>> -> memref<1x64xf32, #tpu.memory_space<hbm>>
            %dma_wait3A_450 = tpu.memref_squeeze %dma_wait3A_449 : memref<1x64xf32, #tpu.memory_space<hbm>> -> memref<64xf32, #tpu.memory_space<hbm>>
            %dma_wait3A_451 = arith.constant 0 : i32
            %dma_wait3A_452 = tpu.memref_slice %arg10[%dma_wait3A_444, %dma_wait3A_451] : memref<12x64xf32, #tpu.memory_space<vmem>> -> memref<1x64xf32, #tpu.memory_space<vmem>>
            %dma_wait3A_453 = tpu.memref_squeeze %dma_wait3A_452 : memref<1x64xf32, #tpu.memory_space<vmem>> -> memref<64xf32, #tpu.memory_space<vmem>>
            %dma_wait3A_454 = arith.constant 0 : i32
            %dma_wait3A_455 = tpu.memref_slice %arg5[%shift_right_arithmetic3A_443, %dma_wait3A_454] : memref<1000x64xf32, #tpu.memory_space<hbm>> -> memref<1x64xf32, #tpu.memory_space<hbm>>
            %dma_wait3A_456 = tpu.memref_squeeze %dma_wait3A_455 : memref<1x64xf32, #tpu.memory_space<hbm>> -> memref<64xf32, #tpu.memory_space<hbm>>
            tpu.wait_dma2 semaphore(%arg20 : memref<!tpu.dma_semaphore, #tpu.memory_space<semaphore_mem>>) src(%dma_wait3A_456 : memref<64xf32, #tpu.memory_space<hbm>>) dst(%dma_wait3A_453 : memref<64xf32, #tpu.memory_space<vmem>>)
          } else {
          }
          %eq3A_370 = arith.constant 9 : i32
          %eq3A_371 = arith.cmpi eq, %select_n3A_72, %eq3A_370 : i32
          %convert_element_type3A_372 = arith.extui %eq3A_371 : i1 to i32
          %cond3A_373 = arith.constant 0 : i32
          %cond3A_374 = arith.cmpi ne, %convert_element_type3A_372, %cond3A_373 : i32
          scf.if %cond3A_374 {
            %add3A_385 = arith.constant 16 : i32
            %add3A_386 = arith.addi %sub3A_48, %add3A_385 : i32
            %get3A_387 = arith.index_cast %add3A_386 : i32 to index
            %get3A_388 = tpu.vector_load %arg7[%get3A_387] {strides = array<i32>} : memref<592xi32, #tpu.memory_space<vmem>>, vector<16xi32>,
            %slice3A_389 = vector.extract_strided_slice %get3A_388 {offsets = [0], sizes = [1], strides = [1]} : vector<16xi32> to vector<1xi32>
            %squeeze3A_390 = vector.extract %slice3A_389[0] : i32 from vector<1xi32>
            %and3A_391 = arith.constant 1023 : i32
            %and3A_392 = arith.andi %squeeze3A_390, %and3A_391 : i32
            %jit3A_393 = arith.constant 128 : i32
            %div3A = arith.divsi %and3A_392, %jit3A_393 : i32
            %sign3A = arith.constant 0 : i32
            %sign3A_394 = arith.cmpi sgt, %and3A_392, %sign3A : i32
            %sign3A_395 = arith.extui %sign3A_394 : i1 to i32
            %sign3A_396 = arith.constant 0 : i32
            %sign3A_397 = arith.cmpi slt, %and3A_392, %sign3A_396 : i32
            %sign3A_398 = arith.extui %sign3A_397 : i1 to i32
            %sign3A_399 = arith.subi %sign3A_395, %sign3A_398 : i32
            %sign3A_400 = arith.constant 0 : i32
            %sign3A_401 = arith.cmpi sgt, %jit3A_393, %sign3A_400 : i32
            %sign3A_402 = arith.extui %sign3A_401 : i1 to i32
            %sign3A_403 = arith.constant 0 : i32
            %sign3A_404 = arith.cmpi slt, %jit3A_393, %sign3A_403 : i32
            %sign3A_405 = arith.extui %sign3A_404 : i1 to i32
            %sign3A_406 = arith.subi %sign3A_402, %sign3A_405 : i32
            %ne3A_407 = arith.cmpi ne, %sign3A_399, %sign3A_406 : i32
            %rem3A_408 = arith.remsi %and3A_392, %jit3A_393 : i32
            %ne3A_409 = arith.constant 0 : i32
            %ne3A_410 = arith.cmpi ne, %rem3A_408, %ne3A_409 : i32
            %and3A_411 = arith.andi %ne3A_407, %ne3A_410 : i1
            %sub3A_412 = arith.constant 1 : i32
            %sub3A_413 = arith.subi %div3A, %sub3A_412 : i32
            %select_n3A_414 = arith.select %and3A_411, %sub3A_413, %div3A : i32
            %mul3A_415 = arith.constant 128 : i32
            %mul3A_416 = arith.muli %select_n3A_414, %mul3A_415 : i32
            %multiple_of3A = tpu.assume_multiple %mul3A_416, 128 : i32
            %add3A_417 = arith.constant 16 : i32
            %add3A_418 = arith.addi %sub3A_48, %add3A_417 : i32
            %get3A_419 = arith.index_cast %add3A_418 : i32 to index
            %get3A_420 = tpu.vector_load %arg7[%get3A_419] {strides = array<i32>} : memref<592xi32, #tpu.memory_space<vmem>>, vector<16xi32>,
            %slice3A_421 = vector.extract_strided_slice %get3A_420 {offsets = [0], sizes = [1], strides = [1]} : vector<16xi32> to vector<1xi32>
            %squeeze3A_422 = vector.extract %slice3A_421[0] : i32 from vector<1xi32>
            %shift_right_arithmetic3A_423 = arith.constant 10 : i32
            %shift_right_arithmetic3A_424 = arith.shrsi %squeeze3A_422, %shift_right_arithmetic3A_423 : i32
            %dma_wait3A = arith.constant 576 : i32
            %dma_wait3A_425 = arith.constant 0 : i32
            %dma_wait3A_426 = tpu.memref_slice %arg9[%dma_wait3A, %dma_wait3A_425] : memref<768x128xf32, #tpu.memory_space<vmem>> -> memref<64x128xf32, #tpu.memory_space<vmem>>
            %dma_wait3A_427 = arith.constant 0 : i32
            %dma_wait3A_428 = tpu.memref_slice %arg4[%shift_right_arithmetic3A_424, %dma_wait3A_427, %multiple_of3A] : memref<1000x64x1000xf32, #tpu.memory_space<hbm>> -> memref<1x64x128xf32, #tpu.memory_space<hbm>>
            %dma_wait3A_429 = tpu.memref_squeeze %dma_wait3A_428 : memref<1x64x128xf32, #tpu.memory_space<hbm>> -> memref<64x128xf32, #tpu.memory_space<hbm>>
            %dma_wait3A_430 = arith.constant 576 : i32
            %dma_wait3A_431 = arith.constant 0 : i32
            %dma_wait3A_432 = tpu.memref_slice %arg9[%dma_wait3A_430, %dma_wait3A_431] : memref<768x128xf32, #tpu.memory_space<vmem>> -> memref<64x128xf32, #tpu.memory_space<vmem>>
            %dma_wait3A_433 = arith.constant 0 : i32
            %dma_wait3A_434 = tpu.memref_slice %arg4[%shift_right_arithmetic3A_424, %dma_wait3A_433, %multiple_of3A] : memref<1000x64x1000xf32, #tpu.memory_space<hbm>> -> memref<1x64x128xf32, #tpu.memory_space<hbm>>
            %dma_wait3A_435 = tpu.memref_squeeze %dma_wait3A_434 : memref<1x64x128xf32, #tpu.memory_space<hbm>> -> memref<64x128xf32, #tpu.memory_space<hbm>>
            tpu.wait_dma2 semaphore(%arg21 : memref<!tpu.dma_semaphore, #tpu.memory_space<semaphore_mem>>) src(%dma_wait3A_435 : memref<64x128xf32, #tpu.memory_space<hbm>>) dst(%dma_wait3A_432 : memref<64x128xf32, #tpu.memory_space<vmem>>)
            %add3A_436 = arith.constant 16 : i32
            %add3A_437 = arith.addi %sub3A_48, %add3A_436 : i32
            %get3A_438 = arith.index_cast %add3A_437 : i32 to index
            %get3A_439 = tpu.vector_load %arg7[%get3A_438] {strides = array<i32>} : memref<592xi32, #tpu.memory_space<vmem>>, vector<16xi32>,
            %slice3A_440 = vector.extract_strided_slice %get3A_439 {offsets = [0], sizes = [1], strides = [1]} : vector<16xi32> to vector<1xi32>
            %squeeze3A_441 = vector.extract %slice3A_440[0] : i32 from vector<1xi32>
            %shift_right_arithmetic3A_442 = arith.constant 10 : i32
            %shift_right_arithmetic3A_443 = arith.shrsi %squeeze3A_441, %shift_right_arithmetic3A_442 : i32
            %dma_wait3A_444 = arith.constant 9 : i32
            %dma_wait3A_445 = arith.constant 0 : i32
            %dma_wait3A_446 = tpu.memref_slice %arg10[%dma_wait3A_444, %dma_wait3A_445] : memref<12x64xf32, #tpu.memory_space<vmem>> -> memref<1x64xf32, #tpu.memory_space<vmem>>
            %dma_wait3A_447 = tpu.memref_squeeze %dma_wait3A_446 : memref<1x64xf32, #tpu.memory_space<vmem>> -> memref<64xf32, #tpu.memory_space<vmem>>
            %dma_wait3A_448 = arith.constant 0 : i32
            %dma_wait3A_449 = tpu.memref_slice %arg5[%shift_right_arithmetic3A_443, %dma_wait3A_448] : memref<1000x64xf32, #tpu.memory_space<hbm>> -> memref<1x64xf32, #tpu.memory_space<hbm>>
            %dma_wait3A_450 = tpu.memref_squeeze %dma_wait3A_449 : memref<1x64xf32, #tpu.memory_space<hbm>> -> memref<64xf32, #tpu.memory_space<hbm>>
            %dma_wait3A_451 = arith.constant 0 : i32
            %dma_wait3A_452 = tpu.memref_slice %arg10[%dma_wait3A_444, %dma_wait3A_451] : memref<12x64xf32, #tpu.memory_space<vmem>> -> memref<1x64xf32, #tpu.memory_space<vmem>>
            %dma_wait3A_453 = tpu.memref_squeeze %dma_wait3A_452 : memref<1x64xf32, #tpu.memory_space<vmem>> -> memref<64xf32, #tpu.memory_space<vmem>>
            %dma_wait3A_454 = arith.constant 0 : i32
            %dma_wait3A_455 = tpu.memref_slice %arg5[%shift_right_arithmetic3A_443, %dma_wait3A_454] : memref<1000x64xf32, #tpu.memory_space<hbm>> -> memref<1x64xf32, #tpu.memory_space<hbm>>
            %dma_wait3A_456 = tpu.memref_squeeze %dma_wait3A_455 : memref<1x64xf32, #tpu.memory_space<hbm>> -> memref<64xf32, #tpu.memory_space<hbm>>
            tpu.wait_dma2 semaphore(%arg21 : memref<!tpu.dma_semaphore, #tpu.memory_space<semaphore_mem>>) src(%dma_wait3A_456 : memref<64xf32, #tpu.memory_space<hbm>>) dst(%dma_wait3A_453 : memref<64xf32, #tpu.memory_space<vmem>>)
          } else {
          }
          %eq3A_375 = arith.constant 10 : i32
          %eq3A_376 = arith.cmpi eq, %select_n3A_72, %eq3A_375 : i32
          %convert_element_type3A_377 = arith.extui %eq3A_376 : i1 to i32
          %cond3A_378 = arith.constant 0 : i32
          %cond3A_379 = arith.cmpi ne, %convert_element_type3A_377, %cond3A_378 : i32
          scf.if %cond3A_379 {
            %add3A_385 = arith.constant 16 : i32
            %add3A_386 = arith.addi %sub3A_48, %add3A_385 : i32
            %get3A_387 = arith.index_cast %add3A_386 : i32 to index
            %get3A_388 = tpu.vector_load %arg7[%get3A_387] {strides = array<i32>} : memref<592xi32, #tpu.memory_space<vmem>>, vector<16xi32>,
            %slice3A_389 = vector.extract_strided_slice %get3A_388 {offsets = [0], sizes = [1], strides = [1]} : vector<16xi32> to vector<1xi32>
            %squeeze3A_390 = vector.extract %slice3A_389[0] : i32 from vector<1xi32>
            %and3A_391 = arith.constant 1023 : i32
            %and3A_392 = arith.andi %squeeze3A_390, %and3A_391 : i32
            %jit3A_393 = arith.constant 128 : i32
            %div3A = arith.divsi %and3A_392, %jit3A_393 : i32
            %sign3A = arith.constant 0 : i32
            %sign3A_394 = arith.cmpi sgt, %and3A_392, %sign3A : i32
            %sign3A_395 = arith.extui %sign3A_394 : i1 to i32
            %sign3A_396 = arith.constant 0 : i32
            %sign3A_397 = arith.cmpi slt, %and3A_392, %sign3A_396 : i32
            %sign3A_398 = arith.extui %sign3A_397 : i1 to i32
            %sign3A_399 = arith.subi %sign3A_395, %sign3A_398 : i32
            %sign3A_400 = arith.constant 0 : i32
            %sign3A_401 = arith.cmpi sgt, %jit3A_393, %sign3A_400 : i32
            %sign3A_402 = arith.extui %sign3A_401 : i1 to i32
            %sign3A_403 = arith.constant 0 : i32
            %sign3A_404 = arith.cmpi slt, %jit3A_393, %sign3A_403 : i32
            %sign3A_405 = arith.extui %sign3A_404 : i1 to i32
            %sign3A_406 = arith.subi %sign3A_402, %sign3A_405 : i32
            %ne3A_407 = arith.cmpi ne, %sign3A_399, %sign3A_406 : i32
            %rem3A_408 = arith.remsi %and3A_392, %jit3A_393 : i32
            %ne3A_409 = arith.constant 0 : i32
            %ne3A_410 = arith.cmpi ne, %rem3A_408, %ne3A_409 : i32
            %and3A_411 = arith.andi %ne3A_407, %ne3A_410 : i1
            %sub3A_412 = arith.constant 1 : i32
            %sub3A_413 = arith.subi %div3A, %sub3A_412 : i32
            %select_n3A_414 = arith.select %and3A_411, %sub3A_413, %div3A : i32
            %mul3A_415 = arith.constant 128 : i32
            %mul3A_416 = arith.muli %select_n3A_414, %mul3A_415 : i32
            %multiple_of3A = tpu.assume_multiple %mul3A_416, 128 : i32
            %add3A_417 = arith.constant 16 : i32
            %add3A_418 = arith.addi %sub3A_48, %add3A_417 : i32
            %get3A_419 = arith.index_cast %add3A_418 : i32 to index
            %get3A_420 = tpu.vector_load %arg7[%get3A_419] {strides = array<i32>} : memref<592xi32, #tpu.memory_space<vmem>>, vector<16xi32>,
            %slice3A_421 = vector.extract_strided_slice %get3A_420 {offsets = [0], sizes = [1], strides = [1]} : vector<16xi32> to vector<1xi32>
            %squeeze3A_422 = vector.extract %slice3A_421[0] : i32 from vector<1xi32>
            %shift_right_arithmetic3A_423 = arith.constant 10 : i32
            %shift_right_arithmetic3A_424 = arith.shrsi %squeeze3A_422, %shift_right_arithmetic3A_423 : i32
            %dma_wait3A = arith.constant 640 : i32
            %dma_wait3A_425 = arith.constant 0 : i32
            %dma_wait3A_426 = tpu.memref_slice %arg9[%dma_wait3A, %dma_wait3A_425] : memref<768x128xf32, #tpu.memory_space<vmem>> -> memref<64x128xf32, #tpu.memory_space<vmem>>
            %dma_wait3A_427 = arith.constant 0 : i32
            %dma_wait3A_428 = tpu.memref_slice %arg4[%shift_right_arithmetic3A_424, %dma_wait3A_427, %multiple_of3A] : memref<1000x64x1000xf32, #tpu.memory_space<hbm>> -> memref<1x64x128xf32, #tpu.memory_space<hbm>>
            %dma_wait3A_429 = tpu.memref_squeeze %dma_wait3A_428 : memref<1x64x128xf32, #tpu.memory_space<hbm>> -> memref<64x128xf32, #tpu.memory_space<hbm>>
            %dma_wait3A_430 = arith.constant 640 : i32
            %dma_wait3A_431 = arith.constant 0 : i32
            %dma_wait3A_432 = tpu.memref_slice %arg9[%dma_wait3A_430, %dma_wait3A_431] : memref<768x128xf32, #tpu.memory_space<vmem>> -> memref<64x128xf32, #tpu.memory_space<vmem>>
            %dma_wait3A_433 = arith.constant 0 : i32
            %dma_wait3A_434 = tpu.memref_slice %arg4[%shift_right_arithmetic3A_424, %dma_wait3A_433, %multiple_of3A] : memref<1000x64x1000xf32, #tpu.memory_space<hbm>> -> memref<1x64x128xf32, #tpu.memory_space<hbm>>
            %dma_wait3A_435 = tpu.memref_squeeze %dma_wait3A_434 : memref<1x64x128xf32, #tpu.memory_space<hbm>> -> memref<64x128xf32, #tpu.memory_space<hbm>>
            tpu.wait_dma2 semaphore(%arg22 : memref<!tpu.dma_semaphore, #tpu.memory_space<semaphore_mem>>) src(%dma_wait3A_435 : memref<64x128xf32, #tpu.memory_space<hbm>>) dst(%dma_wait3A_432 : memref<64x128xf32, #tpu.memory_space<vmem>>)
            %add3A_436 = arith.constant 16 : i32
            %add3A_437 = arith.addi %sub3A_48, %add3A_436 : i32
            %get3A_438 = arith.index_cast %add3A_437 : i32 to index
            %get3A_439 = tpu.vector_load %arg7[%get3A_438] {strides = array<i32>} : memref<592xi32, #tpu.memory_space<vmem>>, vector<16xi32>,
            %slice3A_440 = vector.extract_strided_slice %get3A_439 {offsets = [0], sizes = [1], strides = [1]} : vector<16xi32> to vector<1xi32>
            %squeeze3A_441 = vector.extract %slice3A_440[0] : i32 from vector<1xi32>
            %shift_right_arithmetic3A_442 = arith.constant 10 : i32
            %shift_right_arithmetic3A_443 = arith.shrsi %squeeze3A_441, %shift_right_arithmetic3A_442 : i32
            %dma_wait3A_444 = arith.constant 10 : i32
            %dma_wait3A_445 = arith.constant 0 : i32
            %dma_wait3A_446 = tpu.memref_slice %arg10[%dma_wait3A_444, %dma_wait3A_445] : memref<12x64xf32, #tpu.memory_space<vmem>> -> memref<1x64xf32, #tpu.memory_space<vmem>>
            %dma_wait3A_447 = tpu.memref_squeeze %dma_wait3A_446 : memref<1x64xf32, #tpu.memory_space<vmem>> -> memref<64xf32, #tpu.memory_space<vmem>>
            %dma_wait3A_448 = arith.constant 0 : i32
            %dma_wait3A_449 = tpu.memref_slice %arg5[%shift_right_arithmetic3A_443, %dma_wait3A_448] : memref<1000x64xf32, #tpu.memory_space<hbm>> -> memref<1x64xf32, #tpu.memory_space<hbm>>
            %dma_wait3A_450 = tpu.memref_squeeze %dma_wait3A_449 : memref<1x64xf32, #tpu.memory_space<hbm>> -> memref<64xf32, #tpu.memory_space<hbm>>
            %dma_wait3A_451 = arith.constant 0 : i32
            %dma_wait3A_452 = tpu.memref_slice %arg10[%dma_wait3A_444, %dma_wait3A_451] : memref<12x64xf32, #tpu.memory_space<vmem>> -> memref<1x64xf32, #tpu.memory_space<vmem>>
            %dma_wait3A_453 = tpu.memref_squeeze %dma_wait3A_452 : memref<1x64xf32, #tpu.memory_space<vmem>> -> memref<64xf32, #tpu.memory_space<vmem>>
            %dma_wait3A_454 = arith.constant 0 : i32
            %dma_wait3A_455 = tpu.memref_slice %arg5[%shift_right_arithmetic3A_443, %dma_wait3A_454] : memref<1000x64xf32, #tpu.memory_space<hbm>> -> memref<1x64xf32, #tpu.memory_space<hbm>>
            %dma_wait3A_456 = tpu.memref_squeeze %dma_wait3A_455 : memref<1x64xf32, #tpu.memory_space<hbm>> -> memref<64xf32, #tpu.memory_space<hbm>>
            tpu.wait_dma2 semaphore(%arg22 : memref<!tpu.dma_semaphore, #tpu.memory_space<semaphore_mem>>) src(%dma_wait3A_456 : memref<64xf32, #tpu.memory_space<hbm>>) dst(%dma_wait3A_453 : memref<64xf32, #tpu.memory_space<vmem>>)
          } else {
          }
          %eq3A_380 = arith.constant 11 : i32
          %eq3A_381 = arith.cmpi eq, %select_n3A_72, %eq3A_380 : i32
          %convert_element_type3A_382 = arith.extui %eq3A_381 : i1 to i32
          %cond3A_383 = arith.constant 0 : i32
          %cond3A_384 = arith.cmpi ne, %convert_element_type3A_382, %cond3A_383 : i32
          scf.if %cond3A_384 {
            %add3A_385 = arith.constant 16 : i32
            %add3A_386 = arith.addi %sub3A_48, %add3A_385 : i32
            %get3A_387 = arith.index_cast %add3A_386 : i32 to index
            %get3A_388 = tpu.vector_load %arg7[%get3A_387] {strides = array<i32>} : memref<592xi32, #tpu.memory_space<vmem>>, vector<16xi32>,
            %slice3A_389 = vector.extract_strided_slice %get3A_388 {offsets = [0], sizes = [1], strides = [1]} : vector<16xi32> to vector<1xi32>
            %squeeze3A_390 = vector.extract %slice3A_389[0] : i32 from vector<1xi32>
            %and3A_391 = arith.constant 1023 : i32
            %and3A_392 = arith.andi %squeeze3A_390, %and3A_391 : i32
            %jit3A_393 = arith.constant 128 : i32
            %div3A = arith.divsi %and3A_392, %jit3A_393 : i32
            %sign3A = arith.constant 0 : i32
            %sign3A_394 = arith.cmpi sgt, %and3A_392, %sign3A : i32
            %sign3A_395 = arith.extui %sign3A_394 : i1 to i32
            %sign3A_396 = arith.constant 0 : i32
            %sign3A_397 = arith.cmpi slt, %and3A_392, %sign3A_396 : i32
            %sign3A_398 = arith.extui %sign3A_397 : i1 to i32
            %sign3A_399 = arith.subi %sign3A_395, %sign3A_398 : i32
            %sign3A_400 = arith.constant 0 : i32
            %sign3A_401 = arith.cmpi sgt, %jit3A_393, %sign3A_400 : i32
            %sign3A_402 = arith.extui %sign3A_401 : i1 to i32
            %sign3A_403 = arith.constant 0 : i32
            %sign3A_404 = arith.cmpi slt, %jit3A_393, %sign3A_403 : i32
            %sign3A_405 = arith.extui %sign3A_404 : i1 to i32
            %sign3A_406 = arith.subi %sign3A_402, %sign3A_405 : i32
            %ne3A_407 = arith.cmpi ne, %sign3A_399, %sign3A_406 : i32
            %rem3A_408 = arith.remsi %and3A_392, %jit3A_393 : i32
            %ne3A_409 = arith.constant 0 : i32
            %ne3A_410 = arith.cmpi ne, %rem3A_408, %ne3A_409 : i32
            %and3A_411 = arith.andi %ne3A_407, %ne3A_410 : i1
            %sub3A_412 = arith.constant 1 : i32
            %sub3A_413 = arith.subi %div3A, %sub3A_412 : i32
            %select_n3A_414 = arith.select %and3A_411, %sub3A_413, %div3A : i32
            %mul3A_415 = arith.constant 128 : i32
            %mul3A_416 = arith.muli %select_n3A_414, %mul3A_415 : i32
            %multiple_of3A = tpu.assume_multiple %mul3A_416, 128 : i32
            %add3A_417 = arith.constant 16 : i32
            %add3A_418 = arith.addi %sub3A_48, %add3A_417 : i32
            %get3A_419 = arith.index_cast %add3A_418 : i32 to index
            %get3A_420 = tpu.vector_load %arg7[%get3A_419] {strides = array<i32>} : memref<592xi32, #tpu.memory_space<vmem>>, vector<16xi32>,
            %slice3A_421 = vector.extract_strided_slice %get3A_420 {offsets = [0], sizes = [1], strides = [1]} : vector<16xi32> to vector<1xi32>
            %squeeze3A_422 = vector.extract %slice3A_421[0] : i32 from vector<1xi32>
            %shift_right_arithmetic3A_423 = arith.constant 10 : i32
            %shift_right_arithmetic3A_424 = arith.shrsi %squeeze3A_422, %shift_right_arithmetic3A_423 : i32
            %dma_wait3A = arith.constant 704 : i32
            %dma_wait3A_425 = arith.constant 0 : i32
            %dma_wait3A_426 = tpu.memref_slice %arg9[%dma_wait3A, %dma_wait3A_425] : memref<768x128xf32, #tpu.memory_space<vmem>> -> memref<64x128xf32, #tpu.memory_space<vmem>>
            %dma_wait3A_427 = arith.constant 0 : i32
            %dma_wait3A_428 = tpu.memref_slice %arg4[%shift_right_arithmetic3A_424, %dma_wait3A_427, %multiple_of3A] : memref<1000x64x1000xf32, #tpu.memory_space<hbm>> -> memref<1x64x128xf32, #tpu.memory_space<hbm>>
            %dma_wait3A_429 = tpu.memref_squeeze %dma_wait3A_428 : memref<1x64x128xf32, #tpu.memory_space<hbm>> -> memref<64x128xf32, #tpu.memory_space<hbm>>
            %dma_wait3A_430 = arith.constant 704 : i32
            %dma_wait3A_431 = arith.constant 0 : i32
            %dma_wait3A_432 = tpu.memref_slice %arg9[%dma_wait3A_430, %dma_wait3A_431] : memref<768x128xf32, #tpu.memory_space<vmem>> -> memref<64x128xf32, #tpu.memory_space<vmem>>
            %dma_wait3A_433 = arith.constant 0 : i32
            %dma_wait3A_434 = tpu.memref_slice %arg4[%shift_right_arithmetic3A_424, %dma_wait3A_433, %multiple_of3A] : memref<1000x64x1000xf32, #tpu.memory_space<hbm>> -> memref<1x64x128xf32, #tpu.memory_space<hbm>>
            %dma_wait3A_435 = tpu.memref_squeeze %dma_wait3A_434 : memref<1x64x128xf32, #tpu.memory_space<hbm>> -> memref<64x128xf32, #tpu.memory_space<hbm>>
            tpu.wait_dma2 semaphore(%arg23 : memref<!tpu.dma_semaphore, #tpu.memory_space<semaphore_mem>>) src(%dma_wait3A_435 : memref<64x128xf32, #tpu.memory_space<hbm>>) dst(%dma_wait3A_432 : memref<64x128xf32, #tpu.memory_space<vmem>>)
            %add3A_436 = arith.constant 16 : i32
            %add3A_437 = arith.addi %sub3A_48, %add3A_436 : i32
            %get3A_438 = arith.index_cast %add3A_437 : i32 to index
            %get3A_439 = tpu.vector_load %arg7[%get3A_438] {strides = array<i32>} : memref<592xi32, #tpu.memory_space<vmem>>, vector<16xi32>,
            %slice3A_440 = vector.extract_strided_slice %get3A_439 {offsets = [0], sizes = [1], strides = [1]} : vector<16xi32> to vector<1xi32>
            %squeeze3A_441 = vector.extract %slice3A_440[0] : i32 from vector<1xi32>
            %shift_right_arithmetic3A_442 = arith.constant 10 : i32
            %shift_right_arithmetic3A_443 = arith.shrsi %squeeze3A_441, %shift_right_arithmetic3A_442 : i32
            %dma_wait3A_444 = arith.constant 11 : i32
            %dma_wait3A_445 = arith.constant 0 : i32
            %dma_wait3A_446 = tpu.memref_slice %arg10[%dma_wait3A_444, %dma_wait3A_445] : memref<12x64xf32, #tpu.memory_space<vmem>> -> memref<1x64xf32, #tpu.memory_space<vmem>>
            %dma_wait3A_447 = tpu.memref_squeeze %dma_wait3A_446 : memref<1x64xf32, #tpu.memory_space<vmem>> -> memref<64xf32, #tpu.memory_space<vmem>>
            %dma_wait3A_448 = arith.constant 0 : i32
            %dma_wait3A_449 = tpu.memref_slice %arg5[%shift_right_arithmetic3A_443, %dma_wait3A_448] : memref<1000x64xf32, #tpu.memory_space<hbm>> -> memref<1x64xf32, #tpu.memory_space<hbm>>
            %dma_wait3A_450 = tpu.memref_squeeze %dma_wait3A_449 : memref<1x64xf32, #tpu.memory_space<hbm>> -> memref<64xf32, #tpu.memory_space<hbm>>
            %dma_wait3A_451 = arith.constant 0 : i32
            %dma_wait3A_452 = tpu.memref_slice %arg10[%dma_wait3A_444, %dma_wait3A_451] : memref<12x64xf32, #tpu.memory_space<vmem>> -> memref<1x64xf32, #tpu.memory_space<vmem>>
            %dma_wait3A_453 = tpu.memref_squeeze %dma_wait3A_452 : memref<1x64xf32, #tpu.memory_space<vmem>> -> memref<64xf32, #tpu.memory_space<vmem>>
            %dma_wait3A_454 = arith.constant 0 : i32
            %dma_wait3A_455 = tpu.memref_slice %arg5[%shift_right_arithmetic3A_443, %dma_wait3A_454] : memref<1000x64xf32, #tpu.memory_space<hbm>> -> memref<1x64xf32, #tpu.memory_space<hbm>>
            %dma_wait3A_456 = tpu.memref_squeeze %dma_wait3A_455 : memref<1x64xf32, #tpu.memory_space<hbm>> -> memref<64xf32, #tpu.memory_space<hbm>>
            tpu.wait_dma2 semaphore(%arg23 : memref<!tpu.dma_semaphore, #tpu.memory_space<semaphore_mem>>) src(%dma_wait3A_456 : memref<64xf32, #tpu.memory_space<hbm>>) dst(%dma_wait3A_453 : memref<64xf32, #tpu.memory_space<vmem>>)
          } else {
          }
        } else {
        }
        %ge3A_86 = arith.constant 4 : i32
        %ge3A_87 = arith.cmpi sge, %sub3A_48, %ge3A_86 : i32
        %convert_element_type3A_88 = arith.extui %ge3A_87 : i1 to i32
        %cond3A_89 = arith.constant 0 : i32
        %cond3A_90 = arith.cmpi ne, %convert_element_type3A_88, %cond3A_89 : i32
        scf.if %cond3A_90 {
          %jit3A_325 = arith.constant 4 : i32
          %eq3A_326 = arith.constant 0 : i32
          %eq3A_327 = arith.cmpi eq, %jit3A_325, %eq3A_326 : i32
          %jit3A_328 = arith.constant 1 : i32
          %select_n3A_329 = arith.select %eq3A_327, %jit3A_328, %jit3A_325 : i32
          %rem3A_330 = arith.remsi %sub3A_48, %select_n3A_329 : i32
          %ne3A_331 = arith.constant 0 : i32
          %ne3A_332 = arith.cmpi ne, %rem3A_330, %ne3A_331 : i32
          %lt3A_333 = arith.constant 0 : i32
          %lt3A_334 = arith.cmpi slt, %rem3A_330, %lt3A_333 : i32
          %lt3A_335 = arith.constant 0 : i32
          %lt3A_336 = arith.cmpi slt, %select_n3A_329, %lt3A_335 : i32
          %ne3A_337 = arith.xori %lt3A_334, %lt3A_336 : i1
          %and3A_338 = arith.andi %ne3A_337, %ne3A_332 : i1
          %add3A_339 = arith.addi %rem3A_330, %select_n3A_329 : i32
          %select_n3A_340 = arith.select %and3A_338, %add3A_339, %rem3A_330 : i32
          %eq3A_341 = arith.constant 0 : i32
          %eq3A_342 = arith.cmpi eq, %select_n3A_340, %eq3A_341 : i32
          %convert_element_type3A_343 = arith.extui %eq3A_342 : i1 to i32
          %cond3A_344 = arith.constant 0 : i32
          %cond3A_345 = arith.cmpi ne, %convert_element_type3A_343, %cond3A_344 : i32
          scf.if %cond3A_345 {
            %sub3A_409 = arith.constant 4 : i32
            %sub3A_410 = arith.subi %sub3A_48, %sub3A_409 : i32
            %add3A_411 = arith.constant 16 : i32
            %add3A_412 = arith.addi %sub3A_410, %add3A_411 : i32
            %get3A_413 = arith.index_cast %add3A_412 : i32 to index
            %get3A_414 = tpu.vector_load %arg8[%get3A_413] {strides = array<i32>} : memref<592xi32, #tpu.memory_space<vmem>>, vector<16xi32>,
            %slice3A_415 = vector.extract_strided_slice %get3A_414 {offsets = [0], sizes = [1], strides = [1]} : vector<16xi32> to vector<1xi32>
            %squeeze3A_416 = vector.extract %slice3A_415[0] : i32 from vector<1xi32>
            %dma_wait3A = arith.constant 0 : i32
            %dma_wait3A_417 = arith.constant 0 : i32
            %dma_wait3A_418 = tpu.memref_slice %arg11[%dma_wait3A, %dma_wait3A_417] : memref<4x64xf32, #tpu.memory_space<vmem>> -> memref<1x64xf32, #tpu.memory_space<vmem>>
            %dma_wait3A_419 = tpu.memref_squeeze %dma_wait3A_418 : memref<1x64xf32, #tpu.memory_space<vmem>> -> memref<64xf32, #tpu.memory_space<vmem>>
            %dma_wait3A_420 = arith.constant 0 : i32
            %dma_wait3A_421 = tpu.memref_slice %arg6[%squeeze3A_416, %dma_wait3A_420] : memref<16384x64xf32, #tpu.memory_space<hbm>> -> memref<1x64xf32, #tpu.memory_space<hbm>>
            %dma_wait3A_422 = tpu.memref_squeeze %dma_wait3A_421 : memref<1x64xf32, #tpu.memory_space<hbm>> -> memref<64xf32, #tpu.memory_space<hbm>>
            %dma_wait3A_423 = arith.constant 0 : i32
            %dma_wait3A_424 = tpu.memref_slice %arg6[%squeeze3A_416, %dma_wait3A_423] : memref<16384x64xf32, #tpu.memory_space<hbm>> -> memref<1x64xf32, #tpu.memory_space<hbm>>
            %dma_wait3A_425 = tpu.memref_squeeze %dma_wait3A_424 : memref<1x64xf32, #tpu.memory_space<hbm>> -> memref<64xf32, #tpu.memory_space<hbm>>
            %dma_wait3A_426 = arith.constant 0 : i32
            %dma_wait3A_427 = tpu.memref_slice %arg11[%dma_wait3A, %dma_wait3A_426] : memref<4x64xf32, #tpu.memory_space<vmem>> -> memref<1x64xf32, #tpu.memory_space<vmem>>
            %dma_wait3A_428 = tpu.memref_squeeze %dma_wait3A_427 : memref<1x64xf32, #tpu.memory_space<vmem>> -> memref<64xf32, #tpu.memory_space<vmem>>
            tpu.wait_dma2 semaphore(%arg24 : memref<!tpu.dma_semaphore, #tpu.memory_space<semaphore_mem>>) src(%dma_wait3A_428 : memref<64xf32, #tpu.memory_space<vmem>>) dst(%dma_wait3A_425 : memref<64xf32, #tpu.memory_space<hbm>>)
          } else {
          }
          %jit3A_346 = arith.constant 4 : i32
          %eq3A_347 = arith.constant 0 : i32
          %eq3A_348 = arith.cmpi eq, %jit3A_346, %eq3A_347 : i32
          %jit3A_349 = arith.constant 1 : i32
          %select_n3A_350 = arith.select %eq3A_348, %jit3A_349, %jit3A_346 : i32
          %rem3A_351 = arith.remsi %sub3A_48, %select_n3A_350 : i32
          %ne3A_352 = arith.constant 0 : i32
          %ne3A_353 = arith.cmpi ne, %rem3A_351, %ne3A_352 : i32
          %lt3A_354 = arith.constant 0 : i32
          %lt3A_355 = arith.cmpi slt, %rem3A_351, %lt3A_354 : i32
          %lt3A_356 = arith.constant 0 : i32
          %lt3A_357 = arith.cmpi slt, %select_n3A_350, %lt3A_356 : i32
          %ne3A_358 = arith.xori %lt3A_355, %lt3A_357 : i1
          %and3A_359 = arith.andi %ne3A_358, %ne3A_353 : i1
          %add3A_360 = arith.addi %rem3A_351, %select_n3A_350 : i32
          %select_n3A_361 = arith.select %and3A_359, %add3A_360, %rem3A_351 : i32
          %eq3A_362 = arith.constant 1 : i32
          %eq3A_363 = arith.cmpi eq, %select_n3A_361, %eq3A_362 : i32
          %convert_element_type3A_364 = arith.extui %eq3A_363 : i1 to i32
          %cond3A_365 = arith.constant 0 : i32
          %cond3A_366 = arith.cmpi ne, %convert_element_type3A_364, %cond3A_365 : i32
          scf.if %cond3A_366 {
            %sub3A_409 = arith.constant 4 : i32
            %sub3A_410 = arith.subi %sub3A_48, %sub3A_409 : i32
            %add3A_411 = arith.constant 16 : i32
            %add3A_412 = arith.addi %sub3A_410, %add3A_411 : i32
            %get3A_413 = arith.index_cast %add3A_412 : i32 to index
            %get3A_414 = tpu.vector_load %arg8[%get3A_413] {strides = array<i32>} : memref<592xi32, #tpu.memory_space<vmem>>, vector<16xi32>,
            %slice3A_415 = vector.extract_strided_slice %get3A_414 {offsets = [0], sizes = [1], strides = [1]} : vector<16xi32> to vector<1xi32>
            %squeeze3A_416 = vector.extract %slice3A_415[0] : i32 from vector<1xi32>
            %dma_wait3A = arith.constant 1 : i32
            %dma_wait3A_417 = arith.constant 0 : i32
            %dma_wait3A_418 = tpu.memref_slice %arg11[%dma_wait3A, %dma_wait3A_417] : memref<4x64xf32, #tpu.memory_space<vmem>> -> memref<1x64xf32, #tpu.memory_space<vmem>>
            %dma_wait3A_419 = tpu.memref_squeeze %dma_wait3A_418 : memref<1x64xf32, #tpu.memory_space<vmem>> -> memref<64xf32, #tpu.memory_space<vmem>>
            %dma_wait3A_420 = arith.constant 0 : i32
            %dma_wait3A_421 = tpu.memref_slice %arg6[%squeeze3A_416, %dma_wait3A_420] : memref<16384x64xf32, #tpu.memory_space<hbm>> -> memref<1x64xf32, #tpu.memory_space<hbm>>
            %dma_wait3A_422 = tpu.memref_squeeze %dma_wait3A_421 : memref<1x64xf32, #tpu.memory_space<hbm>> -> memref<64xf32, #tpu.memory_space<hbm>>
            %dma_wait3A_423 = arith.constant 0 : i32
            %dma_wait3A_424 = tpu.memref_slice %arg6[%squeeze3A_416, %dma_wait3A_423] : memref<16384x64xf32, #tpu.memory_space<hbm>> -> memref<1x64xf32, #tpu.memory_space<hbm>>
            %dma_wait3A_425 = tpu.memref_squeeze %dma_wait3A_424 : memref<1x64xf32, #tpu.memory_space<hbm>> -> memref<64xf32, #tpu.memory_space<hbm>>
            %dma_wait3A_426 = arith.constant 0 : i32
            %dma_wait3A_427 = tpu.memref_slice %arg11[%dma_wait3A, %dma_wait3A_426] : memref<4x64xf32, #tpu.memory_space<vmem>> -> memref<1x64xf32, #tpu.memory_space<vmem>>
            %dma_wait3A_428 = tpu.memref_squeeze %dma_wait3A_427 : memref<1x64xf32, #tpu.memory_space<vmem>> -> memref<64xf32, #tpu.memory_space<vmem>>
            tpu.wait_dma2 semaphore(%arg25 : memref<!tpu.dma_semaphore, #tpu.memory_space<semaphore_mem>>) src(%dma_wait3A_428 : memref<64xf32, #tpu.memory_space<vmem>>) dst(%dma_wait3A_425 : memref<64xf32, #tpu.memory_space<hbm>>)
          } else {
          }
          %jit3A_367 = arith.constant 4 : i32
          %eq3A_368 = arith.constant 0 : i32
          %eq3A_369 = arith.cmpi eq, %jit3A_367, %eq3A_368 : i32
          %jit3A_370 = arith.constant 1 : i32
          %select_n3A_371 = arith.select %eq3A_369, %jit3A_370, %jit3A_367 : i32
          %rem3A_372 = arith.remsi %sub3A_48, %select_n3A_371 : i32
          %ne3A_373 = arith.constant 0 : i32
          %ne3A_374 = arith.cmpi ne, %rem3A_372, %ne3A_373 : i32
          %lt3A_375 = arith.constant 0 : i32
          %lt3A_376 = arith.cmpi slt, %rem3A_372, %lt3A_375 : i32
          %lt3A_377 = arith.constant 0 : i32
          %lt3A_378 = arith.cmpi slt, %select_n3A_371, %lt3A_377 : i32
          %ne3A_379 = arith.xori %lt3A_376, %lt3A_378 : i1
          %and3A_380 = arith.andi %ne3A_379, %ne3A_374 : i1
          %add3A_381 = arith.addi %rem3A_372, %select_n3A_371 : i32
          %select_n3A_382 = arith.select %and3A_380, %add3A_381, %rem3A_372 : i32
          %eq3A_383 = arith.constant 2 : i32
          %eq3A_384 = arith.cmpi eq, %select_n3A_382, %eq3A_383 : i32
          %convert_element_type3A_385 = arith.extui %eq3A_384 : i1 to i32
          %cond3A_386 = arith.constant 0 : i32
          %cond3A_387 = arith.cmpi ne, %convert_element_type3A_385, %cond3A_386 : i32
          scf.if %cond3A_387 {
            %sub3A_409 = arith.constant 4 : i32
            %sub3A_410 = arith.subi %sub3A_48, %sub3A_409 : i32
            %add3A_411 = arith.constant 16 : i32
            %add3A_412 = arith.addi %sub3A_410, %add3A_411 : i32
            %get3A_413 = arith.index_cast %add3A_412 : i32 to index
            %get3A_414 = tpu.vector_load %arg8[%get3A_413] {strides = array<i32>} : memref<592xi32, #tpu.memory_space<vmem>>, vector<16xi32>,
            %slice3A_415 = vector.extract_strided_slice %get3A_414 {offsets = [0], sizes = [1], strides = [1]} : vector<16xi32> to vector<1xi32>
            %squeeze3A_416 = vector.extract %slice3A_415[0] : i32 from vector<1xi32>
            %dma_wait3A = arith.constant 2 : i32
            %dma_wait3A_417 = arith.constant 0 : i32
            %dma_wait3A_418 = tpu.memref_slice %arg11[%dma_wait3A, %dma_wait3A_417] : memref<4x64xf32, #tpu.memory_space<vmem>> -> memref<1x64xf32, #tpu.memory_space<vmem>>
            %dma_wait3A_419 = tpu.memref_squeeze %dma_wait3A_418 : memref<1x64xf32, #tpu.memory_space<vmem>> -> memref<64xf32, #tpu.memory_space<vmem>>
            %dma_wait3A_420 = arith.constant 0 : i32
            %dma_wait3A_421 = tpu.memref_slice %arg6[%squeeze3A_416, %dma_wait3A_420] : memref<16384x64xf32, #tpu.memory_space<hbm>> -> memref<1x64xf32, #tpu.memory_space<hbm>>
            %dma_wait3A_422 = tpu.memref_squeeze %dma_wait3A_421 : memref<1x64xf32, #tpu.memory_space<hbm>> -> memref<64xf32, #tpu.memory_space<hbm>>
            %dma_wait3A_423 = arith.constant 0 : i32
            %dma_wait3A_424 = tpu.memref_slice %arg6[%squeeze3A_416, %dma_wait3A_423] : memref<16384x64xf32, #tpu.memory_space<hbm>> -> memref<1x64xf32, #tpu.memory_space<hbm>>
            %dma_wait3A_425 = tpu.memref_squeeze %dma_wait3A_424 : memref<1x64xf32, #tpu.memory_space<hbm>> -> memref<64xf32, #tpu.memory_space<hbm>>
            %dma_wait3A_426 = arith.constant 0 : i32
            %dma_wait3A_427 = tpu.memref_slice %arg11[%dma_wait3A, %dma_wait3A_426] : memref<4x64xf32, #tpu.memory_space<vmem>> -> memref<1x64xf32, #tpu.memory_space<vmem>>
            %dma_wait3A_428 = tpu.memref_squeeze %dma_wait3A_427 : memref<1x64xf32, #tpu.memory_space<vmem>> -> memref<64xf32, #tpu.memory_space<vmem>>
            tpu.wait_dma2 semaphore(%arg26 : memref<!tpu.dma_semaphore, #tpu.memory_space<semaphore_mem>>) src(%dma_wait3A_428 : memref<64xf32, #tpu.memory_space<vmem>>) dst(%dma_wait3A_425 : memref<64xf32, #tpu.memory_space<hbm>>)
          } else {
          }
          %jit3A_388 = arith.constant 4 : i32
          %eq3A_389 = arith.constant 0 : i32
          %eq3A_390 = arith.cmpi eq, %jit3A_388, %eq3A_389 : i32
          %jit3A_391 = arith.constant 1 : i32
          %select_n3A_392 = arith.select %eq3A_390, %jit3A_391, %jit3A_388 : i32
          %rem3A_393 = arith.remsi %sub3A_48, %select_n3A_392 : i32
          %ne3A_394 = arith.constant 0 : i32
          %ne3A_395 = arith.cmpi ne, %rem3A_393, %ne3A_394 : i32
          %lt3A_396 = arith.constant 0 : i32
          %lt3A_397 = arith.cmpi slt, %rem3A_393, %lt3A_396 : i32
          %lt3A_398 = arith.constant 0 : i32
          %lt3A_399 = arith.cmpi slt, %select_n3A_392, %lt3A_398 : i32
          %ne3A_400 = arith.xori %lt3A_397, %lt3A_399 : i1
          %and3A_401 = arith.andi %ne3A_400, %ne3A_395 : i1
          %add3A_402 = arith.addi %rem3A_393, %select_n3A_392 : i32
          %select_n3A_403 = arith.select %and3A_401, %add3A_402, %rem3A_393 : i32
          %eq3A_404 = arith.constant 3 : i32
          %eq3A_405 = arith.cmpi eq, %select_n3A_403, %eq3A_404 : i32
          %convert_element_type3A_406 = arith.extui %eq3A_405 : i1 to i32
          %cond3A_407 = arith.constant 0 : i32
          %cond3A_408 = arith.cmpi ne, %convert_element_type3A_406, %cond3A_407 : i32
          scf.if %cond3A_408 {
            %sub3A_409 = arith.constant 4 : i32
            %sub3A_410 = arith.subi %sub3A_48, %sub3A_409 : i32
            %add3A_411 = arith.constant 16 : i32
            %add3A_412 = arith.addi %sub3A_410, %add3A_411 : i32
            %get3A_413 = arith.index_cast %add3A_412 : i32 to index
            %get3A_414 = tpu.vector_load %arg8[%get3A_413] {strides = array<i32>} : memref<592xi32, #tpu.memory_space<vmem>>, vector<16xi32>,
            %slice3A_415 = vector.extract_strided_slice %get3A_414 {offsets = [0], sizes = [1], strides = [1]} : vector<16xi32> to vector<1xi32>
            %squeeze3A_416 = vector.extract %slice3A_415[0] : i32 from vector<1xi32>
            %dma_wait3A = arith.constant 3 : i32
            %dma_wait3A_417 = arith.constant 0 : i32
            %dma_wait3A_418 = tpu.memref_slice %arg11[%dma_wait3A, %dma_wait3A_417] : memref<4x64xf32, #tpu.memory_space<vmem>> -> memref<1x64xf32, #tpu.memory_space<vmem>>
            %dma_wait3A_419 = tpu.memref_squeeze %dma_wait3A_418 : memref<1x64xf32, #tpu.memory_space<vmem>> -> memref<64xf32, #tpu.memory_space<vmem>>
            %dma_wait3A_420 = arith.constant 0 : i32
            %dma_wait3A_421 = tpu.memref_slice %arg6[%squeeze3A_416, %dma_wait3A_420] : memref<16384x64xf32, #tpu.memory_space<hbm>> -> memref<1x64xf32, #tpu.memory_space<hbm>>
            %dma_wait3A_422 = tpu.memref_squeeze %dma_wait3A_421 : memref<1x64xf32, #tpu.memory_space<hbm>> -> memref<64xf32, #tpu.memory_space<hbm>>
            %dma_wait3A_423 = arith.constant 0 : i32
            %dma_wait3A_424 = tpu.memref_slice %arg6[%squeeze3A_416, %dma_wait3A_423] : memref<16384x64xf32, #tpu.memory_space<hbm>> -> memref<1x64xf32, #tpu.memory_space<hbm>>
            %dma_wait3A_425 = tpu.memref_squeeze %dma_wait3A_424 : memref<1x64xf32, #tpu.memory_space<hbm>> -> memref<64xf32, #tpu.memory_space<hbm>>
            %dma_wait3A_426 = arith.constant 0 : i32
            %dma_wait3A_427 = tpu.memref_slice %arg11[%dma_wait3A, %dma_wait3A_426] : memref<4x64xf32, #tpu.memory_space<vmem>> -> memref<1x64xf32, #tpu.memory_space<vmem>>
            %dma_wait3A_428 = tpu.memref_squeeze %dma_wait3A_427 : memref<1x64xf32, #tpu.memory_space<vmem>> -> memref<64xf32, #tpu.memory_space<vmem>>
            tpu.wait_dma2 semaphore(%arg27 : memref<!tpu.dma_semaphore, #tpu.memory_space<semaphore_mem>>) src(%dma_wait3A_428 : memref<64xf32, #tpu.memory_space<vmem>>) dst(%dma_wait3A_425 : memref<64xf32, #tpu.memory_space<hbm>>)
          } else {
          }
        } else {
        }
        %add3A_91 = arith.constant 16 : i32
        %add3A_92 = arith.addi %sub3A_48, %add3A_91 : i32
        %get3A_93 = arith.index_cast %add3A_92 : i32 to index
        %get3A_94 = tpu.vector_load %arg7[%get3A_93] {strides = array<i32>} : memref<592xi32, #tpu.memory_space<vmem>>, vector<16xi32>,
        %slice3A_95 = vector.extract_strided_slice %get3A_94 {offsets = [0], sizes = [1], strides = [1]} : vector<16xi32> to vector<1xi32>
        %squeeze3A_96 = vector.extract %slice3A_95[0] : i32 from vector<1xi32>
        %and3A = arith.constant 1023 : i32
        %and3A_97 = arith.andi %squeeze3A_96, %and3A : i32
        %jit3A_98 = arith.constant 128 : i32
        %eq3A_99 = arith.constant 0 : i32
        %eq3A_100 = arith.cmpi eq, %jit3A_98, %eq3A_99 : i32
        %jit3A_101 = arith.constant 1 : i32
        %select_n3A_102 = arith.select %eq3A_100, %jit3A_101, %jit3A_98 : i32
        %rem3A = arith.remsi %and3A_97, %select_n3A_102 : i32
        %ne3A_103 = arith.constant 0 : i32
        %ne3A_104 = arith.cmpi ne, %rem3A, %ne3A_103 : i32
        %lt3A_105 = arith.constant 0 : i32
        %lt3A_106 = arith.cmpi slt, %rem3A, %lt3A_105 : i32
        %lt3A_107 = arith.constant 0 : i32
        %lt3A_108 = arith.cmpi slt, %select_n3A_102, %lt3A_107 : i32
        %ne3A_109 = arith.xori %lt3A_106, %lt3A_108 : i1
        %and3A_110 = arith.andi %ne3A_109, %ne3A_104 : i1
        %add3A_111 = arith.addi %rem3A, %select_n3A_102 : i32
        %select_n3A_112 = arith.select %and3A_110, %add3A_111, %rem3A : i32
        %mul3A_113 = arith.constant 64 : i32
        %mul3A_114 = arith.muli %select_n3A_72, %mul3A_113 : i32
        %broadcast_in_dim3A = vector.broadcast %select_n3A_112 : i32 to vector<16xi32>
        %add3A_115 = arith.constant 0 : i32
        %add3A_116 = arith.addi %mul3A_114, %add3A_115 : i32
        %add3A_117 = vector.broadcast %add3A_116 : i32 to vector<16xi32>
        %add3A_118 = arith.addi %add3A_117, %iota3A : vector<16xi32>
        %gather3A = tpu.vector_load_idx %arg9[%add3A_118, %broadcast_in_dim3A] : memref<768x128xf32, #tpu.memory_space<vmem>>[vector<16xi32>, vector<16xi32>], vector<16xf32>,
        %get3A_119 = arith.index_cast %select_n3A_72 : i32 to index
        %get3A_120 = arith.constant 0 : index
        %get3A_121 = tpu.vector_load %arg10[%get3A_119, %get3A_120] {strides = array<i32>} : memref<12x64xf32, #tpu.memory_space<vmem>>, vector<16xf32>,
        %sub3A_122 = arith.subf %gather3A, %get3A_121 : vector<16xf32>
        %mul3A_123 = arith.constant 1.000000e+00 : f32
        %mul3A_124 = vector.broadcast %mul3A_123 : f32 to vector<16xf32>
        %mul3A_125 = arith.mulf %mul3A_124, %sub3A_122 : vector<16xf32>
        %add3A_126 = arith.addf %get3A_121, %mul3A_125 : vector<16xf32>
        %jit3A_127 = arith.constant 4 : i32
        %eq3A_128 = arith.constant 0 : i32
        %eq3A_129 = arith.cmpi eq, %jit3A_127, %eq3A_128 : i32
        %jit3A_130 = arith.constant 1 : i32
        %select_n3A_131 = arith.select %eq3A_129, %jit3A_130, %jit3A_127 : i32
        %rem3A_132 = arith.remsi %sub3A_48, %select_n3A_131 : i32
        %ne3A_133 = arith.constant 0 : i32
        %ne3A_134 = arith.cmpi ne, %rem3A_132, %ne3A_133 : i32
        %lt3A_135 = arith.constant 0 : i32
        %lt3A_136 = arith.cmpi slt, %rem3A_132, %lt3A_135 : i32
        %lt3A_137 = arith.constant 0 : i32
        %lt3A_138 = arith.cmpi slt, %select_n3A_131, %lt3A_137 : i32
        %ne3A_139 = arith.xori %lt3A_136, %lt3A_138 : i1
        %and3A_140 = arith.andi %ne3A_139, %ne3A_134 : i1
        %add3A_141 = arith.addi %rem3A_132, %select_n3A_131 : i32
        %select_n3A_142 = arith.select %and3A_140, %add3A_141, %rem3A_132 : i32
        %swap3A = arith.index_cast %select_n3A_142 : i32 to index
        %swap3A_143 = arith.constant 0 : index
        %swap3A_144 = tpu.vector_load %arg11[%swap3A, %swap3A_143] {strides = array<i32>} : memref<4x64xf32, #tpu.memory_space<vmem>>, vector<16xf32>,
        tpu.vector_store %arg11[%swap3A, %swap3A_143], %add3A_126 {strides = array<i32>} : memref<4x64xf32, #tpu.memory_space<vmem>>, vector<16xf32>,
        %add3A_145 = arith.constant 16 : i32
        %add3A_146 = arith.addi %mul3A_114, %add3A_145 : i32
        %add3A_147 = vector.broadcast %add3A_146 : i32 to vector<16xi32>
        %add3A_148 = arith.addi %add3A_147, %iota3A : vector<16xi32>
        %gather3A_149 = tpu.vector_load_idx %arg9[%add3A_148, %broadcast_in_dim3A] : memref<768x128xf32, #tpu.memory_space<vmem>>[vector<16xi32>, vector<16xi32>], vector<16xf32>,
        %get3A_150 = arith.index_cast %select_n3A_72 : i32 to index
        %get3A_151 = arith.constant 16 : index
        %get3A_152 = tpu.vector_load %arg10[%get3A_150, %get3A_151] {strides = array<i32>} : memref<12x64xf32, #tpu.memory_space<vmem>>, vector<16xf32>,
        %sub3A_153 = arith.subf %gather3A_149, %get3A_152 : vector<16xf32>
        %mul3A_154 = arith.constant 1.000000e+00 : f32
        %mul3A_155 = vector.broadcast %mul3A_154 : f32 to vector<16xf32>
        %mul3A_156 = arith.mulf %mul3A_155, %sub3A_153 : vector<16xf32>
        %add3A_157 = arith.addf %get3A_152, %mul3A_156 : vector<16xf32>
        %jit3A_158 = arith.constant 4 : i32
        %eq3A_159 = arith.constant 0 : i32
        %eq3A_160 = arith.cmpi eq, %jit3A_158, %eq3A_159 : i32
        %jit3A_161 = arith.constant 1 : i32
        %select_n3A_162 = arith.select %eq3A_160, %jit3A_161, %jit3A_158 : i32
        %rem3A_163 = arith.remsi %sub3A_48, %select_n3A_162 : i32
        %ne3A_164 = arith.constant 0 : i32
        %ne3A_165 = arith.cmpi ne, %rem3A_163, %ne3A_164 : i32
        %lt3A_166 = arith.constant 0 : i32
        %lt3A_167 = arith.cmpi slt, %rem3A_163, %lt3A_166 : i32
        %lt3A_168 = arith.constant 0 : i32
        %lt3A_169 = arith.cmpi slt, %select_n3A_162, %lt3A_168 : i32
        %ne3A_170 = arith.xori %lt3A_167, %lt3A_169 : i1
        %and3A_171 = arith.andi %ne3A_170, %ne3A_165 : i1
        %add3A_172 = arith.addi %rem3A_163, %select_n3A_162 : i32
        %select_n3A_173 = arith.select %and3A_171, %add3A_172, %rem3A_163 : i32
        %swap3A_174 = arith.index_cast %select_n3A_173 : i32 to index
        %swap3A_175 = arith.constant 16 : index
        %swap3A_176 = tpu.vector_load %arg11[%swap3A_174, %swap3A_175] {strides = array<i32>} : memref<4x64xf32, #tpu.memory_space<vmem>>, vector<16xf32>,
        tpu.vector_store %arg11[%swap3A_174, %swap3A_175], %add3A_157 {strides = array<i32>} : memref<4x64xf32, #tpu.memory_space<vmem>>, vector<16xf32>,
        %add3A_177 = arith.constant 32 : i32
        %add3A_178 = arith.addi %mul3A_114, %add3A_177 : i32
        %add3A_179 = vector.broadcast %add3A_178 : i32 to vector<16xi32>
        %add3A_180 = arith.addi %add3A_179, %iota3A : vector<16xi32>
        %gather3A_181 = tpu.vector_load_idx %arg9[%add3A_180, %broadcast_in_dim3A] : memref<768x128xf32, #tpu.memory_space<vmem>>[vector<16xi32>, vector<16xi32>], vector<16xf32>,
        %get3A_182 = arith.index_cast %select_n3A_72 : i32 to index
        %get3A_183 = arith.constant 32 : index
        %get3A_184 = tpu.vector_load %arg10[%get3A_182, %get3A_183] {strides = array<i32>} : memref<12x64xf32, #tpu.memory_space<vmem>>, vector<16xf32>,
        %sub3A_185 = arith.subf %gather3A_181, %get3A_184 : vector<16xf32>
        %mul3A_186 = arith.constant 1.000000e+00 : f32
        %mul3A_187 = vector.broadcast %mul3A_186 : f32 to vector<16xf32>
        %mul3A_188 = arith.mulf %mul3A_187, %sub3A_185 : vector<16xf32>
        %add3A_189 = arith.addf %get3A_184, %mul3A_188 : vector<16xf32>
        %jit3A_190 = arith.constant 4 : i32
        %eq3A_191 = arith.constant 0 : i32
        %eq3A_192 = arith.cmpi eq, %jit3A_190, %eq3A_191 : i32
        %jit3A_193 = arith.constant 1 : i32
        %select_n3A_194 = arith.select %eq3A_192, %jit3A_193, %jit3A_190 : i32
        %rem3A_195 = arith.remsi %sub3A_48, %select_n3A_194 : i32
        %ne3A_196 = arith.constant 0 : i32
        %ne3A_197 = arith.cmpi ne, %rem3A_195, %ne3A_196 : i32
        %lt3A_198 = arith.constant 0 : i32
        %lt3A_199 = arith.cmpi slt, %rem3A_195, %lt3A_198 : i32
        %lt3A_200 = arith.constant 0 : i32
        %lt3A_201 = arith.cmpi slt, %select_n3A_194, %lt3A_200 : i32
        %ne3A_202 = arith.xori %lt3A_199, %lt3A_201 : i1
        %and3A_203 = arith.andi %ne3A_202, %ne3A_197 : i1
        %add3A_204 = arith.addi %rem3A_195, %select_n3A_194 : i32
        %select_n3A_205 = arith.select %and3A_203, %add3A_204, %rem3A_195 : i32
        %swap3A_206 = arith.index_cast %select_n3A_205 : i32 to index
        %swap3A_207 = arith.constant 32 : index
        %swap3A_208 = tpu.vector_load %arg11[%swap3A_206, %swap3A_207] {strides = array<i32>} : memref<4x64xf32, #tpu.memory_space<vmem>>, vector<16xf32>,
        tpu.vector_store %arg11[%swap3A_206, %swap3A_207], %add3A_189 {strides = array<i32>} : memref<4x64xf32, #tpu.memory_space<vmem>>, vector<16xf32>,
        %add3A_209 = arith.constant 48 : i32
        %add3A_210 = arith.addi %mul3A_114, %add3A_209 : i32
        %add3A_211 = vector.broadcast %add3A_210 : i32 to vector<16xi32>
        %add3A_212 = arith.addi %add3A_211, %iota3A : vector<16xi32>
        %gather3A_213 = tpu.vector_load_idx %arg9[%add3A_212, %broadcast_in_dim3A] : memref<768x128xf32, #tpu.memory_space<vmem>>[vector<16xi32>, vector<16xi32>], vector<16xf32>,
        %get3A_214 = arith.index_cast %select_n3A_72 : i32 to index
        %get3A_215 = arith.constant 48 : index
        %get3A_216 = tpu.vector_load %arg10[%get3A_214, %get3A_215] {strides = array<i32>} : memref<12x64xf32, #tpu.memory_space<vmem>>, vector<16xf32>,
        %sub3A_217 = arith.subf %gather3A_213, %get3A_216 : vector<16xf32>
        %mul3A_218 = arith.constant 1.000000e+00 : f32
        %mul3A_219 = vector.broadcast %mul3A_218 : f32 to vector<16xf32>
        %mul3A_220 = arith.mulf %mul3A_219, %sub3A_217 : vector<16xf32>
        %add3A_221 = arith.addf %get3A_216, %mul3A_220 : vector<16xf32>
        %jit3A_222 = arith.constant 4 : i32
        %eq3A_223 = arith.constant 0 : i32
        %eq3A_224 = arith.cmpi eq, %jit3A_222, %eq3A_223 : i32
        %jit3A_225 = arith.constant 1 : i32
        %select_n3A_226 = arith.select %eq3A_224, %jit3A_225, %jit3A_222 : i32
        %rem3A_227 = arith.remsi %sub3A_48, %select_n3A_226 : i32
        %ne3A_228 = arith.constant 0 : i32
        %ne3A_229 = arith.cmpi ne, %rem3A_227, %ne3A_228 : i32
        %lt3A_230 = arith.constant 0 : i32
        %lt3A_231 = arith.cmpi slt, %rem3A_227, %lt3A_230 : i32
        %lt3A_232 = arith.constant 0 : i32
        %lt3A_233 = arith.cmpi slt, %select_n3A_226, %lt3A_232 : i32
        %ne3A_234 = arith.xori %lt3A_231, %lt3A_233 : i1
        %and3A_235 = arith.andi %ne3A_234, %ne3A_229 : i1
        %add3A_236 = arith.addi %rem3A_227, %select_n3A_226 : i32
        %select_n3A_237 = arith.select %and3A_235, %add3A_236, %rem3A_227 : i32
        %swap3A_238 = arith.index_cast %select_n3A_237 : i32 to index
        %swap3A_239 = arith.constant 48 : index
        %swap3A_240 = tpu.vector_load %arg11[%swap3A_238, %swap3A_239] {strides = array<i32>} : memref<4x64xf32, #tpu.memory_space<vmem>>, vector<16xf32>,
        tpu.vector_store %arg11[%swap3A_238, %swap3A_239], %add3A_221 {strides = array<i32>} : memref<4x64xf32, #tpu.memory_space<vmem>>, vector<16xf32>,
        %jit3A_241 = arith.constant 4 : i32
        %eq3A_242 = arith.constant 0 : i32
        %eq3A_243 = arith.cmpi eq, %jit3A_241, %eq3A_242 : i32
        %jit3A_244 = arith.constant 1 : i32
        %select_n3A_245 = arith.select %eq3A_243, %jit3A_244, %jit3A_241 : i32
        %rem3A_246 = arith.remsi %sub3A_48, %select_n3A_245 : i32
        %ne3A_247 = arith.constant 0 : i32
        %ne3A_248 = arith.cmpi ne, %rem3A_246, %ne3A_247 : i32
        %lt3A_249 = arith.constant 0 : i32
        %lt3A_250 = arith.cmpi slt, %rem3A_246, %lt3A_249 : i32
        %lt3A_251 = arith.constant 0 : i32
        %lt3A_252 = arith.cmpi slt, %select_n3A_245, %lt3A_251 : i32
        %ne3A_253 = arith.xori %lt3A_250, %lt3A_252 : i1
        %and3A_254 = arith.andi %ne3A_253, %ne3A_248 : i1
        %add3A_255 = arith.addi %rem3A_246, %select_n3A_245 : i32
        %select_n3A_256 = arith.select %and3A_254, %add3A_255, %rem3A_246 : i32
        %eq3A_257 = arith.constant 0 : i32
        %eq3A_258 = arith.cmpi eq, %select_n3A_256, %eq3A_257 : i32
        %convert_element_type3A_259 = arith.extui %eq3A_258 : i1 to i32
        %cond3A_260 = arith.constant 0 : i32
        %cond3A_261 = arith.cmpi ne, %convert_element_type3A_259, %cond3A_260 : i32
        scf.if %cond3A_261 {
          %add3A_325 = arith.constant 16 : i32
          %add3A_326 = arith.addi %sub3A_48, %add3A_325 : i32
          %get3A_327 = arith.index_cast %add3A_326 : i32 to index
          %get3A_328 = tpu.vector_load %arg8[%get3A_327] {strides = array<i32>} : memref<592xi32, #tpu.memory_space<vmem>>, vector<16xi32>,
          %slice3A_329 = vector.extract_strided_slice %get3A_328 {offsets = [0], sizes = [1], strides = [1]} : vector<16xi32> to vector<1xi32>
          %squeeze3A_330 = vector.extract %slice3A_329[0] : i32 from vector<1xi32>
          %dma_start3A = arith.constant 0 : i32
          %dma_start3A_331 = arith.constant 0 : i32
          %dma_start3A_332 = tpu.memref_slice %arg11[%dma_start3A, %dma_start3A_331] : memref<4x64xf32, #tpu.memory_space<vmem>> -> memref<1x64xf32, #tpu.memory_space<vmem>>
          %dma_start3A_333 = tpu.memref_squeeze %dma_start3A_332 : memref<1x64xf32, #tpu.memory_space<vmem>> -> memref<64xf32, #tpu.memory_space<vmem>>
          %dma_start3A_334 = arith.constant 0 : i32
          %dma_start3A_335 = tpu.memref_slice %arg6[%squeeze3A_330, %dma_start3A_334] : memref<16384x64xf32, #tpu.memory_space<hbm>> -> memref<1x64xf32, #tpu.memory_space<hbm>>
          %dma_start3A_336 = tpu.memref_squeeze %dma_start3A_335 : memref<1x64xf32, #tpu.memory_space<hbm>> -> memref<64xf32, #tpu.memory_space<hbm>>
          %dma_start3A_337 = arith.constant 0 : i32
          %dma_start3A_338 = tpu.memref_slice %arg6[%squeeze3A_330, %dma_start3A_337] : memref<16384x64xf32, #tpu.memory_space<hbm>> -> memref<1x64xf32, #tpu.memory_space<hbm>>
          %dma_start3A_339 = tpu.memref_squeeze %dma_start3A_338 : memref<1x64xf32, #tpu.memory_space<hbm>> -> memref<64xf32, #tpu.memory_space<hbm>>
          %dma_start3A_340 = arith.constant 0 : i32
          %dma_start3A_341 = tpu.memref_slice %arg11[%dma_start3A, %dma_start3A_340] : memref<4x64xf32, #tpu.memory_space<vmem>> -> memref<1x64xf32, #tpu.memory_space<vmem>>
          %dma_start3A_342 = tpu.memref_squeeze %dma_start3A_341 : memref<1x64xf32, #tpu.memory_space<vmem>> -> memref<64xf32, #tpu.memory_space<vmem>>
          tpu.enqueue_dma source(%dma_start3A_342 : memref<64xf32, #tpu.memory_space<vmem>>) target(%dma_start3A_339 : memref<64xf32, #tpu.memory_space<hbm>>) target_semaphore(%arg24 : memref<!tpu.dma_semaphore, #tpu.memory_space<semaphore_mem>>)
        } else {
        }
        %jit3A_262 = arith.constant 4 : i32
        %eq3A_263 = arith.constant 0 : i32
        %eq3A_264 = arith.cmpi eq, %jit3A_262, %eq3A_263 : i32
        %jit3A_265 = arith.constant 1 : i32
        %select_n3A_266 = arith.select %eq3A_264, %jit3A_265, %jit3A_262 : i32
        %rem3A_267 = arith.remsi %sub3A_48, %select_n3A_266 : i32
        %ne3A_268 = arith.constant 0 : i32
        %ne3A_269 = arith.cmpi ne, %rem3A_267, %ne3A_268 : i32
        %lt3A_270 = arith.constant 0 : i32
        %lt3A_271 = arith.cmpi slt, %rem3A_267, %lt3A_270 : i32
        %lt3A_272 = arith.constant 0 : i32
        %lt3A_273 = arith.cmpi slt, %select_n3A_266, %lt3A_272 : i32
        %ne3A_274 = arith.xori %lt3A_271, %lt3A_273 : i1
        %and3A_275 = arith.andi %ne3A_274, %ne3A_269 : i1
        %add3A_276 = arith.addi %rem3A_267, %select_n3A_266 : i32
        %select_n3A_277 = arith.select %and3A_275, %add3A_276, %rem3A_267 : i32
        %eq3A_278 = arith.constant 1 : i32
        %eq3A_279 = arith.cmpi eq, %select_n3A_277, %eq3A_278 : i32
        %convert_element_type3A_280 = arith.extui %eq3A_279 : i1 to i32
        %cond3A_281 = arith.constant 0 : i32
        %cond3A_282 = arith.cmpi ne, %convert_element_type3A_280, %cond3A_281 : i32
        scf.if %cond3A_282 {
          %add3A_325 = arith.constant 16 : i32
          %add3A_326 = arith.addi %sub3A_48, %add3A_325 : i32
          %get3A_327 = arith.index_cast %add3A_326 : i32 to index
          %get3A_328 = tpu.vector_load %arg8[%get3A_327] {strides = array<i32>} : memref<592xi32, #tpu.memory_space<vmem>>, vector<16xi32>,
          %slice3A_329 = vector.extract_strided_slice %get3A_328 {offsets = [0], sizes = [1], strides = [1]} : vector<16xi32> to vector<1xi32>
          %squeeze3A_330 = vector.extract %slice3A_329[0] : i32 from vector<1xi32>
          %dma_start3A = arith.constant 1 : i32
          %dma_start3A_331 = arith.constant 0 : i32
          %dma_start3A_332 = tpu.memref_slice %arg11[%dma_start3A, %dma_start3A_331] : memref<4x64xf32, #tpu.memory_space<vmem>> -> memref<1x64xf32, #tpu.memory_space<vmem>>
          %dma_start3A_333 = tpu.memref_squeeze %dma_start3A_332 : memref<1x64xf32, #tpu.memory_space<vmem>> -> memref<64xf32, #tpu.memory_space<vmem>>
          %dma_start3A_334 = arith.constant 0 : i32
          %dma_start3A_335 = tpu.memref_slice %arg6[%squeeze3A_330, %dma_start3A_334] : memref<16384x64xf32, #tpu.memory_space<hbm>> -> memref<1x64xf32, #tpu.memory_space<hbm>>
          %dma_start3A_336 = tpu.memref_squeeze %dma_start3A_335 : memref<1x64xf32, #tpu.memory_space<hbm>> -> memref<64xf32, #tpu.memory_space<hbm>>
          %dma_start3A_337 = arith.constant 0 : i32
          %dma_start3A_338 = tpu.memref_slice %arg6[%squeeze3A_330, %dma_start3A_337] : memref<16384x64xf32, #tpu.memory_space<hbm>> -> memref<1x64xf32, #tpu.memory_space<hbm>>
          %dma_start3A_339 = tpu.memref_squeeze %dma_start3A_338 : memref<1x64xf32, #tpu.memory_space<hbm>> -> memref<64xf32, #tpu.memory_space<hbm>>
          %dma_start3A_340 = arith.constant 0 : i32
          %dma_start3A_341 = tpu.memref_slice %arg11[%dma_start3A, %dma_start3A_340] : memref<4x64xf32, #tpu.memory_space<vmem>> -> memref<1x64xf32, #tpu.memory_space<vmem>>
          %dma_start3A_342 = tpu.memref_squeeze %dma_start3A_341 : memref<1x64xf32, #tpu.memory_space<vmem>> -> memref<64xf32, #tpu.memory_space<vmem>>
          tpu.enqueue_dma source(%dma_start3A_342 : memref<64xf32, #tpu.memory_space<vmem>>) target(%dma_start3A_339 : memref<64xf32, #tpu.memory_space<hbm>>) target_semaphore(%arg25 : memref<!tpu.dma_semaphore, #tpu.memory_space<semaphore_mem>>)
        } else {
        }
        %jit3A_283 = arith.constant 4 : i32
        %eq3A_284 = arith.constant 0 : i32
        %eq3A_285 = arith.cmpi eq, %jit3A_283, %eq3A_284 : i32
        %jit3A_286 = arith.constant 1 : i32
        %select_n3A_287 = arith.select %eq3A_285, %jit3A_286, %jit3A_283 : i32
        %rem3A_288 = arith.remsi %sub3A_48, %select_n3A_287 : i32
        %ne3A_289 = arith.constant 0 : i32
        %ne3A_290 = arith.cmpi ne, %rem3A_288, %ne3A_289 : i32
        %lt3A_291 = arith.constant 0 : i32
        %lt3A_292 = arith.cmpi slt, %rem3A_288, %lt3A_291 : i32
        %lt3A_293 = arith.constant 0 : i32
        %lt3A_294 = arith.cmpi slt, %select_n3A_287, %lt3A_293 : i32
        %ne3A_295 = arith.xori %lt3A_292, %lt3A_294 : i1
        %and3A_296 = arith.andi %ne3A_295, %ne3A_290 : i1
        %add3A_297 = arith.addi %rem3A_288, %select_n3A_287 : i32
        %select_n3A_298 = arith.select %and3A_296, %add3A_297, %rem3A_288 : i32
        %eq3A_299 = arith.constant 2 : i32
        %eq3A_300 = arith.cmpi eq, %select_n3A_298, %eq3A_299 : i32
        %convert_element_type3A_301 = arith.extui %eq3A_300 : i1 to i32
        %cond3A_302 = arith.constant 0 : i32
        %cond3A_303 = arith.cmpi ne, %convert_element_type3A_301, %cond3A_302 : i32
        scf.if %cond3A_303 {
          %add3A_325 = arith.constant 16 : i32
          %add3A_326 = arith.addi %sub3A_48, %add3A_325 : i32
          %get3A_327 = arith.index_cast %add3A_326 : i32 to index
          %get3A_328 = tpu.vector_load %arg8[%get3A_327] {strides = array<i32>} : memref<592xi32, #tpu.memory_space<vmem>>, vector<16xi32>,
          %slice3A_329 = vector.extract_strided_slice %get3A_328 {offsets = [0], sizes = [1], strides = [1]} : vector<16xi32> to vector<1xi32>
          %squeeze3A_330 = vector.extract %slice3A_329[0] : i32 from vector<1xi32>
          %dma_start3A = arith.constant 2 : i32
          %dma_start3A_331 = arith.constant 0 : i32
          %dma_start3A_332 = tpu.memref_slice %arg11[%dma_start3A, %dma_start3A_331] : memref<4x64xf32, #tpu.memory_space<vmem>> -> memref<1x64xf32, #tpu.memory_space<vmem>>
          %dma_start3A_333 = tpu.memref_squeeze %dma_start3A_332 : memref<1x64xf32, #tpu.memory_space<vmem>> -> memref<64xf32, #tpu.memory_space<vmem>>
          %dma_start3A_334 = arith.constant 0 : i32
          %dma_start3A_335 = tpu.memref_slice %arg6[%squeeze3A_330, %dma_start3A_334] : memref<16384x64xf32, #tpu.memory_space<hbm>> -> memref<1x64xf32, #tpu.memory_space<hbm>>
          %dma_start3A_336 = tpu.memref_squeeze %dma_start3A_335 : memref<1x64xf32, #tpu.memory_space<hbm>> -> memref<64xf32, #tpu.memory_space<hbm>>
          %dma_start3A_337 = arith.constant 0 : i32
          %dma_start3A_338 = tpu.memref_slice %arg6[%squeeze3A_330, %dma_start3A_337] : memref<16384x64xf32, #tpu.memory_space<hbm>> -> memref<1x64xf32, #tpu.memory_space<hbm>>
          %dma_start3A_339 = tpu.memref_squeeze %dma_start3A_338 : memref<1x64xf32, #tpu.memory_space<hbm>> -> memref<64xf32, #tpu.memory_space<hbm>>
          %dma_start3A_340 = arith.constant 0 : i32
          %dma_start3A_341 = tpu.memref_slice %arg11[%dma_start3A, %dma_start3A_340] : memref<4x64xf32, #tpu.memory_space<vmem>> -> memref<1x64xf32, #tpu.memory_space<vmem>>
          %dma_start3A_342 = tpu.memref_squeeze %dma_start3A_341 : memref<1x64xf32, #tpu.memory_space<vmem>> -> memref<64xf32, #tpu.memory_space<vmem>>
          tpu.enqueue_dma source(%dma_start3A_342 : memref<64xf32, #tpu.memory_space<vmem>>) target(%dma_start3A_339 : memref<64xf32, #tpu.memory_space<hbm>>) target_semaphore(%arg26 : memref<!tpu.dma_semaphore, #tpu.memory_space<semaphore_mem>>)
        } else {
        }
        %jit3A_304 = arith.constant 4 : i32
        %eq3A_305 = arith.constant 0 : i32
        %eq3A_306 = arith.cmpi eq, %jit3A_304, %eq3A_305 : i32
        %jit3A_307 = arith.constant 1 : i32
        %select_n3A_308 = arith.select %eq3A_306, %jit3A_307, %jit3A_304 : i32
        %rem3A_309 = arith.remsi %sub3A_48, %select_n3A_308 : i32
        %ne3A_310 = arith.constant 0 : i32
        %ne3A_311 = arith.cmpi ne, %rem3A_309, %ne3A_310 : i32
        %lt3A_312 = arith.constant 0 : i32
        %lt3A_313 = arith.cmpi slt, %rem3A_309, %lt3A_312 : i32
        %lt3A_314 = arith.constant 0 : i32
        %lt3A_315 = arith.cmpi slt, %select_n3A_308, %lt3A_314 : i32
        %ne3A_316 = arith.xori %lt3A_313, %lt3A_315 : i1
        %and3A_317 = arith.andi %ne3A_316, %ne3A_311 : i1
        %add3A_318 = arith.addi %rem3A_309, %select_n3A_308 : i32
        %select_n3A_319 = arith.select %and3A_317, %add3A_318, %rem3A_309 : i32
        %eq3A_320 = arith.constant 3 : i32
        %eq3A_321 = arith.cmpi eq, %select_n3A_319, %eq3A_320 : i32
        %convert_element_type3A_322 = arith.extui %eq3A_321 : i1 to i32
        %cond3A_323 = arith.constant 0 : i32
        %cond3A_324 = arith.cmpi ne, %convert_element_type3A_322, %cond3A_323 : i32
        scf.if %cond3A_324 {
          %add3A_325 = arith.constant 16 : i32
          %add3A_326 = arith.addi %sub3A_48, %add3A_325 : i32
          %get3A_327 = arith.index_cast %add3A_326 : i32 to index
          %get3A_328 = tpu.vector_load %arg8[%get3A_327] {strides = array<i32>} : memref<592xi32, #tpu.memory_space<vmem>>, vector<16xi32>,
          %slice3A_329 = vector.extract_strided_slice %get3A_328 {offsets = [0], sizes = [1], strides = [1]} : vector<16xi32> to vector<1xi32>
          %squeeze3A_330 = vector.extract %slice3A_329[0] : i32 from vector<1xi32>
          %dma_start3A = arith.constant 3 : i32
          %dma_start3A_331 = arith.constant 0 : i32
          %dma_start3A_332 = tpu.memref_slice %arg11[%dma_start3A, %dma_start3A_331] : memref<4x64xf32, #tpu.memory_space<vmem>> -> memref<1x64xf32, #tpu.memory_space<vmem>>
          %dma_start3A_333 = tpu.memref_squeeze %dma_start3A_332 : memref<1x64xf32, #tpu.memory_space<vmem>> -> memref<64xf32, #tpu.memory_space<vmem>>
          %dma_start3A_334 = arith.constant 0 : i32
          %dma_start3A_335 = tpu.memref_slice %arg6[%squeeze3A_330, %dma_start3A_334] : memref<16384x64xf32, #tpu.memory_space<hbm>> -> memref<1x64xf32, #tpu.memory_space<hbm>>
          %dma_start3A_336 = tpu.memref_squeeze %dma_start3A_335 : memref<1x64xf32, #tpu.memory_space<hbm>> -> memref<64xf32, #tpu.memory_space<hbm>>
          %dma_start3A_337 = arith.constant 0 : i32
          %dma_start3A_338 = tpu.memref_slice %arg6[%squeeze3A_330, %dma_start3A_337] : memref<16384x64xf32, #tpu.memory_space<hbm>> -> memref<1x64xf32, #tpu.memory_space<hbm>>
          %dma_start3A_339 = tpu.memref_squeeze %dma_start3A_338 : memref<1x64xf32, #tpu.memory_space<hbm>> -> memref<64xf32, #tpu.memory_space<hbm>>
          %dma_start3A_340 = arith.constant 0 : i32
          %dma_start3A_341 = tpu.memref_slice %arg11[%dma_start3A, %dma_start3A_340] : memref<4x64xf32, #tpu.memory_space<vmem>> -> memref<1x64xf32, #tpu.memory_space<vmem>>
          %dma_start3A_342 = tpu.memref_squeeze %dma_start3A_341 : memref<1x64xf32, #tpu.memory_space<vmem>> -> memref<64xf32, #tpu.memory_space<vmem>>
          tpu.enqueue_dma source(%dma_start3A_342 : memref<64xf32, #tpu.memory_space<vmem>>) target(%dma_start3A_339 : memref<64xf32, #tpu.memory_space<hbm>>) target_semaphore(%arg27 : memref<!tpu.dma_semaphore, #tpu.memory_space<semaphore_mem>>)
        } else {
        }
      } else {
      }
      scf.yield %select_n3A_40, %select_n3A_72, %select_n3A_43, %select_n3A_75 : i32, i32, i32, i32
    }
    %scan3A_13 = arith.constant 523 : i32
    %scan3A_14 = arith.constant 0 : i32
    %scan3A_15 = arith.constant 508 : i32
    %scan3A_16 = arith.constant 4 : i32
    %scan3A_17 = arith.addi %scan3A_15, %scan3A_16 : i32
    %scan3A_18 = arith.constant 1 : i32
    %scan3A_19 = scf.for %scan3A_21 = %scan3A_15 to %scan3A_17 step %scan3A_18 iter_args(%scan3A_22 = %scan3A_14) -> (i32)  : i32 {
      %jit3A = arith.constant 4 : i32
      %eq3A = arith.constant 0 : i32
      %eq3A_23 = arith.cmpi eq, %jit3A, %eq3A : i32
      %jit3A_24 = arith.constant 1 : i32
      %select_n3A = arith.select %eq3A_23, %jit3A_24, %jit3A : i32
      %rem3A = arith.remsi %scan3A_21, %select_n3A : i32
      %ne3A = arith.constant 0 : i32
      %ne3A_25 = arith.cmpi ne, %rem3A, %ne3A : i32
      %lt3A = arith.constant 0 : i32
      %lt3A_26 = arith.cmpi slt, %rem3A, %lt3A : i32
      %lt3A_27 = arith.constant 0 : i32
      %lt3A_28 = arith.cmpi slt, %select_n3A, %lt3A_27 : i32
      %ne3A_29 = arith.xori %lt3A_26, %lt3A_28 : i1
      %and3A = arith.andi %ne3A_29, %ne3A_25 : i1
      %add3A_30 = arith.addi %rem3A, %select_n3A : i32
      %select_n3A_31 = arith.select %and3A, %add3A_30, %rem3A : i32
      %eq3A_32 = arith.constant 0 : i32
      %eq3A_33 = arith.cmpi eq, %select_n3A_31, %eq3A_32 : i32
      %convert_element_type3A = arith.extui %eq3A_33 : i1 to i32
      %cond3A = arith.constant 0 : i32
      %cond3A_34 = arith.cmpi ne, %convert_element_type3A, %cond3A : i32
      scf.if %cond3A_34 {
        %add3A_99 = arith.constant 16 : i32
        %add3A_100 = arith.addi %scan3A_21, %add3A_99 : i32
        %get3A = arith.index_cast %add3A_100 : i32 to index
        %get3A_101 = tpu.vector_load %arg8[%get3A] {strides = array<i32>} : memref<592xi32, #tpu.memory_space<vmem>>, vector<16xi32>,
        %slice3A = vector.extract_strided_slice %get3A_101 {offsets = [0], sizes = [1], strides = [1]} : vector<16xi32> to vector<1xi32>
        %squeeze3A = vector.extract %slice3A[0] : i32 from vector<1xi32>
        %dma_wait3A = arith.constant 0 : i32
        %dma_wait3A_102 = arith.constant 0 : i32
        %dma_wait3A_103 = tpu.memref_slice %arg11[%dma_wait3A, %dma_wait3A_102] : memref<4x64xf32, #tpu.memory_space<vmem>> -> memref<1x64xf32, #tpu.memory_space<vmem>>
        %dma_wait3A_104 = tpu.memref_squeeze %dma_wait3A_103 : memref<1x64xf32, #tpu.memory_space<vmem>> -> memref<64xf32, #tpu.memory_space<vmem>>
        %dma_wait3A_105 = arith.constant 0 : i32
        %dma_wait3A_106 = tpu.memref_slice %arg6[%squeeze3A, %dma_wait3A_105] : memref<16384x64xf32, #tpu.memory_space<hbm>> -> memref<1x64xf32, #tpu.memory_space<hbm>>
        %dma_wait3A_107 = tpu.memref_squeeze %dma_wait3A_106 : memref<1x64xf32, #tpu.memory_space<hbm>> -> memref<64xf32, #tpu.memory_space<hbm>>
        %dma_wait3A_108 = arith.constant 0 : i32
        %dma_wait3A_109 = tpu.memref_slice %arg6[%squeeze3A, %dma_wait3A_108] : memref<16384x64xf32, #tpu.memory_space<hbm>> -> memref<1x64xf32, #tpu.memory_space<hbm>>
        %dma_wait3A_110 = tpu.memref_squeeze %dma_wait3A_109 : memref<1x64xf32, #tpu.memory_space<hbm>> -> memref<64xf32, #tpu.memory_space<hbm>>
        %dma_wait3A_111 = arith.constant 0 : i32
        %dma_wait3A_112 = tpu.memref_slice %arg11[%dma_wait3A, %dma_wait3A_111] : memref<4x64xf32, #tpu.memory_space<vmem>> -> memref<1x64xf32, #tpu.memory_space<vmem>>
        %dma_wait3A_113 = tpu.memref_squeeze %dma_wait3A_112 : memref<1x64xf32, #tpu.memory_space<vmem>> -> memref<64xf32, #tpu.memory_space<vmem>>
        tpu.wait_dma2 semaphore(%arg24 : memref<!tpu.dma_semaphore, #tpu.memory_space<semaphore_mem>>) src(%dma_wait3A_113 : memref<64xf32, #tpu.memory_space<vmem>>) dst(%dma_wait3A_110 : memref<64xf32, #tpu.memory_space<hbm>>)
      } else {
      }
      %jit3A_35 = arith.constant 4 : i32
      %eq3A_36 = arith.constant 0 : i32
      %eq3A_37 = arith.cmpi eq, %jit3A_35, %eq3A_36 : i32
      %jit3A_38 = arith.constant 1 : i32
      %select_n3A_39 = arith.select %eq3A_37, %jit3A_38, %jit3A_35 : i32
      %rem3A_40 = arith.remsi %scan3A_21, %select_n3A_39 : i32
      %ne3A_41 = arith.constant 0 : i32
      %ne3A_42 = arith.cmpi ne, %rem3A_40, %ne3A_41 : i32
      %lt3A_43 = arith.constant 0 : i32
      %lt3A_44 = arith.cmpi slt, %rem3A_40, %lt3A_43 : i32
      %lt3A_45 = arith.constant 0 : i32
      %lt3A_46 = arith.cmpi slt, %select_n3A_39, %lt3A_45 : i32
      %ne3A_47 = arith.xori %lt3A_44, %lt3A_46 : i1
      %and3A_48 = arith.andi %ne3A_47, %ne3A_42 : i1
      %add3A_49 = arith.addi %rem3A_40, %select_n3A_39 : i32
      %select_n3A_50 = arith.select %and3A_48, %add3A_49, %rem3A_40 : i32
      %eq3A_51 = arith.constant 1 : i32
      %eq3A_52 = arith.cmpi eq, %select_n3A_50, %eq3A_51 : i32
      %convert_element_type3A_53 = arith.extui %eq3A_52 : i1 to i32
      %cond3A_54 = arith.constant 0 : i32
      %cond3A_55 = arith.cmpi ne, %convert_element_type3A_53, %cond3A_54 : i32
      scf.if %cond3A_55 {
        %add3A_99 = arith.constant 16 : i32
        %add3A_100 = arith.addi %scan3A_21, %add3A_99 : i32
        %get3A = arith.index_cast %add3A_100 : i32 to index
        %get3A_101 = tpu.vector_load %arg8[%get3A] {strides = array<i32>} : memref<592xi32, #tpu.memory_space<vmem>>, vector<16xi32>,
        %slice3A = vector.extract_strided_slice %get3A_101 {offsets = [0], sizes = [1], strides = [1]} : vector<16xi32> to vector<1xi32>
        %squeeze3A = vector.extract %slice3A[0] : i32 from vector<1xi32>
        %dma_wait3A = arith.constant 1 : i32
        %dma_wait3A_102 = arith.constant 0 : i32
        %dma_wait3A_103 = tpu.memref_slice %arg11[%dma_wait3A, %dma_wait3A_102] : memref<4x64xf32, #tpu.memory_space<vmem>> -> memref<1x64xf32, #tpu.memory_space<vmem>>
        %dma_wait3A_104 = tpu.memref_squeeze %dma_wait3A_103 : memref<1x64xf32, #tpu.memory_space<vmem>> -> memref<64xf32, #tpu.memory_space<vmem>>
        %dma_wait3A_105 = arith.constant 0 : i32
        %dma_wait3A_106 = tpu.memref_slice %arg6[%squeeze3A, %dma_wait3A_105] : memref<16384x64xf32, #tpu.memory_space<hbm>> -> memref<1x64xf32, #tpu.memory_space<hbm>>
        %dma_wait3A_107 = tpu.memref_squeeze %dma_wait3A_106 : memref<1x64xf32, #tpu.memory_space<hbm>> -> memref<64xf32, #tpu.memory_space<hbm>>
        %dma_wait3A_108 = arith.constant 0 : i32
        %dma_wait3A_109 = tpu.memref_slice %arg6[%squeeze3A, %dma_wait3A_108] : memref<16384x64xf32, #tpu.memory_space<hbm>> -> memref<1x64xf32, #tpu.memory_space<hbm>>
        %dma_wait3A_110 = tpu.memref_squeeze %dma_wait3A_109 : memref<1x64xf32, #tpu.memory_space<hbm>> -> memref<64xf32, #tpu.memory_space<hbm>>
        %dma_wait3A_111 = arith.constant 0 : i32
        %dma_wait3A_112 = tpu.memref_slice %arg11[%dma_wait3A, %dma_wait3A_111] : memref<4x64xf32, #tpu.memory_space<vmem>> -> memref<1x64xf32, #tpu.memory_space<vmem>>
        %dma_wait3A_113 = tpu.memref_squeeze %dma_wait3A_112 : memref<1x64xf32, #tpu.memory_space<vmem>> -> memref<64xf32, #tpu.memory_space<vmem>>
        tpu.wait_dma2 semaphore(%arg25 : memref<!tpu.dma_semaphore, #tpu.memory_space<semaphore_mem>>) src(%dma_wait3A_113 : memref<64xf32, #tpu.memory_space<vmem>>) dst(%dma_wait3A_110 : memref<64xf32, #tpu.memory_space<hbm>>)
      } else {
      }
      %jit3A_56 = arith.constant 4 : i32
      %eq3A_57 = arith.constant 0 : i32
      %eq3A_58 = arith.cmpi eq, %jit3A_56, %eq3A_57 : i32
      %jit3A_59 = arith.constant 1 : i32
      %select_n3A_60 = arith.select %eq3A_58, %jit3A_59, %jit3A_56 : i32
      %rem3A_61 = arith.remsi %scan3A_21, %select_n3A_60 : i32
      %ne3A_62 = arith.constant 0 : i32
      %ne3A_63 = arith.cmpi ne, %rem3A_61, %ne3A_62 : i32
      %lt3A_64 = arith.constant 0 : i32
      %lt3A_65 = arith.cmpi slt, %rem3A_61, %lt3A_64 : i32
      %lt3A_66 = arith.constant 0 : i32
      %lt3A_67 = arith.cmpi slt, %select_n3A_60, %lt3A_66 : i32
      %ne3A_68 = arith.xori %lt3A_65, %lt3A_67 : i1
      %and3A_69 = arith.andi %ne3A_68, %ne3A_63 : i1
      %add3A_70 = arith.addi %rem3A_61, %select_n3A_60 : i32
      %select_n3A_71 = arith.select %and3A_69, %add3A_70, %rem3A_61 : i32
      %eq3A_72 = arith.constant 2 : i32
      %eq3A_73 = arith.cmpi eq, %select_n3A_71, %eq3A_72 : i32
      %convert_element_type3A_74 = arith.extui %eq3A_73 : i1 to i32
      %cond3A_75 = arith.constant 0 : i32
      %cond3A_76 = arith.cmpi ne, %convert_element_type3A_74, %cond3A_75 : i32
      scf.if %cond3A_76 {
        %add3A_99 = arith.constant 16 : i32
        %add3A_100 = arith.addi %scan3A_21, %add3A_99 : i32
        %get3A = arith.index_cast %add3A_100 : i32 to index
        %get3A_101 = tpu.vector_load %arg8[%get3A] {strides = array<i32>} : memref<592xi32, #tpu.memory_space<vmem>>, vector<16xi32>,
        %slice3A = vector.extract_strided_slice %get3A_101 {offsets = [0], sizes = [1], strides = [1]} : vector<16xi32> to vector<1xi32>
        %squeeze3A = vector.extract %slice3A[0] : i32 from vector<1xi32>
        %dma_wait3A = arith.constant 2 : i32
        %dma_wait3A_102 = arith.constant 0 : i32
        %dma_wait3A_103 = tpu.memref_slice %arg11[%dma_wait3A, %dma_wait3A_102] : memref<4x64xf32, #tpu.memory_space<vmem>> -> memref<1x64xf32, #tpu.memory_space<vmem>>
        %dma_wait3A_104 = tpu.memref_squeeze %dma_wait3A_103 : memref<1x64xf32, #tpu.memory_space<vmem>> -> memref<64xf32, #tpu.memory_space<vmem>>
        %dma_wait3A_105 = arith.constant 0 : i32
        %dma_wait3A_106 = tpu.memref_slice %arg6[%squeeze3A, %dma_wait3A_105] : memref<16384x64xf32, #tpu.memory_space<hbm>> -> memref<1x64xf32, #tpu.memory_space<hbm>>
        %dma_wait3A_107 = tpu.memref_squeeze %dma_wait3A_106 : memref<1x64xf32, #tpu.memory_space<hbm>> -> memref<64xf32, #tpu.memory_space<hbm>>
        %dma_wait3A_108 = arith.constant 0 : i32
        %dma_wait3A_109 = tpu.memref_slice %arg6[%squeeze3A, %dma_wait3A_108] : memref<16384x64xf32, #tpu.memory_space<hbm>> -> memref<1x64xf32, #tpu.memory_space<hbm>>
        %dma_wait3A_110 = tpu.memref_squeeze %dma_wait3A_109 : memref<1x64xf32, #tpu.memory_space<hbm>> -> memref<64xf32, #tpu.memory_space<hbm>>
        %dma_wait3A_111 = arith.constant 0 : i32
        %dma_wait3A_112 = tpu.memref_slice %arg11[%dma_wait3A, %dma_wait3A_111] : memref<4x64xf32, #tpu.memory_space<vmem>> -> memref<1x64xf32, #tpu.memory_space<vmem>>
        %dma_wait3A_113 = tpu.memref_squeeze %dma_wait3A_112 : memref<1x64xf32, #tpu.memory_space<vmem>> -> memref<64xf32, #tpu.memory_space<vmem>>
        tpu.wait_dma2 semaphore(%arg26 : memref<!tpu.dma_semaphore, #tpu.memory_space<semaphore_mem>>) src(%dma_wait3A_113 : memref<64xf32, #tpu.memory_space<vmem>>) dst(%dma_wait3A_110 : memref<64xf32, #tpu.memory_space<hbm>>)
      } else {
      }
      %jit3A_77 = arith.constant 4 : i32
      %eq3A_78 = arith.constant 0 : i32
      %eq3A_79 = arith.cmpi eq, %jit3A_77, %eq3A_78 : i32
      %jit3A_80 = arith.constant 1 : i32
      %select_n3A_81 = arith.select %eq3A_79, %jit3A_80, %jit3A_77 : i32
      %rem3A_82 = arith.remsi %scan3A_21, %select_n3A_81 : i32
      %ne3A_83 = arith.constant 0 : i32
      %ne3A_84 = arith.cmpi ne, %rem3A_82, %ne3A_83 : i32
      %lt3A_85 = arith.constant 0 : i32
      %lt3A_86 = arith.cmpi slt, %rem3A_82, %lt3A_85 : i32
      %lt3A_87 = arith.constant 0 : i32
      %lt3A_88 = arith.cmpi slt, %select_n3A_81, %lt3A_87 : i32
      %ne3A_89 = arith.xori %lt3A_86, %lt3A_88 : i1
      %and3A_90 = arith.andi %ne3A_89, %ne3A_84 : i1
      %add3A_91 = arith.addi %rem3A_82, %select_n3A_81 : i32
      %select_n3A_92 = arith.select %and3A_90, %add3A_91, %rem3A_82 : i32
      %eq3A_93 = arith.constant 3 : i32
      %eq3A_94 = arith.cmpi eq, %select_n3A_92, %eq3A_93 : i32
      %convert_element_type3A_95 = arith.extui %eq3A_94 : i1 to i32
      %cond3A_96 = arith.constant 0 : i32
      %cond3A_97 = arith.cmpi ne, %convert_element_type3A_95, %cond3A_96 : i32
      scf.if %cond3A_97 {
        %add3A_99 = arith.constant 16 : i32
        %add3A_100 = arith.addi %scan3A_21, %add3A_99 : i32
        %get3A = arith.index_cast %add3A_100 : i32 to index
        %get3A_101 = tpu.vector_load %arg8[%get3A] {strides = array<i32>} : memref<592xi32, #tpu.memory_space<vmem>>, vector<16xi32>,
        %slice3A = vector.extract_strided_slice %get3A_101 {offsets = [0], sizes = [1], strides = [1]} : vector<16xi32> to vector<1xi32>
        %squeeze3A = vector.extract %slice3A[0] : i32 from vector<1xi32>
        %dma_wait3A = arith.constant 3 : i32
        %dma_wait3A_102 = arith.constant 0 : i32
        %dma_wait3A_103 = tpu.memref_slice %arg11[%dma_wait3A, %dma_wait3A_102] : memref<4x64xf32, #tpu.memory_space<vmem>> -> memref<1x64xf32, #tpu.memory_space<vmem>>
        %dma_wait3A_104 = tpu.memref_squeeze %dma_wait3A_103 : memref<1x64xf32, #tpu.memory_space<vmem>> -> memref<64xf32, #tpu.memory_space<vmem>>
        %dma_wait3A_105 = arith.constant 0 : i32
        %dma_wait3A_106 = tpu.memref_slice %arg6[%squeeze3A, %dma_wait3A_105] : memref<16384x64xf32, #tpu.memory_space<hbm>> -> memref<1x64xf32, #tpu.memory_space<hbm>>
        %dma_wait3A_107 = tpu.memref_squeeze %dma_wait3A_106 : memref<1x64xf32, #tpu.memory_space<hbm>> -> memref<64xf32, #tpu.memory_space<hbm>>
        %dma_wait3A_108 = arith.constant 0 : i32
        %dma_wait3A_109 = tpu.memref_slice %arg6[%squeeze3A, %dma_wait3A_108] : memref<16384x64xf32, #tpu.memory_space<hbm>> -> memref<1x64xf32, #tpu.memory_space<hbm>>
        %dma_wait3A_110 = tpu.memref_squeeze %dma_wait3A_109 : memref<1x64xf32, #tpu.memory_space<hbm>> -> memref<64xf32, #tpu.memory_space<hbm>>
        %dma_wait3A_111 = arith.constant 0 : i32
        %dma_wait3A_112 = tpu.memref_slice %arg11[%dma_wait3A, %dma_wait3A_111] : memref<4x64xf32, #tpu.memory_space<vmem>> -> memref<1x64xf32, #tpu.memory_space<vmem>>
        %dma_wait3A_113 = tpu.memref_squeeze %dma_wait3A_112 : memref<1x64xf32, #tpu.memory_space<vmem>> -> memref<64xf32, #tpu.memory_space<vmem>>
        tpu.wait_dma2 semaphore(%arg27 : memref<!tpu.dma_semaphore, #tpu.memory_space<semaphore_mem>>) src(%dma_wait3A_113 : memref<64xf32, #tpu.memory_space<vmem>>) dst(%dma_wait3A_110 : memref<64xf32, #tpu.memory_space<hbm>>)
      } else {
      }
      %scan3A_98 = arith.constant 0 : i32
      scf.yield %scan3A_98 : i32
    }
    %scan3A_20 = arith.constant 4 : i32
    return
  }
}

</mosaic_0001>

<sc_bundles>
// kernel: kernel.3.cloned.1.call-start
scs
__scs_entry_jumppad:
0x0: {  	(pc) =	sbr.rel $0x88, $3  }
0x1: {  	(tag) =	ssettag $0x0;
	lr =	simm.s32 $0x1  }
0x2: {  	[smem:$0x3F9D] =	sst lr;
	_ =	strace $0xD0000000  }
0x3: {  	_ = 	snop  }
0x4: {  	_ = 	snop  }
0x5: {  	_ = 	snop  }
0x6: {  	_ = 	snop  }
0x7: {  	_ = 	snop  }
__scs_overlays_trampoline_lowered:
0x8: {  	[smem:$0x3FAC] =	sst s0  }
0x9: {  	[smem:$0x3FAD] =	sst s1  }
0xa: {  	[smem:$0x3FAE] =	sst s2  }
0xb: {  	[smem:$0x3FAF] =	sst s3  }
0xc: {  	[smem:$0x3FB0] =	sst s4  }
0xd: {  	[smem:$0x3FB1] =	sst s5  }
0xe: {  	[smem:$0x3FB2] =	sst s6  }
0xf: {  	[smem:$0x3FB3] =	sst s7  }
0x10: {  	[smem:$0x3FB4] =	sst s8  }
0x11: {  	[smem:$0x3FB5] =	sst s9;
	s0 =	simm.s32 @!p0 $0x0  }
0x12: {  	s1 =	sld [smem:$0x3F9B];
	s0 =	simm.s32 @p0 $0x1  }
0x13: {  	[smem:$0x3FB6] =	sst s0;
	s0 =	simm.s32 @!p1 $0x0  }
0x14: {  	s2 =	sld [smem:$0x3F9A];
	s0 =	simm.s32 @p1 $0x1  }
0x15: {  	[smem:$0x3FB7] =	sst s0;
	s0 =	simm.s32 @!p2 $0x0  }
0x16: {  	s3 =	sld [smem:$0x3FDB];
	s0 =	simm.s32 @p2 $0x1  }
0x17: {  	s4 =	simm.s32 $0x1BF5;
	[smem:$0x3FB9] =	sst s0  }
0x18: {  	s0 =	sld [smem:$0x3F9C];
	_ =	swait.ge [sflag:s4], $0x0  }
0x19: {  	s7 =	sld [smem:$0x3F9D]  }
0x1a: {  	s8 =	sadd.s32 $0xFFFFE003, lr  }
0x1b: {  	s9 =	sadd.s32 $0xFFFFFEF7, lr;
	s5 =	simm.s32 $0xFFFFFFFF;
	p2 =	slt.u32 s8, $0xFFFFF086  }
0x1c: {  	p1 =	slt.u32 s9, $0xF7A;
	s5 =	simm.s32 @!p2 $0x0  }
0x1d: {  	s5 =	simm.s32 @p1 $0x1;
	p0 =	seq.s32 s7, s2  }
0x1e: {  	s7 =	smul.u32 @!p0 $0xF7A, s2;
	p2 =	seq.s32 @!p0 s5, $0x0  }
0x1f: {  	s9 =	smul.u32 $0xF7A, s1;
	s8 =	simm.s32 @!p0 $0x1BF5;
	p2 =	por !p2, p0  }
0x20: {  	[sflag:s8] =	ssyncset.s32 @!p0 $0xFFFFF086;
	s6 =	sadd.s32 @!p0 s3, s7;
	s7 =	simm.s32 @!p0 $0x108  }
0x21: {  	s3 =	sadd.s32 s3, s9;
	s6 =	sadd.s32 @!p0 $0x88, s6;
	s7 =	simm.s32 @p2 $0x1082  }
0x22: {  	[simem:s7], [sflag:s8] =	dma.local @!p0 [hbm:s6], $0xF7A  }
0x23: {  	s9 =	sor.u32 $0xD0000000, s2;
	s6 =	simm.s32 $0x108;
	_ =	swait.ge @!p0 [sflag:s8], $0x0  }
0x24: {  	s3 =	sadd.s32 $0x88, s3;
	s6 =	simm.s32 @!p1 $0x1082;
	[sflag:s4] =	ssyncset.s32 $0xFFFFF086  }
0x25: {  	[simem:s6], [sflag:s4] =	dma.local [hbm:s3], $0xF7A  }
0x26: {  	[smem:$0x3F9D] =	sst s1;
	(tag) =	ssettag s2;
	_ =	strace s9  }
0x27: {  	s1 =	sld [smem:$0x3FAD]  }
0x28: {  	s2 =	sld [smem:$0x3FAE]  }
0x29: {  	s4 =	sld [smem:$0x3FB0]  }
0x2a: {  	p0 =	seq.s32 s5, $0x0;
	s5 =	sld [smem:$0x3FB1]  }
0x2b: {  	s6 =	sld [smem:$0x3FB2]  }
0x2c: {  	s7 =	sld [smem:$0x3FB3]  }
0x2d: {  	s3 =	simm.s32 $0x108;
	s8 =	sld [smem:$0x3FB4]  }
0x2e: {  	s3 =	simm.s32 @!p0 $0x1082;
	s9 =	sld [smem:$0x3FB5]  }
0x2f: {  	lr =	sadd.s32 s0, s3;
	s0 =	sld [smem:$0x3FAC]  }
0x30: {  	s3 =	sld [smem:$0x3FAF]  }
0x31: {  	[smem:$0x3FB8] =	sst s10  }
0x32: {  	s10 =	sld [smem:$0x3FB6];
	_ =	sdelay $0x3  }
0x33: {  	p0 =	seq.s32 s10, $0x1;
	s10 =	sld [smem:$0x3FB8];
	_ =	sdelay $0x3  }
0x34: {  	[smem:$0x3FB8] =	sst s10  }
0x35: {  	s10 =	sld [smem:$0x3FB7];
	_ =	sdelay $0x3  }
0x36: {  	p1 =	seq.s32 s10, $0x1;
	s10 =	sld [smem:$0x3FB8];
	_ =	sdelay $0x3  }
0x37: {  	[smem:$0x3FB8] =	sst s10  }
0x38: {  	s10 =	sld [smem:$0x3FB9]  }
0x39: {  	_ = 	snop;
	(pc) =	sbr.ind lr, $3  }
0x3a: {  	_ = 	snop  }
0x3b: {  	_ = 	snop  }
0x3c: {  	p2 =	seq.s32 s10, $0x1;
	s10 =	sld [smem:$0x3FB8]  }
0x3d: {  	_ =	shalt  }
0x3e: {  	_ =	shalt  }
0x3f: {  	_ =	shalt  }
0x40: {  	_ =	shalt  }
0x41: {  	_ =	shalt  }
0x42: {  	_ =	shalt  }
0x43: {  	_ =	shalt  }
0x44: {  	_ =	shalt  }
0x45: {  	_ =	shalt  }
0x46: {  	_ =	shalt  }
0x47: {  	_ =	shalt  }
0x48: {  	_ =	shalt  }
0x49: {  	_ =	shalt  }
0x4a: {  	_ =	shalt  }
0x4b: {  	_ =	shalt  }
0x4c: {  	_ =	shalt  }
0x4d: {  	_ =	shalt  }
0x4e: {  	_ =	shalt  }
0x4f: {  	_ =	shalt  }
0x50: {  	_ =	shalt  }
0x51: {  	_ =	shalt  }
0x52: {  	_ =	shalt  }
0x53: {  	_ =	shalt  }
0x54: {  	_ =	shalt  }
0x55: {  	_ =	shalt  }
0x56: {  	_ =	shalt  }
0x57: {  	_ =	shalt  }
0x58: {  	_ =	shalt  }
0x59: {  	_ =	shalt  }
0x5a: {  	_ =	shalt  }
0x5b: {  	_ =	shalt  }
0x5c: {  	_ =	shalt  }
0x5d: {  	_ =	shalt  }
0x5e: {  	_ =	shalt  }
0x5f: {  	_ =	shalt  }
0x60: {  	_ =	shalt  }
0x61: {  	_ =	shalt  }
0x62: {  	_ =	shalt  }
0x63: {  	_ =	shalt  }
0x64: {  	_ =	shalt  }
0x65: {  	_ =	shalt  }
0x66: {  	_ =	shalt  }
0x67: {  	_ =	shalt  }
0x68: {  	_ =	shalt  }
0x69: {  	_ =	shalt  }
0x6a: {  	_ =	shalt  }
0x6b: {  	_ =	shalt  }
0x6c: {  	_ =	shalt  }
0x6d: {  	_ =	shalt  }
0x6e: {  	_ =	shalt  }
0x6f: {  	_ =	shalt  }
0x70: {  	_ =	shalt  }
0x71: {  	_ =	shalt  }
0x72: {  	_ =	shalt  }
0x73: {  	_ =	shalt  }
0x74: {  	_ =	shalt  }
0x75: {  	_ =	shalt  }
0x76: {  	_ =	shalt  }
0x77: {  	_ =	shalt  }
0x78: {  	_ =	shalt  }
0x79: {  	_ =	shalt  }
0x7a: {  	_ =	shalt  }
0x7b: {  	_ =	shalt  }
0x7c: {  	_ =	shalt  }
0x7d: {  	_ =	shalt  }
0x7e: {  	_ =	shalt  }
0x7f: {  	_ =	shalt  }
0x80: {  	_ =	shalt  }
0x81: {  	_ =	shalt  }
0x82: {  	_ =	shalt  }
0x83: {  	_ =	shalt  }
0x84: {  	_ =	shalt  }
0x85: {  	_ =	shalt  }
0x86: {  	_ =	shalt  }
0x87: {  	_ =	shalt  }
.Lfunc_end0:
.L_simem_size_0:
called_computation_lowered:
.L_overlay_start_0:
0x88: {  	s2 =	sld [smem:$0x3FD9]  }
0x89: {  	s3 =	sld [smem:$0x3FFE];
	_ =	sdelay $0x1  }
0x8a: {  	s1 =	srdreg.scid  }
0x8b: {  	s0 =	sand.u32 $0x1, s1  }
0x8c: {  	s17 =	sshll.u32 s0, $0xA;
	s2 =	sadd.s32 s3, s2  }
0x8d: {  	s2 =	sadd.s32 s2, s17  }
0x8e: {  	[smem:$0x3FC4] =	sst s2  }
0x8f: {  	_ = 	snop  }
0x90: {  	s2 =	sld [smem:$0x3FC7]  }
0x91: {  	s18 =	sld [smem:$0x3FD0];
	(tm) =	ssettm $0x1  }
0x92: {  	s4 =	sld [smem:$0x3FFB];
	_ =	sdelay $0x3  }
0x93: {  	_ =	strace s4  }
0x94: {  	s4 =	sld [smem:$0x3FFC];
	_ =	sdelay $0x3  }
0x95: {  	_ =	strace s4  }
0x96: {  	s4 =	sld [smem:$0x3FFD];
	_ =	sdelay $0x3  }
0x97: {  	_ =	strace s4  }
0x98: {  	_ =	strace $0x8FFFFFFF  }
0x99: {  	s19 =	sld [smem:$0x3FDB];
	_ =	sdelay $0x1  }
0x9a: {  	s5 =	simm.s32 $_scs_section_size  }
0x9b: {  	s6 =	simm.s32 $_size__tile_overlayer_lowered;
	s7 =	simm.s32 $_tile_overlayer_lowered  }
0x9c: {  	s22 =	simm.s32 $0x1BFF;
	s21 =	sshll.u32 s7, $0x1;
	s4 =	sadd.s32 s5, s19  }
0x9d: {  	s8 =	simm.s32 $0x0;
	s20 =	sshll.u32 s6, $0x1;
	s6 =	sadd.s32 s21, s4  }
0x9e: {  	[timem:s8], [sflag:s22] =	dma.local [hbm:s6], s20  }
0x9f: {  	_ =	swait.ge [sflag:s22], s20  }
0xa0: {  	s5 =	ssub.s32 $0x0, s20;
	[sflag:s22] =	ssyncset.done $0x0  }
0xa1: {  	[sflag:s22] =	ssyncadd.s32 s5;
	_ =	sdelay $0x1  }
0xa2: {  	s23 =	simm.s32 $0x1B8B  }
0xa3: {  	_ =	swait.ge [sflag:s23], $0x1  }
0xa4: {  	[sflag:s23] =	ssyncset.done $0x0  }
0xa5: {  	s25 =	simm.s32 $0x1B8E;
	s24 =	sld [smem:$0x3FFE];
	[sflag:s23] =	ssyncadd.s32 $0xFFFFFFFF  }
0xa6: {  	s26 =	simm.s32 $execute0_lowered;
	[smem:$0x3FD2] =	sst s25  }
0xa7: {  	s6 =	sshll.u32 s26, $0x1;
	_ =	strace $0x80000046;
	[dreg:$0x1] =	wrdreg $0xFFFFFFFF  }
0xa8: {  	s28 =	simm.s32 $_size_execute0_lowered;
	s4 =	sadd.s32 s4, s6;
	[dreg:$0x0] =	wrdreg $0x0  }
0xa9: {  	s6 =	sshll.u32 s28, $0x1;
	[dreg:$0x2] =	wrdreg s4  }
0xaa: {  	[dreg:$0x3] =	wrdreg s6  }
0xab: {  	[dreg:$0x4] =	wrdreg $0xC0  }
0xac: {  	_ =	task [dreg:s8], $0x5FFFF  }
0xad: {  	[dreg:$0x1] =	wrdreg $0xFFFFFFFF  }
0xae: {  	[dreg:$0x0] =	wrdreg $0x60  }
0xaf: {  	[dreg:$0x2] =	wrdreg s24  }
0xb0: {  	[dreg:$0x3] =	wrdreg s2  }
0xb1: {  	[dreg:$0x4] =	wrdreg s18  }
0xb2: {  	[dreg:$0x5] =	wrdreg $0x9  }
0xb3: {  	_ =	task.clear_ibuf [dreg:s8], $0x6FFFF;
	_ =	strace $0x90000046  }
0xb4: {  	s29 =	simm.s32 $0x9;
	_ =	strace $0x80000048  }
0xb5: {  	_ =	swait.ge [sflag:s29], $0x1  }
0xb6: {  	[sflag:s29] =	ssyncadd.s32 $0xFFFFFFFF  }
0xb7: {  	_ =	strace $0x90000048  }
0xb8: {  	_ =	sfence  }
0xb9: {  	s30 =	sld [smem:$0x0];
	_ =	sdelay $0x2  }
0xba: {  	s31 =	sshll.u32 s1, $0xD;
	s1 =	sshrl.u32 s1, $0x2  }
0xbb: {  	s3 =	sand.u32 $0x4000, s31;
	s1 =	sadd.s32 s1, s30  }
0xbc: {  	s0 =	sor.u32 s3, s0;
	s1 =	sshll.u32 s1, $0x11  }
0xbd: {  	s0 =	sor.u32 s1, s0  }
0xbe: {  	s0 =	sadd.s32 $0x8F2B, s0  }
0xbf: {  	[sflag:s0] =	ssyncadd.remote.s32 $0x1  }
0xc0: {  	_ =	sfence.sel $0xFFFF  }
0xc1: {  	[dreg:$0x0] =	wrdreg $0xFFFFFFFF;
	(pc) =	sbr.abs _section_cstart, $3  }
0xc2: {  	[dreg:$0x1] =	wrdreg $0xFFFFFFFF  }
0xc3: {  	_ =	task.clear_ibuf [dreg:s8], $0x2FFFF;
	_ =	strace $0x9FFFFFFF  }
0xc4: {  	(tm) =	ssettm $0x7FFFFFFF  }
0xc5: {  	_ =	shalt  }
tec
execute0_lowered:
.L_overlay_start_1:
0x0: {  	(tag) =	ssettag $0x1  }
0x1: {  	s6 =	rddreg [dreg:$0x0]  }
0x2: {  	s2 =	rddreg [dreg:$0x1]  }
0x3: {  	s3 =	rddreg [dreg:$0x2];
	s4 =	srdreg.scid  }
0x4: {  	s0 =	stileid.u32;
	s10 =	simm.s32 $0x290;
	s11 =	simm.s32 $0xD  }
0x5: {  	s12 =	simm.s32 $0x500;
	s13 =	simm.s32 $0xE;
	s14 =	simm.s32 $0xF  }
0x6: {  	s15 =	simm.s32 $0x10;
	s16 =	simm.s32 $0x0;
	s5 =	sand.u32 $0x1, s4  }
.Ltmp0:
0x7: {  	s4 =	simm.s32 $0x0;
	s7 =	sshll.u32 s0, $0x7;
	(pc) =	sbr.rel .LBB2_1-.Ltmp0, $4  }
0x8: {  	s8 =	sshll.u32 s5, $0x6;
	[smem:$0x7FF] =	sst s4;
	s9 =	ssub.s32 $0x2, s5  }
0x9: {  	s29 =	sor.u32 s8, s7;
	_ =	strace $0x80000047;
	s30 =	sshrl.u32 s9, $0x1  }
0xa: {  	v0 =	vlaneseq.u32;
	s5 =	sadd.s32 s6, s29;
	s6 =	sadd.s32 $0x1000, s6;
	s31 =	ssub.s32 s9, s30  }
0xb: {  	v0 =	vmul.u32 $0x80, v0;
	s9 =	simm.s32 $0x11;
	s7 =	sadd.s32 $0x800, s5;
	s8 =	smax.u32 s31, $0x1  }
.LBB2_44:
0xc: {  	_ =	swait.ge [sflag:s11], $0x80  }
0xd: {  	[sflag:s11] =	ssyncset.done $0x0  }
0xe: {  	[sflag:s11] =	ssyncadd.s32 $0xFFFFFF80  }
0xf: {  	_ =	swait.ge [sflag:s13], $0x80  }
0x10: {  	[sflag:s13] =	ssyncset.done $0x0  }
0x11: {  	s16 =	sadd.s32 $0x1, s16;
	[sflag:s13] =	ssyncadd.s32 $0xFFFFFF80  }
0x12: {  	p0 =	sne.s32 s16, s8;
	_ =	swait.ge [sflag:s14], $0x80  }
.Ltmp1:
0x13: {  	[sflag:s14] =	ssyncset.done $0x0;
	(pc) =	sbr.rel @!p0 .LBB2_45-.Ltmp1, $4  }
0x14: {  	[sflag:s14] =	ssyncadd.s32 $0xFFFFFF80  }
0x15: {  	_ =	swait.ge [sflag:s15], $0x80  }
0x16: {  	[sflag:s15] =	ssyncset.done $0x0  }
0x17: {  	[sflag:s15] =	ssyncadd.s32 $0xFFFFFF80  }
.LBB2_1:
0x18: {  	[tilespmem:s15], [sflag:$0x11] =	stream.linear.gather [hbm4b:s5+s4], $0x200, $0x38;
	[tilespmem:$0x18F00] =	vst v63  }
0x19: {  	_ =	swait.ge [sflag:s9], $0x200  }
0x1a: {  	[sflag:s9] =	ssyncset.done $0x0  }
.Ltmp2:
0x1b: {  	s17 =	simm.s32 $0xB;
	[sflag:s9] =	ssyncadd.s32 $0xFFFFFE00;
	(pc) =	sbr.rel .LBB2_2-.Ltmp2, $4  }
0x1c: {  	[tilespmem:s10], [sflag:$0x11] =	stream.linear.gather [hbm4b:s7+s4], $0x200, $0x38;
	[tilespmem:$0x18F00] =	vst v63  }
0x1d: {  	s18 =	simm.s32 $0xFFFFFFFF;
	s19 =	simm.s32 $0x285;
	_ =	swait.ge [sflag:s9], $0x200  }
0x1e: {  	s20 =	simm.s32 $0x10;
	s21 =	simm.s32 $0xFFFFFFFF;
	[sflag:s9] =	ssyncset.done $0x0  }
0x1f: {  	s22 =	simm.s32 $0xB;
	s23 =	simm.s32 $0x0;
	[sflag:s9] =	ssyncadd.s32 $0xFFFFFE00  }
.LBB2_42:
0x20: {  	s30 =	sshll.u32 s17, $0x6  }
0x21: {  	v1 =	vmov s30  }
0x22: {  	v1 =	vshll.u32 v1, $0x7  }
0x23: {  	s28 =	sand.u32 $0x7F, s28;
	v1 =	vor.u32 v0, v1  }
0x24: {  	v1 =	vor.u32 s28, v1;
	_ =	sdelay $0x1  }
0x25: {  	s31 =	sshll.u32 s17, $0x9  }
0x26: {  	s31 =	sshra.s32 s31, $0x2  }
0x27: {  	v2 =	vld [tilespmem:s31+$0x18500]  }
0x28: {  	v1 =	vld.idx.msk [tilespmem:v1+s12+$0x0], $0xffff  }
0x29: {  	s0 =	sor.u32 $0x10, s30  }
0x2a: {  	v3 =	vmov s0  }
0x2b: {  	v3 =	vshll.u32 v3, $0x7  }
0x2c: {  	v3 =	vor.u32 v0, v3  }
0x2d: {  	v3 =	vor.u32 s28, v3;
	v1 =	vsub.f32 v1, v2;
	_ =	sdelay $0x1  }
0x2e: {  	s1 =	sshll.u32 s29, $0x7;
	v1 =	vadd.f32 v1, v2  }
0x2f: {  	s0 =	sand.u32 $0x3FFFFF80, s1  }
0x30: {  	[tilespmem:s0+$0x18D00] =	vst v1  }
0x31: {  	v1 =	vld.idx.msk [tilespmem:v3+s12+$0x0], $0xffff  }
0x32: {  	v2 =	vld [tilespmem:s31+$0x18510]  }
0x33: {  	s1 =	sor.u32 $0x20, s30  }
0x34: {  	v3 =	vmov s1  }
0x35: {  	v3 =	vshll.u32 v3, $0x7  }
0x36: {  	v3 =	vor.u32 v0, v3  }
0x37: {  	v3 =	vor.u32 s28, v3;
	v1 =	vsub.f32 v1, v2;
	_ =	sdelay $0x1  }
0x38: {  	v1 =	vadd.f32 v1, v2;
	_ =	sdelay $0x1  }
0x39: {  	[tilespmem:s0+$0x18D10] =	vst v1  }
0x3a: {  	v1 =	vld.idx.msk [tilespmem:v3+s12+$0x0], $0xffff  }
0x3b: {  	v2 =	vld [tilespmem:s31+$0x18520]  }
0x3c: {  	s30 =	sor.u32 $0x30, s30  }
0x3d: {  	v3 =	vmov s30  }
0x3e: {  	v3 =	vshll.u32 v3, $0x7  }
0x3f: {  	v3 =	vor.u32 v0, v3  }
0x40: {  	v3 =	vor.u32 s28, v3;
	v1 =	vsub.f32 v1, v2;
	_ =	sdelay $0x1  }
0x41: {  	v1 =	vadd.f32 v1, v2;
	_ =	sdelay $0x1  }
0x42: {  	[tilespmem:s0+$0x18D20] =	vst v1  }
0x43: {  	v1 =	vld.idx.msk [tilespmem:v3+s12+$0x0], $0xffff  }
0x44: {  	v2 =	vld [tilespmem:s31+$0x18530];
	_ =	sdelay $0x4  }
0x45: {  	v1 =	vsub.f32 v1, v2;
	_ =	sdelay $0x1  }
0x46: {  	v1 =	vadd.f32 v1, v2;
	_ =	sdelay $0x1  }
0x47: {  	[tilespmem:s0+$0x18D30] =	vst v1  }
0x48: {  	v1 =	vld [tilespmem:s19+$0x0];
	_ =	sdelay $0x4  }
0x49: {  	(v2sf) =	vpush v1, $0x0;
	_ =	sdelay $0xe  }
0x4a: {  	p3 =	sgt.s32 s29, $0x1;
	s31 =	spop (v2sf)  }
0x4b: {  	p4 =	seq.s32 @p3 s29, $0x2;
	s0 =	sshll.u32 s31, $0x4  }
0x4c: {  	p5 =	por !p4, !p3;
	p4 =	por p4, !p3;
	s0 =	sand.u32 $0x1FFFFFF0, s0  }
0x4d: {  	s1 =	simm.s32 @!p5 $0x0;
	s28 =	simm.s32 @!p5 $0x18E00;
	s0 =	sadd.s32 s6, s0  }
0x4e: {  	[hbm4b:s0+s1] =	stream.linear.scatter @!p5 [tilespmem:s28], [sflag:$0xF], $0x80, $0x38;
	[tilespmem:$0x18F00] =	vst v63  }
0x4f: {  	s1 =	simm.s32 @!p4 $0x0;
	s28 =	simm.s32 @!p4 $0x18E80  }
0x50: {  	[hbm4b:s0+s1] =	stream.linear.scatter @!p4 [tilespmem:s28], [sflag:$0x10], $0x80, $0x38;
	[tilespmem:$0x18F00] =	vst v63  }
0x51: {  	p4 =	seq.s32 @!p3 s29, $0x0  }
0x52: {  	p5 =	por !p4, p3  }
0x53: {  	p3 =	por p4, p3;
	s1 =	simm.s32 @!p5 $0x0;
	s28 =	simm.s32 @!p5 $0x18D00  }
0x54: {  	[hbm4b:s0+s1] =	stream.linear.scatter @!p5 [tilespmem:s28], [sflag:$0xD], $0x80, $0x38;
	[tilespmem:$0x18F00] =	vst v63  }
0x55: {  	s1 =	simm.s32 @!p3 $0x0;
	s28 =	simm.s32 @!p3 $0x18D80  }
0x56: {  	[hbm4b:s0+s1] =	stream.linear.scatter @!p3 [tilespmem:s28], [sflag:$0xE], $0x80, $0x38;
	[tilespmem:$0x18F00] =	vst v63  }
.LBB2_43:
0x57: {  	s23 =	sadd.s32 $0x1, s23  }
0x58: {  	s21 =	smov.u32 @p0 s24;
	p0 =	sne.s32 s23, $0x20B  }
.Ltmp3:
0x59: {  	_ = 	snop;
	(pc) =	sbr.rel @!p0 .LBB2_44-.Ltmp3, $3  }
0x5a: {  	_ =	sdelay $0x1  }
0x5b: {  	s22 =	smov.u32 @p1 s25  }
0x5c: {  	s18 =	smov.u32 @p2 s26;
	s20 =	sadd.s32 $0x1, s20;
	s19 =	sadd.s32 $0x1, s19  }
.LBB2_2:
0x5d: {  	v1 =	vld [tilespmem:s20+$0x0];
	_ =	sdelay $0x4  }
0x5e: {  	(v2sf) =	vpush v1, $0x0;
	_ =	sdelay $0xe  }
0x5f: {  	s26 =	spop (v2sf)  }
0x60: {  	s24 =	sshra.s32 s26, $0x7  }
0x61: {  	p1 =	seq.s32 s23, $0x0;
	p2 =	sne.s32 s24, s21  }
0x62: {  	p0 =	slt.u32 s23, $0x200;
	p1 =	por p1, p2  }
0x63: {  	p1 =	por !p0, !p1  }
0x64: {  	p1 =	por !p1, !p1  }
.Ltmp4:
0x65: {  	_ = 	snop;
	(pc) =	sbr.rel @!p1 .LBB2_10-.Ltmp4, $3  }
0x66: {  	_ =	sdelay $0x1  }
0x67: {  	s25 =	sadd.s32 $0x1, s22;
	p2 =	seq.s32 s22, $0xB  }
0x68: {  	s25 =	simm.s32 @p2 $0x0  }
0x69: {  	p2 =	sgt.s32 s25, $0x5  }
.Ltmp5:
0x6a: {  	_ = 	snop;
	(pc) =	sbr.rel @p2 .LBB2_7-.Ltmp5, $1  }
0x6b: {  	_ =	sdelay $0x3  }
0x6c: {  	p2 =	sgt.s32 s25, $0x2  }
.Ltmp6:
0x6d: {  	_ = 	snop;
	(pc) =	sbr.rel @p2 .LBB2_6-.Ltmp6, $1  }
0x6e: {  	_ =	sdelay $0x3  }
0x6f: {  	p2 =	seq.s32 s25, $0x0  }
0x70: {  	s28 =	sshll.u32 @p2 s26, $0x6;
	s29 =	sshll.u32 @p2 s26, $0x3  }
0x71: {  	s28 =	sand.u32 @p2 $0xFFFF0000, s28;
	s29 =	sand.u32 @p2 $0x1C00, s29  }
0x72: {  	s28 =	sor.u32 @p2 s29, s28  }
0x73: {  	s30 =	simm.s32 @p2 $0x2000;
	s28 =	sshrl.u32 @p2 s28, $0x3  }
0x74: {  	s31 =	simm.s32 @p2 $0x500;
	s29 =	simm.s32 @p2 $0x400;
	s28 =	sadd.s32 @p2 s2, s28  }
0x75: {  	[tilespmem:s31], [sflag:$0x1] =	stream.strided.gather @p2 [hbm4b:s28+s29], $0x2000, s30, s29, $0x38;
	[tilespmem:$0x18F00] =	vst v63  }
0x76: {  	v1 =	vld @p2 [tilespmem:s20+$0x0];
	_ =	sdelay $0x4  }
0x77: {  	(v2sf) =	vpush @p2 v1, $0x0;
	_ =	sdelay $0xe  }
0x78: {  	s28 =	spop @p2 (v2sf)  }
0x79: {  	p3 =	seq.s32 @!p2 s25, $0x1;
	s28 =	sshra.s32 @p2 s28, $0x6  }
0x7a: {  	p4 =	por !p3, p2;
	s28 =	sand.u32 @p2 $0x1FFFFFF0, s28  }
0x7b: {  	s29 =	simm.s32 @p2 $0x0;
	s30 =	simm.s32 @p2 $0x18500;
	s28 =	sadd.s32 @p2 s3, s28  }
0x7c: {  	[tilespmem:s30], [sflag:$0x1] =	stream.linear.gather @p2 [hbm4b:s28+s29], $0x80, $0x38;
	[tilespmem:$0x18F00] =	vst v63  }
0x7d: {  	s28 =	sshll.u32 @!p4 s26, $0x6;
	s29 =	sshll.u32 @!p4 s26, $0x3  }
0x7e: {  	s28 =	sand.u32 @!p4 $0xFFFF0000, s28;
	s29 =	sand.u32 @!p4 $0x1C00, s29  }
0x7f: {  	s28 =	sor.u32 @!p4 s29, s28  }
0x80: {  	s31 =	simm.s32 @!p4 $0x2500;
	s28 =	sshrl.u32 @!p4 s28, $0x3  }
0x81: {  	s30 =	simm.s32 @!p4 $0x2000;
	s29 =	simm.s32 @!p4 $0x400;
	s28 =	sadd.s32 @!p4 s2, s28  }
0x82: {  	[tilespmem:s31], [sflag:$0x2] =	stream.strided.gather @!p4 [hbm4b:s28+s29], $0x2000, s30, s29, $0x38;
	[tilespmem:$0x18F00] =	vst v63  }
0x83: {  	v1 =	vld @!p4 [tilespmem:s20+$0x0];
	_ =	sdelay $0x4  }
0x84: {  	(v2sf) =	vpush @!p4 v1, $0x0;
	_ =	sdelay $0xe  }
0x85: {  	s28 =	spop @!p4 (v2sf)  }
0x86: {  	s28 =	sshra.s32 @!p4 s28, $0x6  }
0x87: {  	s28 =	sand.u32 @!p4 $0x1FFFFFF0, s28  }
0x88: {  	s29 =	simm.s32 @!p4 $0x0;
	s30 =	simm.s32 @!p4 $0x18580;
	s28 =	sadd.s32 @!p4 s3, s28  }
0x89: {  	[tilespmem:s30], [sflag:$0x2] =	stream.linear.gather @!p4 [hbm4b:s28+s29], $0x80, $0x38;
	[tilespmem:$0x18F00] =	vst v63  }
0x8a: {  	p4 =	por p3, p2  }
0x8b: {  	p4 =	seq.s32 @!p4 s25, $0x2  }
0x8c: {  	p3 =	por @!p2 !p4, p3  }
0x8d: {  	p2 =	por p3, p2  }
0x8e: {  	s28 =	sshll.u32 @!p2 s26, $0x6;
	s26 =	sshll.u32 @!p2 s26, $0x3  }
0x8f: {  	s28 =	sand.u32 @!p2 $0xFFFF0000, s28;
	s26 =	sand.u32 @!p2 $0x1C00, s26  }
0x90: {  	s26 =	sor.u32 @!p2 s26, s28  }
0x91: {  	s29 =	simm.s32 @!p2 $0x2000;
	s26 =	sshrl.u32 @!p2 s26, $0x3  }
0x92: {  	s30 =	simm.s32 @!p2 $0x4500;
	s28 =	simm.s32 @!p2 $0x400;
	s26 =	sadd.s32 @!p2 s2, s26  }
0x93: {  	[tilespmem:s30], [sflag:$0x3] =	stream.strided.gather @!p2 [hbm4b:s26+s28], $0x2000, s29, s28, $0x38;
	[tilespmem:$0x18F00] =	vst v63  }
0x94: {  	v1 =	vld @!p2 [tilespmem:s20+$0x0];
	_ =	sdelay $0x4  }
0x95: {  	(v2sf) =	vpush @!p2 v1, $0x0;
	_ =	sdelay $0xe  }
.Ltmp7:
0x96: {  	s26 =	spop @!p2 (v2sf);
	(pc) =	sbr.rel .LBB2_10-.Ltmp7, $4  }
0x97: {  	s26 =	sshra.s32 @!p2 s26, $0x6  }
0x98: {  	s26 =	sand.u32 @!p2 $0x1FFFFFF0, s26  }
0x99: {  	s28 =	simm.s32 @!p2 $0x0;
	s29 =	simm.s32 @!p2 $0x18600;
	s26 =	sadd.s32 @!p2 s3, s26  }
0x9a: {  	[tilespmem:s29], [sflag:$0x3] =	stream.linear.gather @!p2 [hbm4b:s26+s28], $0x80, $0x38;
	[tilespmem:$0x18F00] =	vst v63  }
.LBB2_7:
0x9b: {  	p2 =	sgt.s32 s25, $0x8  }
.Ltmp8:
0x9c: {  	_ = 	snop;
	(pc) =	sbr.rel @p2 .LBB2_9-.Ltmp8, $1  }
0x9d: {  	_ =	sdelay $0x3  }
0x9e: {  	p2 =	seq.s32 s25, $0x6  }
0x9f: {  	s28 =	sshll.u32 @p2 s26, $0x6;
	s29 =	sshll.u32 @p2 s26, $0x3  }
0xa0: {  	s28 =	sand.u32 @p2 $0xFFFF0000, s28;
	s29 =	sand.u32 @p2 $0x1C00, s29  }
0xa1: {  	s28 =	sor.u32 @p2 s29, s28  }
0xa2: {  	s30 =	simm.s32 @p2 $0x2000;
	s28 =	sshrl.u32 @p2 s28, $0x3  }
0xa3: {  	s31 =	simm.s32 @p2 $0xC500;
	s29 =	simm.s32 @p2 $0x400;
	s28 =	sadd.s32 @p2 s2, s28  }
0xa4: {  	[tilespmem:s31], [sflag:$0x7] =	stream.strided.gather @p2 [hbm4b:s28+s29], $0x2000, s30, s29, $0x38;
	[tilespmem:$0x18F00] =	vst v63  }
0xa5: {  	v1 =	vld @p2 [tilespmem:s20+$0x0];
	_ =	sdelay $0x4  }
0xa6: {  	(v2sf) =	vpush @p2 v1, $0x0;
	_ =	sdelay $0xe  }
0xa7: {  	s28 =	spop @p2 (v2sf)  }
0xa8: {  	p3 =	seq.s32 @!p2 s25, $0x7;
	s28 =	sshra.s32 @p2 s28, $0x6  }
0xa9: {  	p4 =	por !p3, p2;
	s28 =	sand.u32 @p2 $0x1FFFFFF0, s28  }
0xaa: {  	s29 =	simm.s32 @p2 $0x0;
	s30 =	simm.s32 @p2 $0x18800;
	s28 =	sadd.s32 @p2 s3, s28  }
0xab: {  	[tilespmem:s30], [sflag:$0x7] =	stream.linear.gather @p2 [hbm4b:s28+s29], $0x80, $0x38;
	[tilespmem:$0x18F00] =	vst v63  }
0xac: {  	s28 =	sshll.u32 @!p4 s26, $0x6;
	s29 =	sshll.u32 @!p4 s26, $0x3  }
0xad: {  	s28 =	sand.u32 @!p4 $0xFFFF0000, s28;
	s29 =	sand.u32 @!p4 $0x1C00, s29  }
0xae: {  	s28 =	sor.u32 @!p4 s29, s28  }
0xaf: {  	s31 =	simm.s32 @!p4 $0xE500;
	s28 =	sshrl.u32 @!p4 s28, $0x3  }
0xb0: {  	s30 =	simm.s32 @!p4 $0x2000;
	s29 =	simm.s32 @!p4 $0x400;
	s28 =	sadd.s32 @!p4 s2, s28  }
0xb1: {  	[tilespmem:s31], [sflag:$0x8] =	stream.strided.gather @!p4 [hbm4b:s28+s29], $0x2000, s30, s29, $0x38;
	[tilespmem:$0x18F00] =	vst v63  }
0xb2: {  	v1 =	vld @!p4 [tilespmem:s20+$0x0];
	_ =	sdelay $0x4  }
0xb3: {  	(v2sf) =	vpush @!p4 v1, $0x0;
	_ =	sdelay $0xe  }
0xb4: {  	s28 =	spop @!p4 (v2sf)  }
0xb5: {  	s28 =	sshra.s32 @!p4 s28, $0x6  }
0xb6: {  	s28 =	sand.u32 @!p4 $0x1FFFFFF0, s28  }
0xb7: {  	s29 =	simm.s32 @!p4 $0x0;
	s30 =	simm.s32 @!p4 $0x18880;
	s28 =	sadd.s32 @!p4 s3, s28  }
0xb8: {  	[tilespmem:s30], [sflag:$0x8] =	stream.linear.gather @!p4 [hbm4b:s28+s29], $0x80, $0x38;
	[tilespmem:$0x18F00] =	vst v63  }
0xb9: {  	p4 =	por p3, p2  }
0xba: {  	p4 =	seq.s32 @!p4 s25, $0x8  }
0xbb: {  	p3 =	por @!p2 !p4, p3  }
0xbc: {  	p2 =	por p3, p2  }
0xbd: {  	s28 =	sshll.u32 @!p2 s26, $0x6;
	s26 =	sshll.u32 @!p2 s26, $0x3  }
0xbe: {  	s28 =	sand.u32 @!p2 $0xFFFF0000, s28;
	s26 =	sand.u32 @!p2 $0x1C00, s26  }
0xbf: {  	s26 =	sor.u32 @!p2 s26, s28  }
0xc0: {  	s29 =	simm.s32 @!p2 $0x2000;
	s26 =	sshrl.u32 @!p2 s26, $0x3  }
0xc1: {  	s30 =	simm.s32 @!p2 $0x10500;
	s28 =	simm.s32 @!p2 $0x400;
	s26 =	sadd.s32 @!p2 s2, s26  }
0xc2: {  	[tilespmem:s30], [sflag:$0x9] =	stream.strided.gather @!p2 [hbm4b:s26+s28], $0x2000, s29, s28, $0x38;
	[tilespmem:$0x18F00] =	vst v63  }
0xc3: {  	v1 =	vld @!p2 [tilespmem:s20+$0x0];
	_ =	sdelay $0x4  }
0xc4: {  	(v2sf) =	vpush @!p2 v1, $0x0;
	_ =	sdelay $0xe  }
.Ltmp9:
0xc5: {  	s26 =	spop @!p2 (v2sf);
	(pc) =	sbr.rel .LBB2_10-.Ltmp9, $4  }
0xc6: {  	s26 =	sshra.s32 @!p2 s26, $0x6  }
0xc7: {  	s26 =	sand.u32 @!p2 $0x1FFFFFF0, s26  }
0xc8: {  	s28 =	simm.s32 @!p2 $0x0;
	s29 =	simm.s32 @!p2 $0x18900;
	s26 =	sadd.s32 @!p2 s3, s26  }
0xc9: {  	[tilespmem:s29], [sflag:$0x9] =	stream.linear.gather @!p2 [hbm4b:s26+s28], $0x80, $0x38;
	[tilespmem:$0x18F00] =	vst v63  }
.LBB2_6:
0xca: {  	p2 =	seq.s32 s25, $0x3  }
0xcb: {  	s28 =	sshll.u32 @p2 s26, $0x6;
	s29 =	sshll.u32 @p2 s26, $0x3  }
0xcc: {  	s28 =	sand.u32 @p2 $0xFFFF0000, s28;
	s29 =	sand.u32 @p2 $0x1C00, s29  }
0xcd: {  	s28 =	sor.u32 @p2 s29, s28  }
0xce: {  	s30 =	simm.s32 @p2 $0x2000;
	s28 =	sshrl.u32 @p2 s28, $0x3  }
0xcf: {  	s31 =	simm.s32 @p2 $0x6500;
	s29 =	simm.s32 @p2 $0x400;
	s28 =	sadd.s32 @p2 s2, s28  }
0xd0: {  	[tilespmem:s31], [sflag:$0x4] =	stream.strided.gather @p2 [hbm4b:s28+s29], $0x2000, s30, s29, $0x38;
	[tilespmem:$0x18F00] =	vst v63  }
0xd1: {  	v1 =	vld @p2 [tilespmem:s20+$0x0];
	_ =	sdelay $0x4  }
0xd2: {  	(v2sf) =	vpush @p2 v1, $0x0;
	_ =	sdelay $0xe  }
0xd3: {  	s28 =	spop @p2 (v2sf)  }
0xd4: {  	p3 =	seq.s32 @!p2 s25, $0x4;
	s28 =	sshra.s32 @p2 s28, $0x6  }
0xd5: {  	p4 =	por !p3, p2;
	s28 =	sand.u32 @p2 $0x1FFFFFF0, s28  }
0xd6: {  	s29 =	simm.s32 @p2 $0x0;
	s30 =	simm.s32 @p2 $0x18680;
	s28 =	sadd.s32 @p2 s3, s28  }
0xd7: {  	[tilespmem:s30], [sflag:$0x4] =	stream.linear.gather @p2 [hbm4b:s28+s29], $0x80, $0x38;
	[tilespmem:$0x18F00] =	vst v63  }
0xd8: {  	s28 =	sshll.u32 @!p4 s26, $0x6;
	s29 =	sshll.u32 @!p4 s26, $0x3  }
0xd9: {  	s28 =	sand.u32 @!p4 $0xFFFF0000, s28;
	s29 =	sand.u32 @!p4 $0x1C00, s29  }
0xda: {  	s28 =	sor.u32 @!p4 s29, s28  }
0xdb: {  	s31 =	simm.s32 @!p4 $0x8500;
	s28 =	sshrl.u32 @!p4 s28, $0x3  }
0xdc: {  	s30 =	simm.s32 @!p4 $0x2000;
	s29 =	simm.s32 @!p4 $0x400;
	s28 =	sadd.s32 @!p4 s2, s28  }
0xdd: {  	[tilespmem:s31], [sflag:$0x5] =	stream.strided.gather @!p4 [hbm4b:s28+s29], $0x2000, s30, s29, $0x38;
	[tilespmem:$0x18F00] =	vst v63  }
0xde: {  	v1 =	vld @!p4 [tilespmem:s20+$0x0];
	_ =	sdelay $0x4  }
0xdf: {  	(v2sf) =	vpush @!p4 v1, $0x0;
	_ =	sdelay $0xe  }
0xe0: {  	s28 =	spop @!p4 (v2sf)  }
0xe1: {  	s28 =	sshra.s32 @!p4 s28, $0x6  }
0xe2: {  	s28 =	sand.u32 @!p4 $0x1FFFFFF0, s28  }
0xe3: {  	s29 =	simm.s32 @!p4 $0x0;
	s30 =	simm.s32 @!p4 $0x18700;
	s28 =	sadd.s32 @!p4 s3, s28  }
0xe4: {  	[tilespmem:s30], [sflag:$0x5] =	stream.linear.gather @!p4 [hbm4b:s28+s29], $0x80, $0x38;
	[tilespmem:$0x18F00] =	vst v63  }
0xe5: {  	p4 =	por p3, p2  }
0xe6: {  	p4 =	seq.s32 @!p4 s25, $0x5  }
0xe7: {  	p3 =	por @!p2 !p4, p3  }
0xe8: {  	p2 =	por p3, p2  }
0xe9: {  	s28 =	sshll.u32 @!p2 s26, $0x6;
	s26 =	sshll.u32 @!p2 s26, $0x3  }
0xea: {  	s28 =	sand.u32 @!p2 $0xFFFF0000, s28;
	s26 =	sand.u32 @!p2 $0x1C00, s26  }
0xeb: {  	s26 =	sor.u32 @!p2 s26, s28  }
0xec: {  	s29 =	simm.s32 @!p2 $0x2000;
	s26 =	sshrl.u32 @!p2 s26, $0x3  }
0xed: {  	s30 =	simm.s32 @!p2 $0xA500;
	s28 =	simm.s32 @!p2 $0x400;
	s26 =	sadd.s32 @!p2 s2, s26  }
0xee: {  	[tilespmem:s30], [sflag:$0x6] =	stream.strided.gather @!p2 [hbm4b:s26+s28], $0x2000, s29, s28, $0x38;
	[tilespmem:$0x18F00] =	vst v63  }
0xef: {  	v1 =	vld @!p2 [tilespmem:s20+$0x0];
	_ =	sdelay $0x4  }
0xf0: {  	(v2sf) =	vpush @!p2 v1, $0x0;
	_ =	sdelay $0xe  }
.Ltmp10:
0xf1: {  	s26 =	spop @!p2 (v2sf);
	(pc) =	sbr.rel .LBB2_10-.Ltmp10, $4  }
0xf2: {  	s26 =	sshra.s32 @!p2 s26, $0x6  }
0xf3: {  	s26 =	sand.u32 @!p2 $0x1FFFFFF0, s26  }
0xf4: {  	s28 =	simm.s32 @!p2 $0x0;
	s29 =	simm.s32 @!p2 $0x18780;
	s26 =	sadd.s32 @!p2 s3, s26  }
0xf5: {  	[tilespmem:s29], [sflag:$0x6] =	stream.linear.gather @!p2 [hbm4b:s26+s28], $0x80, $0x38;
	[tilespmem:$0x18F00] =	vst v63  }
.LBB2_9:
0xf6: {  	p2 =	seq.s32 s25, $0x9  }
0xf7: {  	s28 =	sshll.u32 @p2 s26, $0x6;
	s29 =	sshll.u32 @p2 s26, $0x3  }
0xf8: {  	s28 =	sand.u32 @p2 $0xFFFF0000, s28;
	s29 =	sand.u32 @p2 $0x1C00, s29  }
0xf9: {  	s28 =	sor.u32 @p2 s29, s28  }
0xfa: {  	s30 =	simm.s32 @p2 $0x2000;
	s28 =	sshrl.u32 @p2 s28, $0x3  }
0xfb: {  	s31 =	simm.s32 @p2 $0x12500;
	s29 =	simm.s32 @p2 $0x400;
	s28 =	sadd.s32 @p2 s2, s28  }
0xfc: {  	[tilespmem:s31], [sflag:$0xA] =	stream.strided.gather @p2 [hbm4b:s28+s29], $0x2000, s30, s29, $0x38;
	[tilespmem:$0x18F00] =	vst v63  }
0xfd: {  	v1 =	vld @p2 [tilespmem:s20+$0x0];
	_ =	sdelay $0x4  }
0xfe: {  	(v2sf) =	vpush @p2 v1, $0x0;
	_ =	sdelay $0xe  }
0xff: {  	s28 =	spop @p2 (v2sf)  }
0x100: {  	p3 =	seq.s32 @!p2 s25, $0xA;
	s28 =	sshra.s32 @p2 s28, $0x6  }
0x101: {  	p4 =	por !p3, p2;
	s28 =	sand.u32 @p2 $0x1FFFFFF0, s28  }
0x102: {  	s29 =	simm.s32 @p2 $0x0;
	s30 =	simm.s32 @p2 $0x18980;
	s28 =	sadd.s32 @p2 s3, s28  }
0x103: {  	[tilespmem:s30], [sflag:$0xA] =	stream.linear.gather @p2 [hbm4b:s28+s29], $0x80, $0x38;
	[tilespmem:$0x18F00] =	vst v63  }
0x104: {  	s28 =	sshll.u32 @!p4 s26, $0x6;
	s29 =	sshll.u32 @!p4 s26, $0x3  }
0x105: {  	s28 =	sand.u32 @!p4 $0xFFFF0000, s28;
	s29 =	sand.u32 @!p4 $0x1C00, s29  }
0x106: {  	s28 =	sor.u32 @!p4 s29, s28  }
0x107: {  	s31 =	simm.s32 @!p4 $0x14500;
	s28 =	sshrl.u32 @!p4 s28, $0x3  }
0x108: {  	s30 =	simm.s32 @!p4 $0x2000;
	s29 =	simm.s32 @!p4 $0x400;
	s28 =	sadd.s32 @!p4 s2, s28  }
0x109: {  	[tilespmem:s31], [sflag:$0xB] =	stream.strided.gather @!p4 [hbm4b:s28+s29], $0x2000, s30, s29, $0x38;
	[tilespmem:$0x18F00] =	vst v63  }
0x10a: {  	v1 =	vld @!p4 [tilespmem:s20+$0x0];
	_ =	sdelay $0x4  }
0x10b: {  	(v2sf) =	vpush @!p4 v1, $0x0;
	_ =	sdelay $0xe  }
0x10c: {  	s28 =	spop @!p4 (v2sf)  }
0x10d: {  	s28 =	sshra.s32 @!p4 s28, $0x6  }
0x10e: {  	s28 =	sand.u32 @!p4 $0x1FFFFFF0, s28  }
0x10f: {  	s29 =	simm.s32 @!p4 $0x0;
	s30 =	simm.s32 @!p4 $0x18A00;
	s28 =	sadd.s32 @!p4 s3, s28  }
0x110: {  	[tilespmem:s30], [sflag:$0xB] =	stream.linear.gather @!p4 [hbm4b:s28+s29], $0x80, $0x38;
	[tilespmem:$0x18F00] =	vst v63  }
0x111: {  	p4 =	por p3, p2  }
0x112: {  	p4 =	seq.s32 @!p4 s25, $0xB  }
0x113: {  	p3 =	por @!p2 !p4, p3  }
0x114: {  	p2 =	por p3, p2  }
0x115: {  	s28 =	sshll.u32 @!p2 s26, $0x6;
	s26 =	sshll.u32 @!p2 s26, $0x3  }
0x116: {  	s28 =	sand.u32 @!p2 $0xFFFF0000, s28;
	s26 =	sand.u32 @!p2 $0x1C00, s26  }
0x117: {  	s26 =	sor.u32 @!p2 s26, s28  }
0x118: {  	s29 =	simm.s32 @!p2 $0x2000;
	s26 =	sshrl.u32 @!p2 s26, $0x3  }
0x119: {  	s30 =	simm.s32 @!p2 $0x16500;
	s28 =	simm.s32 @!p2 $0x400;
	s26 =	sadd.s32 @!p2 s2, s26  }
0x11a: {  	[tilespmem:s30], [sflag:$0xC] =	stream.strided.gather @!p2 [hbm4b:s26+s28], $0x2000, s29, s28, $0x38;
	[tilespmem:$0x18F00] =	vst v63  }
0x11b: {  	v1 =	vld @!p2 [tilespmem:s20+$0x0];
	_ =	sdelay $0x4  }
0x11c: {  	(v2sf) =	vpush @!p2 v1, $0x0;
	_ =	sdelay $0xe  }
0x11d: {  	s26 =	spop @!p2 (v2sf)  }
0x11e: {  	s26 =	sshra.s32 @!p2 s26, $0x6  }
0x11f: {  	s26 =	sand.u32 @!p2 $0x1FFFFFF0, s26  }
0x120: {  	s28 =	simm.s32 @!p2 $0x0;
	s29 =	simm.s32 @!p2 $0x18A80;
	s26 =	sadd.s32 @!p2 s3, s26  }
0x121: {  	[tilespmem:s29], [sflag:$0xC] =	stream.linear.gather @!p2 [hbm4b:s26+s28], $0x80, $0x38;
	[tilespmem:$0x18F00] =	vst v63  }
.LBB2_10:
0x122: {  	v1 =	vld [tilespmem:s20+$0xFFFFFFF5];
	_ =	sdelay $0x4  }
0x123: {  	(v2sf) =	vpush v1, $0x0;
	_ =	sdelay $0xd  }
0x124: {  	p4 =	seq.s32 s17, $0xB;
	s29 =	sadd.s32 $0x1, s17  }
0x125: {  	s29 =	simm.s32 @p4 $0x0;
	p4 =	slt.u32 s23, $0xB;
	s28 =	spop (v2sf)  }
.Ltmp11:
0x126: {  	s26 =	sshra.s32 s28, $0x7;
	(pc) =	sbr.rel @p4 .LBB2_43-.Ltmp11, $4  }
0x127: {  	p2 =	seq.s32 s23, $0xB;
	p3 =	sne.s32 s26, s18  }
0x128: {  	s30 =	smov.u32 s17;
	p3 =	por p2, p3  }
0x129: {  	p2 =	sgt.u32 s23, $0xA;
	s30 =	smov.u32 @p3 s29  }
0x12a: {  	s17 =	smov.u32 @p2 s30  }
.Ltmp12:
0x12b: {  	(pc) =	sbr.rel @!p3 .LBB2_40-.Ltmp12, $1  }
0x12c: {  	_ =	sdelay $0x3  }
0x12d: {  	p3 =	sgt.s32 s29, $0x5  }
.Ltmp13:
0x12e: {  	_ = 	snop;
	(pc) =	sbr.rel @p3 .LBB2_23-.Ltmp13, $1  }
0x12f: {  	_ =	sdelay $0x3  }
0x130: {  	p3 =	sgt.s32 s29, $0x2  }
.Ltmp14:
0x131: {  	_ = 	snop;
	(pc) =	sbr.rel @p3 .LBB2_19-.Ltmp14, $1  }
0x132: {  	_ =	sdelay $0x3  }
0x133: {  	p3 =	seq.s32 s29, $0x0  }
.Ltmp15:
0x134: {  	_ = 	snop;
	(pc) =	sbr.rel @p3 .LBB2_15-.Ltmp15, $1  }
0x135: {  	_ =	sdelay $0x3  }
0x136: {  	p3 =	seq.s32 s29, $0x1  }
.Ltmp16:
0x137: {  	_ = 	snop;
	(pc) =	sbr.rel @p3 .LBB2_32-.Ltmp16, $1  }
0x138: {  	_ =	sdelay $0x3  }
0x139: {  	p3 =	seq.s32 s29, $0x2  }
.Ltmp17:
0x13a: {  	_ = 	snop;
	(pc) =	sbr.rel @!p3 .LBB2_40-.Ltmp17, $1  }
0x13b: {  	_ =	sdelay $0x3  }
.Ltmp18:
0x13c: {  	(pc) =	sbr.rel .LBB2_39-.Ltmp18, $2  }
0x13d: {  	_ =	sdelay $0x2  }
0x13e: {  	s29 =	simm.s32 $0x3  }
.LBB2_23:
0x13f: {  	p3 =	sgt.s32 s29, $0x8  }
.Ltmp19:
0x140: {  	_ = 	snop;
	(pc) =	sbr.rel @p3 .LBB2_28-.Ltmp19, $1  }
0x141: {  	_ =	sdelay $0x3  }
0x142: {  	p3 =	seq.s32 s29, $0x6  }
.Ltmp20:
0x143: {  	_ = 	snop;
	(pc) =	sbr.rel @p3 .LBB2_35-.Ltmp20, $1  }
0x144: {  	_ =	sdelay $0x3  }
0x145: {  	p3 =	seq.s32 s29, $0x7  }
.Ltmp21:
0x146: {  	_ = 	snop;
	(pc) =	sbr.rel @p3 .LBB2_36-.Ltmp21, $1  }
0x147: {  	_ =	sdelay $0x3  }
0x148: {  	p3 =	seq.s32 s29, $0x8  }
.Ltmp22:
0x149: {  	_ = 	snop;
	(pc) =	sbr.rel @!p3 .LBB2_40-.Ltmp22, $1  }
0x14a: {  	_ =	sdelay $0x3  }
.Ltmp23:
0x14b: {  	(pc) =	sbr.rel .LBB2_39-.Ltmp23, $2  }
0x14c: {  	_ =	sdelay $0x2  }
0x14d: {  	s29 =	simm.s32 $0x9  }
.LBB2_19:
0x14e: {  	p3 =	seq.s32 s29, $0x3  }
.Ltmp24:
0x14f: {  	_ = 	snop;
	(pc) =	sbr.rel @p3 .LBB2_33-.Ltmp24, $1  }
0x150: {  	_ =	sdelay $0x3  }
0x151: {  	p3 =	seq.s32 s29, $0x4  }
.Ltmp25:
0x152: {  	_ = 	snop;
	(pc) =	sbr.rel @p3 .LBB2_34-.Ltmp25, $1  }
0x153: {  	_ =	sdelay $0x3  }
0x154: {  	p3 =	seq.s32 s29, $0x5  }
.Ltmp26:
0x155: {  	_ = 	snop;
	(pc) =	sbr.rel @!p3 .LBB2_40-.Ltmp26, $1  }
0x156: {  	_ =	sdelay $0x3  }
.Ltmp27:
0x157: {  	(pc) =	sbr.rel .LBB2_39-.Ltmp27, $2  }
0x158: {  	_ =	sdelay $0x2  }
0x159: {  	s29 =	simm.s32 $0x6  }
.LBB2_28:
0x15a: {  	p3 =	seq.s32 s29, $0x9  }
.Ltmp28:
0x15b: {  	_ = 	snop;
	(pc) =	sbr.rel @p3 .LBB2_37-.Ltmp28, $1  }
0x15c: {  	_ =	sdelay $0x3  }
0x15d: {  	p3 =	seq.s32 s29, $0xA  }
.Ltmp29:
0x15e: {  	_ = 	snop;
	(pc) =	sbr.rel @p3 .LBB2_38-.Ltmp29, $1  }
0x15f: {  	_ =	sdelay $0x3  }
0x160: {  	p3 =	seq.s32 s29, $0xB  }
.Ltmp30:
0x161: {  	_ = 	snop;
	(pc) =	sbr.rel @!p3 .LBB2_40-.Ltmp30, $1  }
0x162: {  	_ =	sdelay $0x3  }
.Ltmp31:
0x163: {  	(pc) =	sbr.rel .LBB2_39-.Ltmp31, $2  }
0x164: {  	_ =	sdelay $0x2  }
0x165: {  	s29 =	simm.s32 $0xC  }
.LBB2_15:
.Ltmp32:
0x166: {  	(pc) =	sbr.rel .LBB2_39-.Ltmp32, $2  }
0x167: {  	_ =	sdelay $0x2  }
0x168: {  	s29 =	simm.s32 $0x1  }
.LBB2_35:
.Ltmp33:
0x169: {  	(pc) =	sbr.rel .LBB2_39-.Ltmp33, $2  }
0x16a: {  	_ =	sdelay $0x2  }
0x16b: {  	s29 =	simm.s32 $0x7  }
.LBB2_33:
.Ltmp34:
0x16c: {  	(pc) =	sbr.rel .LBB2_39-.Ltmp34, $2  }
0x16d: {  	_ =	sdelay $0x2  }
0x16e: {  	s29 =	simm.s32 $0x4  }
.LBB2_37:
.Ltmp35:
0x16f: {  	(pc) =	sbr.rel .LBB2_39-.Ltmp35, $2  }
0x170: {  	_ =	sdelay $0x2  }
0x171: {  	s29 =	simm.s32 $0xA  }
.LBB2_32:
.Ltmp36:
0x172: {  	(pc) =	sbr.rel .LBB2_39-.Ltmp36, $2  }
0x173: {  	_ =	sdelay $0x2  }
0x174: {  	s29 =	simm.s32 $0x2  }
.LBB2_36:
.Ltmp37:
0x175: {  	(pc) =	sbr.rel .LBB2_39-.Ltmp37, $2  }
0x176: {  	_ =	sdelay $0x2  }
0x177: {  	s29 =	simm.s32 $0x8  }
.LBB2_34:
.Ltmp38:
0x178: {  	(pc) =	sbr.rel .LBB2_39-.Ltmp38, $2  }
0x179: {  	_ =	sdelay $0x2  }
0x17a: {  	s29 =	simm.s32 $0x5  }
.LBB2_38:
0x17b: {  	s29 =	simm.s32 $0xB  }
.LBB2_39:
0x17c: {  	_ =	swait.ge [sflag:s29], $0x2000  }
0x17d: {  	[sflag:s29] =	ssyncset.done $0x0  }
0x17e: {  	[sflag:s29] =	ssyncadd.s32 $0xFFFFE000  }
0x17f: {  	_ =	swait.ge [sflag:s29], $0x80  }
0x180: {  	[sflag:s29] =	ssyncset.done $0x0  }
0x181: {  	[sflag:s29] =	ssyncadd.s32 $0xFFFFFF80  }
.LBB2_40:
0x182: {  	p3 =	slt.u32 s23, $0xF  }
.Ltmp39:
0x183: {  	_ = 	snop;
	(pc) =	sbr.rel @p3 .LBB2_42-.Ltmp39, $2  }
0x184: {  	_ =	sdelay $0x2  }
0x185: {  	s29 =	sadd.s32 $0xFFFFFFF5, s23  }
0x186: {  	s29 =	sand.u32 $0x3, s29  }
0x187: {  	p3 =	sgt.s32 s29, $0x1  }
0x188: {  	p4 =	seq.s32 @p3 s29, $0x2  }
0x189: {  	p5 =	seq.s32 @!p3 s29, $0x0;
	p4 =	por !p4, !p3  }
0x18a: {  	s30 =	simm.s32 $0xD;
	p5 =	por !p5, p3;
	s31 =	simm.s32 @!p4 $0xF  }
.Ltmp40:
0x18b: {  	s30 =	simm.s32 @p5 $0xE;
	s31 =	simm.s32 @p4 $0x10;
	(pc) =	sbr.rel .LBB2_42-.Ltmp40, $4  }
0x18c: {  	s30 =	smov.u32 @p3 s31  }
0x18d: {  	_ =	swait.ge [sflag:s30], $0x80  }
0x18e: {  	[sflag:s30] =	ssyncset.done $0x0  }
0x18f: {  	[sflag:s30] =	ssyncadd.s32 $0xFFFFFF80  }
.LBB2_45:
0x190: {  	_ =	sfence.sel $0x180000  }
0x191: {  	[bflag:$0x0] =	sbarrier.arrive $0xFFFF  }
0x192: {  	_ =	strace $0x90000047  }
0x193: {  	s0 =	stileid.u32;
	[bflag:$0x2] =	sbarrier.arrive $0xFFFF  }
0x194: {  	p0 =	sne.s32 s0, $0x0;
	s0 =	rddreg [dreg:$0x3]  }
0x195: {  	s0 =	sadd.s32 @!p0 $0x100000, s0  }
0x196: {  	[sflag:s0] =	ssyncadd.tile.s32 @!p0 $0x1;
	_ =	shalt  }
.Lfunc_end2:
_tile_overlayer_lowered:
.L_overlay_start_2:
0x197: {  	(tag) =	ssettag $0x2  }
0x198: {  	s0 =	rddreg [dreg:$0x0];
	s2 =	stileid.u32  }
0x199: {  	s1 =	rddreg [dreg:$0x1];
	p0 =	sne.s32 s2, $0x0  }
0x19a: {  	s3 =	rddreg [dreg:$0x2];
	[bflag:$0x3] =	sbarrier.arrive $0xFFFF;
	s2 =	simm.s32 @!p0 $0x1C11  }
0x19b: {  	[timem:s3], [sflag:s2] =	dma.local @!p0 [hbm:s0], s1  }
0x19c: {  	s0 =	simm.s32 @!p0 $0x11  }
0x19d: {  	_ =	swait.ge @!p0 [sflag:s0], s1  }
0x19e: {  	s1 =	ssub.s32 @!p0 $0x0, s1;
	[sflag:s0] =	ssyncset.done @!p0 $0x0  }
0x19f: {  	[sflag:s0] =	ssyncadd.s32 @!p0 s1  }
0x1a0: {  	[bflag:$0x3] =	sbarrier.arrive $0xFFFF  }
0x1a1: {  	_ =	shalt  }

</sc_bundles>
